<compile_context>
chip_gen: v7x
topology: tpu7x:2x2x1
jax: 0.10.2.dev20260603
libtpu: 0.0.44.dev20260713+nightly
codegen_flags: <defaults>
</compile_context>

<pallas_src>
import functools

import jax
import jax.numpy as jnp
from jax import lax
from jax.experimental import pallas as pl
from jax.experimental.pallas import tpu as pltpu
from jax.experimental.pallas import tpu_sc as plsc

N = 10000
D = 128
E = 320000
NPAD = 10240
HR = NPAD // 128
NS = 16
EPT = E // NS
CH = 112
CPT = 180
SPT = CPT * CH
PADE = NS * SPT - E
TRASH = N

_mesh = plsc.VectorSubcoreMesh(core_axis_name="c", subcore_axis_name="s")
_sc_params = pltpu.CompilerParams(needs_layout_passes=False)


@functools.partial(
    pl.kernel,
    out_type=jax.ShapeDtypeStruct((2 * 2 * HR, 128), jnp.float32),
    mesh=_mesh,
    scratch_types=[
        pltpu.VMEM((EPT,), jnp.int32),
        pltpu.VMEM((EPT,), jnp.int32),
        pltpu.VMEM((2 * HR, 128), jnp.float32),
        pltpu.VMEM((HR,), jnp.int32),
        pltpu.VMEM((HR,), jnp.int32),
        pltpu.VMEM_SHARED((2 * HR, 128), jnp.float32),
    ],
    compiler_params=_sc_params,
)
def _deg_kernel(edges_hbm, out_hbm, sidx, didx, hist, rs, rd, shist):
    c = lax.axis_index("c")
    s = lax.axis_index("s")
    zero16 = jnp.zeros((16,), jnp.float32)

    def zbody(i, _):
        for k in range(8):
            hist[i, pl.ds(k * 16, 16)] = zero16
        return 0
    lax.fori_loop(0, 2 * HR, zbody, 0)

    iota = lax.iota(jnp.int32, 16)
    for j in range(HR // 16):
        rs[pl.ds(j * 16, 16)] = iota + (j * 16)
        rd[pl.ds(j * 16, 16)] = iota + (HR + j * 16)

    @pl.when(s == 0)
    def _():
        pltpu.sync_copy(hist, shist)

    sbase = (2 * c) * E + s * EPT
    dbase = (2 * c + 1) * E + s * EPT
    pltpu.sync_copy(edges_hbm.at[pl.ds(sbase, EPT)], sidx)
    pltpu.sync_copy(edges_hbm.at[pl.ds(dbase, EPT)], didx)

    ones = jnp.ones((16,), jnp.float32)

    def count(idx_ref, row_off):
        def body(i, _):
            for k in range(4):
                v = idx_ref[pl.ds(i * 64 + k * 16, 16)]
                r = lax.shift_right_logical(v, 7) + row_off
                col = jnp.bitwise_and(v, 127)
                plsc.addupdate_scatter(hist, [r, col], ones)
            return 0
        lax.fori_loop(0, EPT // 64, body, 0)

    count(sidx, 0)
    count(didx, HR)
    plsc.subcore_barrier()
    pltpu.sync_copy(hist.at[pl.ds(0, HR)], shist.at[rs], add=True)
    pltpu.sync_copy(hist.at[pl.ds(HR, HR)], shist.at[rd], add=True)
    plsc.subcore_barrier()

    @pl.when(s < 10)
    def _():
        pltpu.sync_copy(shist.at[pl.ds(s * 16, 16)],
                        out_hbm.at[pl.ds(c * (2 * HR) + s * 16, 16)])


@functools.partial(
    pl.kernel,
    out_type=jax.ShapeDtypeStruct((2 * N, 128), jnp.float32),
    mesh=_mesh,
    scratch_types=[
        [pltpu.VMEM((CH,), jnp.int32)] * 6,
        [pltpu.VMEM((CH,), jnp.int32)] * 6,
        [pltpu.VMEM((CH, 128), jnp.float32)] * 3,
        pltpu.VMEM((16, 128), jnp.float32),
        pltpu.VMEM_SHARED((N + 32, 128), jnp.float32),
        [pltpu.SemaphoreType.DMA] * 6,
        [pltpu.SemaphoreType.DMA] * 3,
    ],
    compiler_params=_sc_params,
)
def _agg_kernel(src_hbm, dst_hbm, msg_hbm, out_hbm,
                sidx, didx, rows, zbuf, agg, sem_i, sem_g):
    c = lax.axis_index("c")
    s = lax.axis_index("s")

    ebase = (c * NS + s) * SPT

    def start_idx(k, p):
        off = ebase + k * CH
        pltpu.async_copy(src_hbm.at[pl.ds(off, CH)], sidx[p], sem_i[p])
        pltpu.async_copy(dst_hbm.at[pl.ds(off, CH)], didx[p], sem_i[p])

    def wait_idx(p):
        pltpu.make_async_copy(src_hbm.at[pl.ds(0, CH)], sidx[p], sem_i[p]).wait()
        pltpu.make_async_copy(dst_hbm.at[pl.ds(0, CH)], didx[p], sem_i[p]).wait()

    def sg(p, b):
        pltpu.async_copy(msg_hbm.at[sidx[p]], rows[b], sem_g[b])

    def wg(b):
        pltpu.make_async_copy(msg_hbm.at[sidx[0]], rows[b], sem_g[b]).wait()

    def ssync(p, b):
        pltpu.sync_copy(rows[b], agg.at[didx[p]], add=True)

    for p in range(6):
        start_idx(p, p)

    zero16 = jnp.zeros((16,), jnp.float32)
    for r in range(16):
        for k in range(8):
            zbuf[r, pl.ds(k * 16, 16)] = zero16

    rpt = 624
    zb_base = s * rpt

    def zb(i, _):
        pltpu.sync_copy(zbuf, agg.at[pl.ds(zb_base + i * 16, 16)])
        return 0
    lax.fori_loop(0, rpt // 16, zb, 0)

    @pl.when(s == 0)
    def _():
        pltpu.sync_copy(zbuf, agg.at[pl.ds(NS * rpt, 16)])
    plsc.subcore_barrier()

    wait_idx(0)
    sg(0, 0)
    wait_idx(1)
    sg(1, 1)

    NJ = CPT // 6
    def pipe(j, _):
        k = 6 * j
        for m in range(6):
            pg = (m + 2) % 6
            if m < 4:
                wait_idx(pg)
                sg(pg, (m + 2) % 3)
            else:
                @pl.when(j < NJ - 1)
                def _(pg=pg, m=m):
                    wait_idx(pg)
                    sg(pg, (m + 2) % 3)
            wg(m % 3)
            ssync(m, m % 3)

            @pl.when(j < NJ - 1)
            def _(m=m):
                start_idx(k + m + 6, m)
        return 0
    lax.fori_loop(0, NJ, pipe, 0)

    plsc.subcore_barrier()
    pltpu.sync_copy(agg.at[pl.ds(s * rpt, rpt)],
                    out_hbm.at[pl.ds(c * N + s * rpt, rpt)])

    @pl.when(s == 0)
    def _():
        pltpu.sync_copy(agg.at[pl.ds(NS * rpt, 16)],
                        out_hbm.at[pl.ds(c * N + NS * rpt, 16)])


def _norm(deg):
    return jnp.where(deg > 0, lax.rsqrt(jnp.maximum(deg, 1e-12)), 0.0)


def _msg_body(x_ref, degs_ref, out_ref):
    x = x_ref[...]
    for m in range(2):
        norm = _norm(degs_ref[m, 0, :])
        out_ref[m] = x * norm[:N, None]


def _stats_body(agg_ref, degs_ref, w1_ref, b1_ref, w2t_ref, beta_ref):
    acc = []
    for m in range(2):
        norm = _norm(degs_ref[m, 1, :])
        h = agg_ref[m] * norm[:N, None]
        t = jnp.tanh(
            jnp.dot(h, w1_ref[...], preferred_element_type=jnp.float32)
            + b1_ref[...][None, :])
        acc.append(jnp.sum(t * w2t_ref[...]) / N)
    w0, w1 = acc
    mx = jnp.maximum(w0, w1)
    e0 = jnp.exp(w0 - mx)
    e1 = jnp.exp(w1 - mx)
    beta_ref[0] = e0 / (e0 + e1)
    beta_ref[1] = e1 / (e0 + e1)


def _comb_body(agg_ref, degs_ref, beta_ref, out_ref):
    acc = None
    for m in range(2):
        norm = _norm(degs_ref[m, 1, :])
        term = (agg_ref[m] * norm[:N, None]) * beta_ref[m]
        acc = term if acc is None else acc + term
    out_ref[...] = acc


def kernel(x, edge_index_0, edge_index_1, W1, b1, W2):
    edges = jnp.concatenate(
        [edge_index_0[0], edge_index_0[1], edge_index_1[0], edge_index_1[1]])
    ar = jnp.arange(PADE, dtype=jnp.int32)
    pad_src = ar % N
    pad_dst = TRASH + (ar % 128)
    src_agg = jnp.concatenate(
        [edge_index_0[0], pad_src, edge_index_1[0] + N, pad_src + N])
    dst_agg = jnp.concatenate(
        [edge_index_0[1], pad_dst, edge_index_1[1], pad_dst])
    degs = _deg_kernel(edges).reshape(2, 2, NPAD)
    msg = pl.pallas_call(
        _msg_body,
        out_shape=jax.ShapeDtypeStruct((2, N, D), jnp.float32),
    )(x, degs)
    agg = _agg_kernel(src_agg, dst_agg, msg.reshape(2 * N, D)).reshape(2, N, D)
    beta = pl.pallas_call(
        _stats_body,
        out_shape=jax.ShapeDtypeStruct((2,), jnp.float32),
        out_specs=pl.BlockSpec(memory_space=pltpu.SMEM),
    )(agg, degs, W1, b1, W2.T)
    out = pl.pallas_call(
        _comb_body,
        in_specs=[
            pl.BlockSpec(memory_space=pltpu.VMEM),
            pl.BlockSpec(memory_space=pltpu.VMEM),
            pl.BlockSpec(memory_space=pltpu.SMEM),
        ],
        out_shape=jax.ShapeDtypeStruct((N, D), jnp.float32),
    )(agg, degs, beta)
    return out

# --- scband reference (transcript-rebuilt; emitter-appended) ---
"""Pipeline reference for scband-hdcl-33492154974555 (READ-ONLY COPY).

The authoritative reference and input builder live on the scoring server;
editing this copy changes nothing except your own understanding.
"""

import jax, jax.numpy as jnp
import numpy as np

N_NODES = 10000
D = 128
E = 320000


def _graph_conv(x, src, dst, n):
    # DGL GraphConv with norm='both', weight=None, bias=None, allow_zero_in_degree=True:
    # h_out = D_in^{-1/2} * A * D_out^{-1/2} * x
    deg_src = jnp.zeros((n,), x.dtype).at[src].add(1.0)
    deg_dst = jnp.zeros((n,), x.dtype).at[dst].add(1.0)
    norm_src = jnp.where(deg_src > 0, jax.lax.rsqrt(jnp.maximum(deg_src, 1e-12)), 0.0)
    norm_dst = jnp.where(deg_dst > 0, jax.lax.rsqrt(jnp.maximum(deg_dst, 1e-12)), 0.0)
    msg = x * norm_src[:, None]
    gathered = jnp.take(msg, src, axis=0)
    agg = jnp.zeros_like(x).at[dst].add(gathered)
    return agg * norm_dst[:, None]


def setup_inputs(seed: int = 0):
    key = jax.random.key(seed)
    k1, k2, k3, k4, k5, k6 = jax.random.split(key, 6)
    x = jax.random.normal(k1, (N_NODES, D), dtype=jnp.float32)
    edge_index_0 = jax.random.randint(k2, (2, E), 0, N_NODES, dtype=jnp.int32)
    edge_index_1 = jax.random.randint(k3, (2, E), 0, N_NODES, dtype=jnp.int32)
    # SemanticAttention params: Linear(D, 128) + Tanh + Linear(128, 1, bias=False)
    W1 = jax.random.normal(k4, (D, 128), dtype=jnp.float32) * 0.05
    b1 = jnp.zeros((128,), dtype=jnp.float32)
    W2 = jax.random.normal(k5, (128, 1), dtype=jnp.float32) * 0.05
    return {"x": x, "edge_index_0": edge_index_0, "edge_index_1": edge_index_1,
            "W1": W1, "b1": b1, "W2": W2}


def reference(x, edge_index_0, edge_index_1, W1, b1, W2):
    n = x.shape[0]
    # One GraphConv per metapath pattern (HANLayer.gat_layers)
    h0 = _graph_conv(x, edge_index_0[0], edge_index_0[1], n)
    h1 = _graph_conv(x, edge_index_1[0], edge_index_1[1], n)
    # stack semantic embeddings: (N, M, D)
    z = jnp.stack([h0, h1], axis=1)
    # SemanticAttention.forward
    w = jnp.tanh(z @ W1 + b1) @ W2   # (N, M, 1)
    w = w.mean(axis=0)               # (M, 1)
    beta = jax.nn.softmax(w, axis=0) # (M, 1)
    out = (beta[None, :, :] * z).sum(axis=1)  # (N, D)
    return out

if __name__ == "__main__":
    import jax
    _d = setup_inputs()
    print(jax.jit(kernel)(*tuple(_d.values())))

</pallas_src>

<mosaic_0001>
#map = affine_map<(d0, d1) -> (0)>
#map1 = affine_map<(d0, d1) -> (0, 0)>
module attributes {stable_mosaic.version = 14 : i64} {
  func.func @_agg_kernel(%arg0: i32, %arg1: i32, %arg2: memref<645120xi32, #tpu.memory_space<hbm>>, %arg3: memref<645120xi32, #tpu.memory_space<hbm>>, %arg4: memref<20000x128xf32, #tpu.memory_space<hbm>>, %arg5: memref<20000x128xf32, #tpu.memory_space<hbm>>, %arg6: memref<112xi32, #tpu.memory_space<vmem>>, %arg7: memref<112xi32, #tpu.memory_space<vmem>>, %arg8: memref<112xi32, #tpu.memory_space<vmem>>, %arg9: memref<112xi32, #tpu.memory_space<vmem>>, %arg10: memref<112xi32, #tpu.memory_space<vmem>>, %arg11: memref<112xi32, #tpu.memory_space<vmem>>, %arg12: memref<112xi32, #tpu.memory_space<vmem>>, %arg13: memref<112xi32, #tpu.memory_space<vmem>>, %arg14: memref<112xi32, #tpu.memory_space<vmem>>, %arg15: memref<112xi32, #tpu.memory_space<vmem>>, %arg16: memref<112xi32, #tpu.memory_space<vmem>>, %arg17: memref<112xi32, #tpu.memory_space<vmem>>, %arg18: memref<112x128xf32, #tpu.memory_space<vmem>>, %arg19: memref<112x128xf32, #tpu.memory_space<vmem>>, %arg20: memref<112x128xf32, #tpu.memory_space<vmem>>, %arg21: memref<16x128xf32, #tpu.memory_space<vmem>>, %arg22: memref<10032x128xf32, #tpu.memory_space<vmem_shared>>, %arg23: memref<!tpu.dma_semaphore, #tpu.memory_space<semaphore_mem>>, %arg24: memref<!tpu.dma_semaphore, #tpu.memory_space<semaphore_mem>>, %arg25: memref<!tpu.dma_semaphore, #tpu.memory_space<semaphore_mem>>, %arg26: memref<!tpu.dma_semaphore, #tpu.memory_space<semaphore_mem>>, %arg27: memref<!tpu.dma_semaphore, #tpu.memory_space<semaphore_mem>>, %arg28: memref<!tpu.dma_semaphore, #tpu.memory_space<semaphore_mem>>, %arg29: memref<!tpu.dma_semaphore, #tpu.memory_space<semaphore_mem>>, %arg30: memref<!tpu.dma_semaphore, #tpu.memory_space<semaphore_mem>>, %arg31: memref<!tpu.dma_semaphore, #tpu.memory_space<semaphore_mem>>) attributes {dimension_semantics = [#tpu.dimension_semantics<core_parallel>, #tpu.dimension_semantics<subcore_parallel>], iteration_bounds = array<i64: 2, 16>, scalar_prefetch = 0 : i64, scratch_operands = 26 : i64, tpu.core_type = #tpu.core_type<sc_vector_subcore>, window_params = [{transform_indices = #map}, {transform_indices = #map}, {transform_indices = #map1}, {transform_indices = #map1}]} {
    %mul3A = arith.constant 16 : i32
    %mul3A_0 = arith.muli %arg0, %mul3A : i32
    %add3A = arith.addi %mul3A_0, %arg1 : i32
    %mul3A_1 = arith.constant 20160 : i32
    %mul3A_2 = arith.muli %add3A, %mul3A_1 : i32
    %add3A_3 = arith.constant 0 : i32
    %add3A_4 = arith.addi %mul3A_2, %add3A_3 : i32
    %dma_start3A = tpu.memref_slice %arg2[%add3A_4] : memref<645120xi32, #tpu.memory_space<hbm>> -> memref<112xi32, #tpu.memory_space<hbm>>
    %dma_start3A_5 = tpu.memref_slice %arg2[%add3A_4] : memref<645120xi32, #tpu.memory_space<hbm>> -> memref<112xi32, #tpu.memory_space<hbm>>
    tpu.enqueue_dma source(%dma_start3A_5 : memref<112xi32, #tpu.memory_space<hbm>>) target(%arg6 : memref<112xi32, #tpu.memory_space<vmem>>) target_semaphore(%arg23 : memref<!tpu.dma_semaphore, #tpu.memory_space<semaphore_mem>>)
    %dma_start3A_6 = tpu.memref_slice %arg3[%add3A_4] : memref<645120xi32, #tpu.memory_space<hbm>> -> memref<112xi32, #tpu.memory_space<hbm>>
    %dma_start3A_7 = tpu.memref_slice %arg3[%add3A_4] : memref<645120xi32, #tpu.memory_space<hbm>> -> memref<112xi32, #tpu.memory_space<hbm>>
    tpu.enqueue_dma source(%dma_start3A_7 : memref<112xi32, #tpu.memory_space<hbm>>) target(%arg12 : memref<112xi32, #tpu.memory_space<vmem>>) target_semaphore(%arg23 : memref<!tpu.dma_semaphore, #tpu.memory_space<semaphore_mem>>)
    %add3A_8 = arith.constant 112 : i32
    %add3A_9 = arith.addi %mul3A_2, %add3A_8 : i32
    %dma_start3A_10 = tpu.memref_slice %arg2[%add3A_9] : memref<645120xi32, #tpu.memory_space<hbm>> -> memref<112xi32, #tpu.memory_space<hbm>>
    %dma_start3A_11 = tpu.memref_slice %arg2[%add3A_9] : memref<645120xi32, #tpu.memory_space<hbm>> -> memref<112xi32, #tpu.memory_space<hbm>>
    tpu.enqueue_dma source(%dma_start3A_11 : memref<112xi32, #tpu.memory_space<hbm>>) target(%arg7 : memref<112xi32, #tpu.memory_space<vmem>>) target_semaphore(%arg24 : memref<!tpu.dma_semaphore, #tpu.memory_space<semaphore_mem>>)
    %dma_start3A_12 = tpu.memref_slice %arg3[%add3A_9] : memref<645120xi32, #tpu.memory_space<hbm>> -> memref<112xi32, #tpu.memory_space<hbm>>
    %dma_start3A_13 = tpu.memref_slice %arg3[%add3A_9] : memref<645120xi32, #tpu.memory_space<hbm>> -> memref<112xi32, #tpu.memory_space<hbm>>
    tpu.enqueue_dma source(%dma_start3A_13 : memref<112xi32, #tpu.memory_space<hbm>>) target(%arg13 : memref<112xi32, #tpu.memory_space<vmem>>) target_semaphore(%arg24 : memref<!tpu.dma_semaphore, #tpu.memory_space<semaphore_mem>>)
    %add3A_14 = arith.constant 224 : i32
    %add3A_15 = arith.addi %mul3A_2, %add3A_14 : i32
    %dma_start3A_16 = tpu.memref_slice %arg2[%add3A_15] : memref<645120xi32, #tpu.memory_space<hbm>> -> memref<112xi32, #tpu.memory_space<hbm>>
    %dma_start3A_17 = tpu.memref_slice %arg2[%add3A_15] : memref<645120xi32, #tpu.memory_space<hbm>> -> memref<112xi32, #tpu.memory_space<hbm>>
    tpu.enqueue_dma source(%dma_start3A_17 : memref<112xi32, #tpu.memory_space<hbm>>) target(%arg8 : memref<112xi32, #tpu.memory_space<vmem>>) target_semaphore(%arg25 : memref<!tpu.dma_semaphore, #tpu.memory_space<semaphore_mem>>)
    %dma_start3A_18 = tpu.memref_slice %arg3[%add3A_15] : memref<645120xi32, #tpu.memory_space<hbm>> -> memref<112xi32, #tpu.memory_space<hbm>>
    %dma_start3A_19 = tpu.memref_slice %arg3[%add3A_15] : memref<645120xi32, #tpu.memory_space<hbm>> -> memref<112xi32, #tpu.memory_space<hbm>>
    tpu.enqueue_dma source(%dma_start3A_19 : memref<112xi32, #tpu.memory_space<hbm>>) target(%arg14 : memref<112xi32, #tpu.memory_space<vmem>>) target_semaphore(%arg25 : memref<!tpu.dma_semaphore, #tpu.memory_space<semaphore_mem>>)
    %add3A_20 = arith.constant 336 : i32
    %add3A_21 = arith.addi %mul3A_2, %add3A_20 : i32
    %dma_start3A_22 = tpu.memref_slice %arg2[%add3A_21] : memref<645120xi32, #tpu.memory_space<hbm>> -> memref<112xi32, #tpu.memory_space<hbm>>
    %dma_start3A_23 = tpu.memref_slice %arg2[%add3A_21] : memref<645120xi32, #tpu.memory_space<hbm>> -> memref<112xi32, #tpu.memory_space<hbm>>
    tpu.enqueue_dma source(%dma_start3A_23 : memref<112xi32, #tpu.memory_space<hbm>>) target(%arg9 : memref<112xi32, #tpu.memory_space<vmem>>) target_semaphore(%arg26 : memref<!tpu.dma_semaphore, #tpu.memory_space<semaphore_mem>>)
    %dma_start3A_24 = tpu.memref_slice %arg3[%add3A_21] : memref<645120xi32, #tpu.memory_space<hbm>> -> memref<112xi32, #tpu.memory_space<hbm>>
    %dma_start3A_25 = tpu.memref_slice %arg3[%add3A_21] : memref<645120xi32, #tpu.memory_space<hbm>> -> memref<112xi32, #tpu.memory_space<hbm>>
    tpu.enqueue_dma source(%dma_start3A_25 : memref<112xi32, #tpu.memory_space<hbm>>) target(%arg15 : memref<112xi32, #tpu.memory_space<vmem>>) target_semaphore(%arg26 : memref<!tpu.dma_semaphore, #tpu.memory_space<semaphore_mem>>)
    %add3A_26 = arith.constant 448 : i32
    %add3A_27 = arith.addi %mul3A_2, %add3A_26 : i32
    %dma_start3A_28 = tpu.memref_slice %arg2[%add3A_27] : memref<645120xi32, #tpu.memory_space<hbm>> -> memref<112xi32, #tpu.memory_space<hbm>>
    %dma_start3A_29 = tpu.memref_slice %arg2[%add3A_27] : memref<645120xi32, #tpu.memory_space<hbm>> -> memref<112xi32, #tpu.memory_space<hbm>>
    tpu.enqueue_dma source(%dma_start3A_29 : memref<112xi32, #tpu.memory_space<hbm>>) target(%arg10 : memref<112xi32, #tpu.memory_space<vmem>>) target_semaphore(%arg27 : memref<!tpu.dma_semaphore, #tpu.memory_space<semaphore_mem>>)
    %dma_start3A_30 = tpu.memref_slice %arg3[%add3A_27] : memref<645120xi32, #tpu.memory_space<hbm>> -> memref<112xi32, #tpu.memory_space<hbm>>
    %dma_start3A_31 = tpu.memref_slice %arg3[%add3A_27] : memref<645120xi32, #tpu.memory_space<hbm>> -> memref<112xi32, #tpu.memory_space<hbm>>
    tpu.enqueue_dma source(%dma_start3A_31 : memref<112xi32, #tpu.memory_space<hbm>>) target(%arg16 : memref<112xi32, #tpu.memory_space<vmem>>) target_semaphore(%arg27 : memref<!tpu.dma_semaphore, #tpu.memory_space<semaphore_mem>>)
    %add3A_32 = arith.constant 560 : i32
    %add3A_33 = arith.addi %mul3A_2, %add3A_32 : i32
    %dma_start3A_34 = tpu.memref_slice %arg2[%add3A_33] : memref<645120xi32, #tpu.memory_space<hbm>> -> memref<112xi32, #tpu.memory_space<hbm>>
    %dma_start3A_35 = tpu.memref_slice %arg2[%add3A_33] : memref<645120xi32, #tpu.memory_space<hbm>> -> memref<112xi32, #tpu.memory_space<hbm>>
    tpu.enqueue_dma source(%dma_start3A_35 : memref<112xi32, #tpu.memory_space<hbm>>) target(%arg11 : memref<112xi32, #tpu.memory_space<vmem>>) target_semaphore(%arg28 : memref<!tpu.dma_semaphore, #tpu.memory_space<semaphore_mem>>)
    %dma_start3A_36 = tpu.memref_slice %arg3[%add3A_33] : memref<645120xi32, #tpu.memory_space<hbm>> -> memref<112xi32, #tpu.memory_space<hbm>>
    %dma_start3A_37 = tpu.memref_slice %arg3[%add3A_33] : memref<645120xi32, #tpu.memory_space<hbm>> -> memref<112xi32, #tpu.memory_space<hbm>>
    tpu.enqueue_dma source(%dma_start3A_37 : memref<112xi32, #tpu.memory_space<hbm>>) target(%arg17 : memref<112xi32, #tpu.memory_space<vmem>>) target_semaphore(%arg28 : memref<!tpu.dma_semaphore, #tpu.memory_space<semaphore_mem>>)
    %broadcast_in_dim3A = arith.constant 0.000000e+00 : f32
    %broadcast_in_dim3A_38 = vector.broadcast %broadcast_in_dim3A : f32 to vector<16xf32>
    %swap3A = arith.constant 0 : i32
    %swap3A_39 = arith.index_cast %swap3A : i32 to index
    %swap3A_40 = arith.constant 0 : index
    %swap3A_41 = tpu.vector_load %arg21[%swap3A_39, %swap3A_40] {strides = array<i32>} : memref<16x128xf32, #tpu.memory_space<vmem>>, vector<16xf32>,
    tpu.vector_store %arg21[%swap3A_39, %swap3A_40], %broadcast_in_dim3A_38 {strides = array<i32>} : memref<16x128xf32, #tpu.memory_space<vmem>>, vector<16xf32>,
    %swap3A_42 = arith.constant 0 : i32
    %swap3A_43 = arith.index_cast %swap3A_42 : i32 to index
    %swap3A_44 = arith.constant 16 : index
    %swap3A_45 = tpu.vector_load %arg21[%swap3A_43, %swap3A_44] {strides = array<i32>} : memref<16x128xf32, #tpu.memory_space<vmem>>, vector<16xf32>,
    tpu.vector_store %arg21[%swap3A_43, %swap3A_44], %broadcast_in_dim3A_38 {strides = array<i32>} : memref<16x128xf32, #tpu.memory_space<vmem>>, vector<16xf32>,
    %swap3A_46 = arith.constant 0 : i32
    %swap3A_47 = arith.index_cast %swap3A_46 : i32 to index
    %swap3A_48 = arith.constant 32 : index
    %swap3A_49 = tpu.vector_load %arg21[%swap3A_47, %swap3A_48] {strides = array<i32>} : memref<16x128xf32, #tpu.memory_space<vmem>>, vector<16xf32>,
    tpu.vector_store %arg21[%swap3A_47, %swap3A_48], %broadcast_in_dim3A_38 {strides = array<i32>} : memref<16x128xf32, #tpu.memory_space<vmem>>, vector<16xf32>,
    %swap3A_50 = arith.constant 0 : i32
    %swap3A_51 = arith.index_cast %swap3A_50 : i32 to index
    %swap3A_52 = arith.constant 48 : index
    %swap3A_53 = tpu.vector_load %arg21[%swap3A_51, %swap3A_52] {strides = array<i32>} : memref<16x128xf32, #tpu.memory_space<vmem>>, vector<16xf32>,
    tpu.vector_store %arg21[%swap3A_51, %swap3A_52], %broadcast_in_dim3A_38 {strides = array<i32>} : memref<16x128xf32, #tpu.memory_space<vmem>>, vector<16xf32>,
    %swap3A_54 = arith.constant 0 : i32
    %swap3A_55 = arith.index_cast %swap3A_54 : i32 to index
    %swap3A_56 = arith.constant 64 : index
    %swap3A_57 = tpu.vector_load %arg21[%swap3A_55, %swap3A_56] {strides = array<i32>} : memref<16x128xf32, #tpu.memory_space<vmem>>, vector<16xf32>,
    tpu.vector_store %arg21[%swap3A_55, %swap3A_56], %broadcast_in_dim3A_38 {strides = array<i32>} : memref<16x128xf32, #tpu.memory_space<vmem>>, vector<16xf32>,
    %swap3A_58 = arith.constant 0 : i32
    %swap3A_59 = arith.index_cast %swap3A_58 : i32 to index
    %swap3A_60 = arith.constant 80 : index
    %swap3A_61 = tpu.vector_load %arg21[%swap3A_59, %swap3A_60] {strides = array<i32>} : memref<16x128xf32, #tpu.memory_space<vmem>>, vector<16xf32>,
    tpu.vector_store %arg21[%swap3A_59, %swap3A_60], %broadcast_in_dim3A_38 {strides = array<i32>} : memref<16x128xf32, #tpu.memory_space<vmem>>, vector<16xf32>,
    %swap3A_62 = arith.constant 0 : i32
    %swap3A_63 = arith.index_cast %swap3A_62 : i32 to index
    %swap3A_64 = arith.constant 96 : index
    %swap3A_65 = tpu.vector_load %arg21[%swap3A_63, %swap3A_64] {strides = array<i32>} : memref<16x128xf32, #tpu.memory_space<vmem>>, vector<16xf32>,
    tpu.vector_store %arg21[%swap3A_63, %swap3A_64], %broadcast_in_dim3A_38 {strides = array<i32>} : memref<16x128xf32, #tpu.memory_space<vmem>>, vector<16xf32>,
    %swap3A_66 = arith.constant 0 : i32
    %swap3A_67 = arith.index_cast %swap3A_66 : i32 to index
    %swap3A_68 = arith.constant 112 : index
    %swap3A_69 = tpu.vector_load %arg21[%swap3A_67, %swap3A_68] {strides = array<i32>} : memref<16x128xf32, #tpu.memory_space<vmem>>, vector<16xf32>,
    tpu.vector_store %arg21[%swap3A_67, %swap3A_68], %broadcast_in_dim3A_38 {strides = array<i32>} : memref<16x128xf32, #tpu.memory_space<vmem>>, vector<16xf32>,
    %swap3A_70 = arith.constant 1 : i32
    %swap3A_71 = arith.index_cast %swap3A_70 : i32 to index
    %swap3A_72 = arith.constant 0 : index
    %swap3A_73 = tpu.vector_load %arg21[%swap3A_71, %swap3A_72] {strides = array<i32>} : memref<16x128xf32, #tpu.memory_space<vmem>>, vector<16xf32>,
    tpu.vector_store %arg21[%swap3A_71, %swap3A_72], %broadcast_in_dim3A_38 {strides = array<i32>} : memref<16x128xf32, #tpu.memory_space<vmem>>, vector<16xf32>,
    %swap3A_74 = arith.constant 1 : i32
    %swap3A_75 = arith.index_cast %swap3A_74 : i32 to index
    %swap3A_76 = arith.constant 16 : index
    %swap3A_77 = tpu.vector_load %arg21[%swap3A_75, %swap3A_76] {strides = array<i32>} : memref<16x128xf32, #tpu.memory_space<vmem>>, vector<16xf32>,
    tpu.vector_store %arg21[%swap3A_75, %swap3A_76], %broadcast_in_dim3A_38 {strides = array<i32>} : memref<16x128xf32, #tpu.memory_space<vmem>>, vector<16xf32>,
    %swap3A_78 = arith.constant 1 : i32
    %swap3A_79 = arith.index_cast %swap3A_78 : i32 to index
    %swap3A_80 = arith.constant 32 : index
    %swap3A_81 = tpu.vector_load %arg21[%swap3A_79, %swap3A_80] {strides = array<i32>} : memref<16x128xf32, #tpu.memory_space<vmem>>, vector<16xf32>,
    tpu.vector_store %arg21[%swap3A_79, %swap3A_80], %broadcast_in_dim3A_38 {strides = array<i32>} : memref<16x128xf32, #tpu.memory_space<vmem>>, vector<16xf32>,
    %swap3A_82 = arith.constant 1 : i32
    %swap3A_83 = arith.index_cast %swap3A_82 : i32 to index
    %swap3A_84 = arith.constant 48 : index
    %swap3A_85 = tpu.vector_load %arg21[%swap3A_83, %swap3A_84] {strides = array<i32>} : memref<16x128xf32, #tpu.memory_space<vmem>>, vector<16xf32>,
    tpu.vector_store %arg21[%swap3A_83, %swap3A_84], %broadcast_in_dim3A_38 {strides = array<i32>} : memref<16x128xf32, #tpu.memory_space<vmem>>, vector<16xf32>,
    %swap3A_86 = arith.constant 1 : i32
    %swap3A_87 = arith.index_cast %swap3A_86 : i32 to index
    %swap3A_88 = arith.constant 64 : index
    %swap3A_89 = tpu.vector_load %arg21[%swap3A_87, %swap3A_88] {strides = array<i32>} : memref<16x128xf32, #tpu.memory_space<vmem>>, vector<16xf32>,
    tpu.vector_store %arg21[%swap3A_87, %swap3A_88], %broadcast_in_dim3A_38 {strides = array<i32>} : memref<16x128xf32, #tpu.memory_space<vmem>>, vector<16xf32>,
    %swap3A_90 = arith.constant 1 : i32
    %swap3A_91 = arith.index_cast %swap3A_90 : i32 to index
    %swap3A_92 = arith.constant 80 : index
    %swap3A_93 = tpu.vector_load %arg21[%swap3A_91, %swap3A_92] {strides = array<i32>} : memref<16x128xf32, #tpu.memory_space<vmem>>, vector<16xf32>,
    tpu.vector_store %arg21[%swap3A_91, %swap3A_92], %broadcast_in_dim3A_38 {strides = array<i32>} : memref<16x128xf32, #tpu.memory_space<vmem>>, vector<16xf32>,
    %swap3A_94 = arith.constant 1 : i32
    %swap3A_95 = arith.index_cast %swap3A_94 : i32 to index
    %swap3A_96 = arith.constant 96 : index
    %swap3A_97 = tpu.vector_load %arg21[%swap3A_95, %swap3A_96] {strides = array<i32>} : memref<16x128xf32, #tpu.memory_space<vmem>>, vector<16xf32>,
    tpu.vector_store %arg21[%swap3A_95, %swap3A_96], %broadcast_in_dim3A_38 {strides = array<i32>} : memref<16x128xf32, #tpu.memory_space<vmem>>, vector<16xf32>,
    %swap3A_98 = arith.constant 1 : i32
    %swap3A_99 = arith.index_cast %swap3A_98 : i32 to index
    %swap3A_100 = arith.constant 112 : index
    %swap3A_101 = tpu.vector_load %arg21[%swap3A_99, %swap3A_100] {strides = array<i32>} : memref<16x128xf32, #tpu.memory_space<vmem>>, vector<16xf32>,
    tpu.vector_store %arg21[%swap3A_99, %swap3A_100], %broadcast_in_dim3A_38 {strides = array<i32>} : memref<16x128xf32, #tpu.memory_space<vmem>>, vector<16xf32>,
    %swap3A_102 = arith.constant 2 : i32
    %swap3A_103 = arith.index_cast %swap3A_102 : i32 to index
    %swap3A_104 = arith.constant 0 : index
    %swap3A_105 = tpu.vector_load %arg21[%swap3A_103, %swap3A_104] {strides = array<i32>} : memref<16x128xf32, #tpu.memory_space<vmem>>, vector<16xf32>,
    tpu.vector_store %arg21[%swap3A_103, %swap3A_104], %broadcast_in_dim3A_38 {strides = array<i32>} : memref<16x128xf32, #tpu.memory_space<vmem>>, vector<16xf32>,
    %swap3A_106 = arith.constant 2 : i32
    %swap3A_107 = arith.index_cast %swap3A_106 : i32 to index
    %swap3A_108 = arith.constant 16 : index
    %swap3A_109 = tpu.vector_load %arg21[%swap3A_107, %swap3A_108] {strides = array<i32>} : memref<16x128xf32, #tpu.memory_space<vmem>>, vector<16xf32>,
    tpu.vector_store %arg21[%swap3A_107, %swap3A_108], %broadcast_in_dim3A_38 {strides = array<i32>} : memref<16x128xf32, #tpu.memory_space<vmem>>, vector<16xf32>,
    %swap3A_110 = arith.constant 2 : i32
    %swap3A_111 = arith.index_cast %swap3A_110 : i32 to index
    %swap3A_112 = arith.constant 32 : index
    %swap3A_113 = tpu.vector_load %arg21[%swap3A_111, %swap3A_112] {strides = array<i32>} : memref<16x128xf32, #tpu.memory_space<vmem>>, vector<16xf32>,
    tpu.vector_store %arg21[%swap3A_111, %swap3A_112], %broadcast_in_dim3A_38 {strides = array<i32>} : memref<16x128xf32, #tpu.memory_space<vmem>>, vector<16xf32>,
    %swap3A_114 = arith.constant 2 : i32
    %swap3A_115 = arith.index_cast %swap3A_114 : i32 to index
    %swap3A_116 = arith.constant 48 : index
    %swap3A_117 = tpu.vector_load %arg21[%swap3A_115, %swap3A_116] {strides = array<i32>} : memref<16x128xf32, #tpu.memory_space<vmem>>, vector<16xf32>,
    tpu.vector_store %arg21[%swap3A_115, %swap3A_116], %broadcast_in_dim3A_38 {strides = array<i32>} : memref<16x128xf32, #tpu.memory_space<vmem>>, vector<16xf32>,
    %swap3A_118 = arith.constant 2 : i32
    %swap3A_119 = arith.index_cast %swap3A_118 : i32 to index
    %swap3A_120 = arith.constant 64 : index
    %swap3A_121 = tpu.vector_load %arg21[%swap3A_119, %swap3A_120] {strides = array<i32>} : memref<16x128xf32, #tpu.memory_space<vmem>>, vector<16xf32>,
    tpu.vector_store %arg21[%swap3A_119, %swap3A_120], %broadcast_in_dim3A_38 {strides = array<i32>} : memref<16x128xf32, #tpu.memory_space<vmem>>, vector<16xf32>,
    %swap3A_122 = arith.constant 2 : i32
    %swap3A_123 = arith.index_cast %swap3A_122 : i32 to index
    %swap3A_124 = arith.constant 80 : index
    %swap3A_125 = tpu.vector_load %arg21[%swap3A_123, %swap3A_124] {strides = array<i32>} : memref<16x128xf32, #tpu.memory_space<vmem>>, vector<16xf32>,
    tpu.vector_store %arg21[%swap3A_123, %swap3A_124], %broadcast_in_dim3A_38 {strides = array<i32>} : memref<16x128xf32, #tpu.memory_space<vmem>>, vector<16xf32>,
    %swap3A_126 = arith.constant 2 : i32
    %swap3A_127 = arith.index_cast %swap3A_126 : i32 to index
    %swap3A_128 = arith.constant 96 : index
    %swap3A_129 = tpu.vector_load %arg21[%swap3A_127, %swap3A_128] {strides = array<i32>} : memref<16x128xf32, #tpu.memory_space<vmem>>, vector<16xf32>,
    tpu.vector_store %arg21[%swap3A_127, %swap3A_128], %broadcast_in_dim3A_38 {strides = array<i32>} : memref<16x128xf32, #tpu.memory_space<vmem>>, vector<16xf32>,
    %swap3A_130 = arith.constant 2 : i32
    %swap3A_131 = arith.index_cast %swap3A_130 : i32 to index
    %swap3A_132 = arith.constant 112 : index
    %swap3A_133 = tpu.vector_load %arg21[%swap3A_131, %swap3A_132] {strides = array<i32>} : memref<16x128xf32, #tpu.memory_space<vmem>>, vector<16xf32>,
    tpu.vector_store %arg21[%swap3A_131, %swap3A_132], %broadcast_in_dim3A_38 {strides = array<i32>} : memref<16x128xf32, #tpu.memory_space<vmem>>, vector<16xf32>,
    %swap3A_134 = arith.constant 3 : i32
    %swap3A_135 = arith.index_cast %swap3A_134 : i32 to index
    %swap3A_136 = arith.constant 0 : index
    %swap3A_137 = tpu.vector_load %arg21[%swap3A_135, %swap3A_136] {strides = array<i32>} : memref<16x128xf32, #tpu.memory_space<vmem>>, vector<16xf32>,
    tpu.vector_store %arg21[%swap3A_135, %swap3A_136], %broadcast_in_dim3A_38 {strides = array<i32>} : memref<16x128xf32, #tpu.memory_space<vmem>>, vector<16xf32>,
    %swap3A_138 = arith.constant 3 : i32
    %swap3A_139 = arith.index_cast %swap3A_138 : i32 to index
    %swap3A_140 = arith.constant 16 : index
    %swap3A_141 = tpu.vector_load %arg21[%swap3A_139, %swap3A_140] {strides = array<i32>} : memref<16x128xf32, #tpu.memory_space<vmem>>, vector<16xf32>,
    tpu.vector_store %arg21[%swap3A_139, %swap3A_140], %broadcast_in_dim3A_38 {strides = array<i32>} : memref<16x128xf32, #tpu.memory_space<vmem>>, vector<16xf32>,
    %swap3A_142 = arith.constant 3 : i32
    %swap3A_143 = arith.index_cast %swap3A_142 : i32 to index
    %swap3A_144 = arith.constant 32 : index
    %swap3A_145 = tpu.vector_load %arg21[%swap3A_143, %swap3A_144] {strides = array<i32>} : memref<16x128xf32, #tpu.memory_space<vmem>>, vector<16xf32>,
    tpu.vector_store %arg21[%swap3A_143, %swap3A_144], %broadcast_in_dim3A_38 {strides = array<i32>} : memref<16x128xf32, #tpu.memory_space<vmem>>, vector<16xf32>,
    %swap3A_146 = arith.constant 3 : i32
    %swap3A_147 = arith.index_cast %swap3A_146 : i32 to index
    %swap3A_148 = arith.constant 48 : index
    %swap3A_149 = tpu.vector_load %arg21[%swap3A_147, %swap3A_148] {strides = array<i32>} : memref<16x128xf32, #tpu.memory_space<vmem>>, vector<16xf32>,
    tpu.vector_store %arg21[%swap3A_147, %swap3A_148], %broadcast_in_dim3A_38 {strides = array<i32>} : memref<16x128xf32, #tpu.memory_space<vmem>>, vector<16xf32>,
    %swap3A_150 = arith.constant 3 : i32
    %swap3A_151 = arith.index_cast %swap3A_150 : i32 to index
    %swap3A_152 = arith.constant 64 : index
    %swap3A_153 = tpu.vector_load %arg21[%swap3A_151, %swap3A_152] {strides = array<i32>} : memref<16x128xf32, #tpu.memory_space<vmem>>, vector<16xf32>,
    tpu.vector_store %arg21[%swap3A_151, %swap3A_152], %broadcast_in_dim3A_38 {strides = array<i32>} : memref<16x128xf32, #tpu.memory_space<vmem>>, vector<16xf32>,
    %swap3A_154 = arith.constant 3 : i32
    %swap3A_155 = arith.index_cast %swap3A_154 : i32 to index
    %swap3A_156 = arith.constant 80 : index
    %swap3A_157 = tpu.vector_load %arg21[%swap3A_155, %swap3A_156] {strides = array<i32>} : memref<16x128xf32, #tpu.memory_space<vmem>>, vector<16xf32>,
    tpu.vector_store %arg21[%swap3A_155, %swap3A_156], %broadcast_in_dim3A_38 {strides = array<i32>} : memref<16x128xf32, #tpu.memory_space<vmem>>, vector<16xf32>,
    %swap3A_158 = arith.constant 3 : i32
    %swap3A_159 = arith.index_cast %swap3A_158 : i32 to index
    %swap3A_160 = arith.constant 96 : index
    %swap3A_161 = tpu.vector_load %arg21[%swap3A_159, %swap3A_160] {strides = array<i32>} : memref<16x128xf32, #tpu.memory_space<vmem>>, vector<16xf32>,
    tpu.vector_store %arg21[%swap3A_159, %swap3A_160], %broadcast_in_dim3A_38 {strides = array<i32>} : memref<16x128xf32, #tpu.memory_space<vmem>>, vector<16xf32>,
    %swap3A_162 = arith.constant 3 : i32
    %swap3A_163 = arith.index_cast %swap3A_162 : i32 to index
    %swap3A_164 = arith.constant 112 : index
    %swap3A_165 = tpu.vector_load %arg21[%swap3A_163, %swap3A_164] {strides = array<i32>} : memref<16x128xf32, #tpu.memory_space<vmem>>, vector<16xf32>,
    tpu.vector_store %arg21[%swap3A_163, %swap3A_164], %broadcast_in_dim3A_38 {strides = array<i32>} : memref<16x128xf32, #tpu.memory_space<vmem>>, vector<16xf32>,
    %swap3A_166 = arith.constant 4 : i32
    %swap3A_167 = arith.index_cast %swap3A_166 : i32 to index
    %swap3A_168 = arith.constant 0 : index
    %swap3A_169 = tpu.vector_load %arg21[%swap3A_167, %swap3A_168] {strides = array<i32>} : memref<16x128xf32, #tpu.memory_space<vmem>>, vector<16xf32>,
    tpu.vector_store %arg21[%swap3A_167, %swap3A_168], %broadcast_in_dim3A_38 {strides = array<i32>} : memref<16x128xf32, #tpu.memory_space<vmem>>, vector<16xf32>,
    %swap3A_170 = arith.constant 4 : i32
    %swap3A_171 = arith.index_cast %swap3A_170 : i32 to index
    %swap3A_172 = arith.constant 16 : index
    %swap3A_173 = tpu.vector_load %arg21[%swap3A_171, %swap3A_172] {strides = array<i32>} : memref<16x128xf32, #tpu.memory_space<vmem>>, vector<16xf32>,
    tpu.vector_store %arg21[%swap3A_171, %swap3A_172], %broadcast_in_dim3A_38 {strides = array<i32>} : memref<16x128xf32, #tpu.memory_space<vmem>>, vector<16xf32>,
    %swap3A_174 = arith.constant 4 : i32
    %swap3A_175 = arith.index_cast %swap3A_174 : i32 to index
    %swap3A_176 = arith.constant 32 : index
    %swap3A_177 = tpu.vector_load %arg21[%swap3A_175, %swap3A_176] {strides = array<i32>} : memref<16x128xf32, #tpu.memory_space<vmem>>, vector<16xf32>,
    tpu.vector_store %arg21[%swap3A_175, %swap3A_176], %broadcast_in_dim3A_38 {strides = array<i32>} : memref<16x128xf32, #tpu.memory_space<vmem>>, vector<16xf32>,
    %swap3A_178 = arith.constant 4 : i32
    %swap3A_179 = arith.index_cast %swap3A_178 : i32 to index
    %swap3A_180 = arith.constant 48 : index
    %swap3A_181 = tpu.vector_load %arg21[%swap3A_179, %swap3A_180] {strides = array<i32>} : memref<16x128xf32, #tpu.memory_space<vmem>>, vector<16xf32>,
    tpu.vector_store %arg21[%swap3A_179, %swap3A_180], %broadcast_in_dim3A_38 {strides = array<i32>} : memref<16x128xf32, #tpu.memory_space<vmem>>, vector<16xf32>,
    %swap3A_182 = arith.constant 4 : i32
    %swap3A_183 = arith.index_cast %swap3A_182 : i32 to index
    %swap3A_184 = arith.constant 64 : index
    %swap3A_185 = tpu.vector_load %arg21[%swap3A_183, %swap3A_184] {strides = array<i32>} : memref<16x128xf32, #tpu.memory_space<vmem>>, vector<16xf32>,
    tpu.vector_store %arg21[%swap3A_183, %swap3A_184], %broadcast_in_dim3A_38 {strides = array<i32>} : memref<16x128xf32, #tpu.memory_space<vmem>>, vector<16xf32>,
    %swap3A_186 = arith.constant 4 : i32
    %swap3A_187 = arith.index_cast %swap3A_186 : i32 to index
    %swap3A_188 = arith.constant 80 : index
    %swap3A_189 = tpu.vector_load %arg21[%swap3A_187, %swap3A_188] {strides = array<i32>} : memref<16x128xf32, #tpu.memory_space<vmem>>, vector<16xf32>,
    tpu.vector_store %arg21[%swap3A_187, %swap3A_188], %broadcast_in_dim3A_38 {strides = array<i32>} : memref<16x128xf32, #tpu.memory_space<vmem>>, vector<16xf32>,
    %swap3A_190 = arith.constant 4 : i32
    %swap3A_191 = arith.index_cast %swap3A_190 : i32 to index
    %swap3A_192 = arith.constant 96 : index
    %swap3A_193 = tpu.vector_load %arg21[%swap3A_191, %swap3A_192] {strides = array<i32>} : memref<16x128xf32, #tpu.memory_space<vmem>>, vector<16xf32>,
    tpu.vector_store %arg21[%swap3A_191, %swap3A_192], %broadcast_in_dim3A_38 {strides = array<i32>} : memref<16x128xf32, #tpu.memory_space<vmem>>, vector<16xf32>,
    %swap3A_194 = arith.constant 4 : i32
    %swap3A_195 = arith.index_cast %swap3A_194 : i32 to index
    %swap3A_196 = arith.constant 112 : index
    %swap3A_197 = tpu.vector_load %arg21[%swap3A_195, %swap3A_196] {strides = array<i32>} : memref<16x128xf32, #tpu.memory_space<vmem>>, vector<16xf32>,
    tpu.vector_store %arg21[%swap3A_195, %swap3A_196], %broadcast_in_dim3A_38 {strides = array<i32>} : memref<16x128xf32, #tpu.memory_space<vmem>>, vector<16xf32>,
    %swap3A_198 = arith.constant 5 : i32
    %swap3A_199 = arith.index_cast %swap3A_198 : i32 to index
    %swap3A_200 = arith.constant 0 : index
    %swap3A_201 = tpu.vector_load %arg21[%swap3A_199, %swap3A_200] {strides = array<i32>} : memref<16x128xf32, #tpu.memory_space<vmem>>, vector<16xf32>,
    tpu.vector_store %arg21[%swap3A_199, %swap3A_200], %broadcast_in_dim3A_38 {strides = array<i32>} : memref<16x128xf32, #tpu.memory_space<vmem>>, vector<16xf32>,
    %swap3A_202 = arith.constant 5 : i32
    %swap3A_203 = arith.index_cast %swap3A_202 : i32 to index
    %swap3A_204 = arith.constant 16 : index
    %swap3A_205 = tpu.vector_load %arg21[%swap3A_203, %swap3A_204] {strides = array<i32>} : memref<16x128xf32, #tpu.memory_space<vmem>>, vector<16xf32>,
    tpu.vector_store %arg21[%swap3A_203, %swap3A_204], %broadcast_in_dim3A_38 {strides = array<i32>} : memref<16x128xf32, #tpu.memory_space<vmem>>, vector<16xf32>,
    %swap3A_206 = arith.constant 5 : i32
    %swap3A_207 = arith.index_cast %swap3A_206 : i32 to index
    %swap3A_208 = arith.constant 32 : index
    %swap3A_209 = tpu.vector_load %arg21[%swap3A_207, %swap3A_208] {strides = array<i32>} : memref<16x128xf32, #tpu.memory_space<vmem>>, vector<16xf32>,
    tpu.vector_store %arg21[%swap3A_207, %swap3A_208], %broadcast_in_dim3A_38 {strides = array<i32>} : memref<16x128xf32, #tpu.memory_space<vmem>>, vector<16xf32>,
    %swap3A_210 = arith.constant 5 : i32
    %swap3A_211 = arith.index_cast %swap3A_210 : i32 to index
    %swap3A_212 = arith.constant 48 : index
    %swap3A_213 = tpu.vector_load %arg21[%swap3A_211, %swap3A_212] {strides = array<i32>} : memref<16x128xf32, #tpu.memory_space<vmem>>, vector<16xf32>,
    tpu.vector_store %arg21[%swap3A_211, %swap3A_212], %broadcast_in_dim3A_38 {strides = array<i32>} : memref<16x128xf32, #tpu.memory_space<vmem>>, vector<16xf32>,
    %swap3A_214 = arith.constant 5 : i32
    %swap3A_215 = arith.index_cast %swap3A_214 : i32 to index
    %swap3A_216 = arith.constant 64 : index
    %swap3A_217 = tpu.vector_load %arg21[%swap3A_215, %swap3A_216] {strides = array<i32>} : memref<16x128xf32, #tpu.memory_space<vmem>>, vector<16xf32>,
    tpu.vector_store %arg21[%swap3A_215, %swap3A_216], %broadcast_in_dim3A_38 {strides = array<i32>} : memref<16x128xf32, #tpu.memory_space<vmem>>, vector<16xf32>,
    %swap3A_218 = arith.constant 5 : i32
    %swap3A_219 = arith.index_cast %swap3A_218 : i32 to index
    %swap3A_220 = arith.constant 80 : index
    %swap3A_221 = tpu.vector_load %arg21[%swap3A_219, %swap3A_220] {strides = array<i32>} : memref<16x128xf32, #tpu.memory_space<vmem>>, vector<16xf32>,
    tpu.vector_store %arg21[%swap3A_219, %swap3A_220], %broadcast_in_dim3A_38 {strides = array<i32>} : memref<16x128xf32, #tpu.memory_space<vmem>>, vector<16xf32>,
    %swap3A_222 = arith.constant 5 : i32
    %swap3A_223 = arith.index_cast %swap3A_222 : i32 to index
    %swap3A_224 = arith.constant 96 : index
    %swap3A_225 = tpu.vector_load %arg21[%swap3A_223, %swap3A_224] {strides = array<i32>} : memref<16x128xf32, #tpu.memory_space<vmem>>, vector<16xf32>,
    tpu.vector_store %arg21[%swap3A_223, %swap3A_224], %broadcast_in_dim3A_38 {strides = array<i32>} : memref<16x128xf32, #tpu.memory_space<vmem>>, vector<16xf32>,
    %swap3A_226 = arith.constant 5 : i32
    %swap3A_227 = arith.index_cast %swap3A_226 : i32 to index
    %swap3A_228 = arith.constant 112 : index
    %swap3A_229 = tpu.vector_load %arg21[%swap3A_227, %swap3A_228] {strides = array<i32>} : memref<16x128xf32, #tpu.memory_space<vmem>>, vector<16xf32>,
    tpu.vector_store %arg21[%swap3A_227, %swap3A_228], %broadcast_in_dim3A_38 {strides = array<i32>} : memref<16x128xf32, #tpu.memory_space<vmem>>, vector<16xf32>,
    %swap3A_230 = arith.constant 6 : i32
    %swap3A_231 = arith.index_cast %swap3A_230 : i32 to index
    %swap3A_232 = arith.constant 0 : index
    %swap3A_233 = tpu.vector_load %arg21[%swap3A_231, %swap3A_232] {strides = array<i32>} : memref<16x128xf32, #tpu.memory_space<vmem>>, vector<16xf32>,
    tpu.vector_store %arg21[%swap3A_231, %swap3A_232], %broadcast_in_dim3A_38 {strides = array<i32>} : memref<16x128xf32, #tpu.memory_space<vmem>>, vector<16xf32>,
    %swap3A_234 = arith.constant 6 : i32
    %swap3A_235 = arith.index_cast %swap3A_234 : i32 to index
    %swap3A_236 = arith.constant 16 : index
    %swap3A_237 = tpu.vector_load %arg21[%swap3A_235, %swap3A_236] {strides = array<i32>} : memref<16x128xf32, #tpu.memory_space<vmem>>, vector<16xf32>,
    tpu.vector_store %arg21[%swap3A_235, %swap3A_236], %broadcast_in_dim3A_38 {strides = array<i32>} : memref<16x128xf32, #tpu.memory_space<vmem>>, vector<16xf32>,
    %swap3A_238 = arith.constant 6 : i32
    %swap3A_239 = arith.index_cast %swap3A_238 : i32 to index
    %swap3A_240 = arith.constant 32 : index
    %swap3A_241 = tpu.vector_load %arg21[%swap3A_239, %swap3A_240] {strides = array<i32>} : memref<16x128xf32, #tpu.memory_space<vmem>>, vector<16xf32>,
    tpu.vector_store %arg21[%swap3A_239, %swap3A_240], %broadcast_in_dim3A_38 {strides = array<i32>} : memref<16x128xf32, #tpu.memory_space<vmem>>, vector<16xf32>,
    %swap3A_242 = arith.constant 6 : i32
    %swap3A_243 = arith.index_cast %swap3A_242 : i32 to index
    %swap3A_244 = arith.constant 48 : index
    %swap3A_245 = tpu.vector_load %arg21[%swap3A_243, %swap3A_244] {strides = array<i32>} : memref<16x128xf32, #tpu.memory_space<vmem>>, vector<16xf32>,
    tpu.vector_store %arg21[%swap3A_243, %swap3A_244], %broadcast_in_dim3A_38 {strides = array<i32>} : memref<16x128xf32, #tpu.memory_space<vmem>>, vector<16xf32>,
    %swap3A_246 = arith.constant 6 : i32
    %swap3A_247 = arith.index_cast %swap3A_246 : i32 to index
    %swap3A_248 = arith.constant 64 : index
    %swap3A_249 = tpu.vector_load %arg21[%swap3A_247, %swap3A_248] {strides = array<i32>} : memref<16x128xf32, #tpu.memory_space<vmem>>, vector<16xf32>,
    tpu.vector_store %arg21[%swap3A_247, %swap3A_248], %broadcast_in_dim3A_38 {strides = array<i32>} : memref<16x128xf32, #tpu.memory_space<vmem>>, vector<16xf32>,
    %swap3A_250 = arith.constant 6 : i32
    %swap3A_251 = arith.index_cast %swap3A_250 : i32 to index
    %swap3A_252 = arith.constant 80 : index
    %swap3A_253 = tpu.vector_load %arg21[%swap3A_251, %swap3A_252] {strides = array<i32>} : memref<16x128xf32, #tpu.memory_space<vmem>>, vector<16xf32>,
    tpu.vector_store %arg21[%swap3A_251, %swap3A_252], %broadcast_in_dim3A_38 {strides = array<i32>} : memref<16x128xf32, #tpu.memory_space<vmem>>, vector<16xf32>,
    %swap3A_254 = arith.constant 6 : i32
    %swap3A_255 = arith.index_cast %swap3A_254 : i32 to index
    %swap3A_256 = arith.constant 96 : index
    %swap3A_257 = tpu.vector_load %arg21[%swap3A_255, %swap3A_256] {strides = array<i32>} : memref<16x128xf32, #tpu.memory_space<vmem>>, vector<16xf32>,
    tpu.vector_store %arg21[%swap3A_255, %swap3A_256], %broadcast_in_dim3A_38 {strides = array<i32>} : memref<16x128xf32, #tpu.memory_space<vmem>>, vector<16xf32>,
    %swap3A_258 = arith.constant 6 : i32
    %swap3A_259 = arith.index_cast %swap3A_258 : i32 to index
    %swap3A_260 = arith.constant 112 : index
    %swap3A_261 = tpu.vector_load %arg21[%swap3A_259, %swap3A_260] {strides = array<i32>} : memref<16x128xf32, #tpu.memory_space<vmem>>, vector<16xf32>,
    tpu.vector_store %arg21[%swap3A_259, %swap3A_260], %broadcast_in_dim3A_38 {strides = array<i32>} : memref<16x128xf32, #tpu.memory_space<vmem>>, vector<16xf32>,
    %swap3A_262 = arith.constant 7 : i32
    %swap3A_263 = arith.index_cast %swap3A_262 : i32 to index
    %swap3A_264 = arith.constant 0 : index
    %swap3A_265 = tpu.vector_load %arg21[%swap3A_263, %swap3A_264] {strides = array<i32>} : memref<16x128xf32, #tpu.memory_space<vmem>>, vector<16xf32>,
    tpu.vector_store %arg21[%swap3A_263, %swap3A_264], %broadcast_in_dim3A_38 {strides = array<i32>} : memref<16x128xf32, #tpu.memory_space<vmem>>, vector<16xf32>,
    %swap3A_266 = arith.constant 7 : i32
    %swap3A_267 = arith.index_cast %swap3A_266 : i32 to index
    %swap3A_268 = arith.constant 16 : index
    %swap3A_269 = tpu.vector_load %arg21[%swap3A_267, %swap3A_268] {strides = array<i32>} : memref<16x128xf32, #tpu.memory_space<vmem>>, vector<16xf32>,
    tpu.vector_store %arg21[%swap3A_267, %swap3A_268], %broadcast_in_dim3A_38 {strides = array<i32>} : memref<16x128xf32, #tpu.memory_space<vmem>>, vector<16xf32>,
    %swap3A_270 = arith.constant 7 : i32
    %swap3A_271 = arith.index_cast %swap3A_270 : i32 to index
    %swap3A_272 = arith.constant 32 : index
    %swap3A_273 = tpu.vector_load %arg21[%swap3A_271, %swap3A_272] {strides = array<i32>} : memref<16x128xf32, #tpu.memory_space<vmem>>, vector<16xf32>,
    tpu.vector_store %arg21[%swap3A_271, %swap3A_272], %broadcast_in_dim3A_38 {strides = array<i32>} : memref<16x128xf32, #tpu.memory_space<vmem>>, vector<16xf32>,
    %swap3A_274 = arith.constant 7 : i32
    %swap3A_275 = arith.index_cast %swap3A_274 : i32 to index
    %swap3A_276 = arith.constant 48 : index
    %swap3A_277 = tpu.vector_load %arg21[%swap3A_275, %swap3A_276] {strides = array<i32>} : memref<16x128xf32, #tpu.memory_space<vmem>>, vector<16xf32>,
    tpu.vector_store %arg21[%swap3A_275, %swap3A_276], %broadcast_in_dim3A_38 {strides = array<i32>} : memref<16x128xf32, #tpu.memory_space<vmem>>, vector<16xf32>,
    %swap3A_278 = arith.constant 7 : i32
    %swap3A_279 = arith.index_cast %swap3A_278 : i32 to index
    %swap3A_280 = arith.constant 64 : index
    %swap3A_281 = tpu.vector_load %arg21[%swap3A_279, %swap3A_280] {strides = array<i32>} : memref<16x128xf32, #tpu.memory_space<vmem>>, vector<16xf32>,
    tpu.vector_store %arg21[%swap3A_279, %swap3A_280], %broadcast_in_dim3A_38 {strides = array<i32>} : memref<16x128xf32, #tpu.memory_space<vmem>>, vector<16xf32>,
    %swap3A_282 = arith.constant 7 : i32
    %swap3A_283 = arith.index_cast %swap3A_282 : i32 to index
    %swap3A_284 = arith.constant 80 : index
    %swap3A_285 = tpu.vector_load %arg21[%swap3A_283, %swap3A_284] {strides = array<i32>} : memref<16x128xf32, #tpu.memory_space<vmem>>, vector<16xf32>,
    tpu.vector_store %arg21[%swap3A_283, %swap3A_284], %broadcast_in_dim3A_38 {strides = array<i32>} : memref<16x128xf32, #tpu.memory_space<vmem>>, vector<16xf32>,
    %swap3A_286 = arith.constant 7 : i32
    %swap3A_287 = arith.index_cast %swap3A_286 : i32 to index
    %swap3A_288 = arith.constant 96 : index
    %swap3A_289 = tpu.vector_load %arg21[%swap3A_287, %swap3A_288] {strides = array<i32>} : memref<16x128xf32, #tpu.memory_space<vmem>>, vector<16xf32>,
    tpu.vector_store %arg21[%swap3A_287, %swap3A_288], %broadcast_in_dim3A_38 {strides = array<i32>} : memref<16x128xf32, #tpu.memory_space<vmem>>, vector<16xf32>,
    %swap3A_290 = arith.constant 7 : i32
    %swap3A_291 = arith.index_cast %swap3A_290 : i32 to index
    %swap3A_292 = arith.constant 112 : index
    %swap3A_293 = tpu.vector_load %arg21[%swap3A_291, %swap3A_292] {strides = array<i32>} : memref<16x128xf32, #tpu.memory_space<vmem>>, vector<16xf32>,
    tpu.vector_store %arg21[%swap3A_291, %swap3A_292], %broadcast_in_dim3A_38 {strides = array<i32>} : memref<16x128xf32, #tpu.memory_space<vmem>>, vector<16xf32>,
    %swap3A_294 = arith.constant 8 : i32
    %swap3A_295 = arith.index_cast %swap3A_294 : i32 to index
    %swap3A_296 = arith.constant 0 : index
    %swap3A_297 = tpu.vector_load %arg21[%swap3A_295, %swap3A_296] {strides = array<i32>} : memref<16x128xf32, #tpu.memory_space<vmem>>, vector<16xf32>,
    tpu.vector_store %arg21[%swap3A_295, %swap3A_296], %broadcast_in_dim3A_38 {strides = array<i32>} : memref<16x128xf32, #tpu.memory_space<vmem>>, vector<16xf32>,
    %swap3A_298 = arith.constant 8 : i32
    %swap3A_299 = arith.index_cast %swap3A_298 : i32 to index
    %swap3A_300 = arith.constant 16 : index
    %swap3A_301 = tpu.vector_load %arg21[%swap3A_299, %swap3A_300] {strides = array<i32>} : memref<16x128xf32, #tpu.memory_space<vmem>>, vector<16xf32>,
    tpu.vector_store %arg21[%swap3A_299, %swap3A_300], %broadcast_in_dim3A_38 {strides = array<i32>} : memref<16x128xf32, #tpu.memory_space<vmem>>, vector<16xf32>,
    %swap3A_302 = arith.constant 8 : i32
    %swap3A_303 = arith.index_cast %swap3A_302 : i32 to index
    %swap3A_304 = arith.constant 32 : index
    %swap3A_305 = tpu.vector_load %arg21[%swap3A_303, %swap3A_304] {strides = array<i32>} : memref<16x128xf32, #tpu.memory_space<vmem>>, vector<16xf32>,
    tpu.vector_store %arg21[%swap3A_303, %swap3A_304], %broadcast_in_dim3A_38 {strides = array<i32>} : memref<16x128xf32, #tpu.memory_space<vmem>>, vector<16xf32>,
    %swap3A_306 = arith.constant 8 : i32
    %swap3A_307 = arith.index_cast %swap3A_306 : i32 to index
    %swap3A_308 = arith.constant 48 : index
    %swap3A_309 = tpu.vector_load %arg21[%swap3A_307, %swap3A_308] {strides = array<i32>} : memref<16x128xf32, #tpu.memory_space<vmem>>, vector<16xf32>,
    tpu.vector_store %arg21[%swap3A_307, %swap3A_308], %broadcast_in_dim3A_38 {strides = array<i32>} : memref<16x128xf32, #tpu.memory_space<vmem>>, vector<16xf32>,
    %swap3A_310 = arith.constant 8 : i32
    %swap3A_311 = arith.index_cast %swap3A_310 : i32 to index
    %swap3A_312 = arith.constant 64 : index
    %swap3A_313 = tpu.vector_load %arg21[%swap3A_311, %swap3A_312] {strides = array<i32>} : memref<16x128xf32, #tpu.memory_space<vmem>>, vector<16xf32>,
    tpu.vector_store %arg21[%swap3A_311, %swap3A_312], %broadcast_in_dim3A_38 {strides = array<i32>} : memref<16x128xf32, #tpu.memory_space<vmem>>, vector<16xf32>,
    %swap3A_314 = arith.constant 8 : i32
    %swap3A_315 = arith.index_cast %swap3A_314 : i32 to index
    %swap3A_316 = arith.constant 80 : index
    %swap3A_317 = tpu.vector_load %arg21[%swap3A_315, %swap3A_316] {strides = array<i32>} : memref<16x128xf32, #tpu.memory_space<vmem>>, vector<16xf32>,
    tpu.vector_store %arg21[%swap3A_315, %swap3A_316], %broadcast_in_dim3A_38 {strides = array<i32>} : memref<16x128xf32, #tpu.memory_space<vmem>>, vector<16xf32>,
    %swap3A_318 = arith.constant 8 : i32
    %swap3A_319 = arith.index_cast %swap3A_318 : i32 to index
    %swap3A_320 = arith.constant 96 : index
    %swap3A_321 = tpu.vector_load %arg21[%swap3A_319, %swap3A_320] {strides = array<i32>} : memref<16x128xf32, #tpu.memory_space<vmem>>, vector<16xf32>,
    tpu.vector_store %arg21[%swap3A_319, %swap3A_320], %broadcast_in_dim3A_38 {strides = array<i32>} : memref<16x128xf32, #tpu.memory_space<vmem>>, vector<16xf32>,
    %swap3A_322 = arith.constant 8 : i32
    %swap3A_323 = arith.index_cast %swap3A_322 : i32 to index
    %swap3A_324 = arith.constant 112 : index
    %swap3A_325 = tpu.vector_load %arg21[%swap3A_323, %swap3A_324] {strides = array<i32>} : memref<16x128xf32, #tpu.memory_space<vmem>>, vector<16xf32>,
    tpu.vector_store %arg21[%swap3A_323, %swap3A_324], %broadcast_in_dim3A_38 {strides = array<i32>} : memref<16x128xf32, #tpu.memory_space<vmem>>, vector<16xf32>,
    %swap3A_326 = arith.constant 9 : i32
    %swap3A_327 = arith.index_cast %swap3A_326 : i32 to index
    %swap3A_328 = arith.constant 0 : index
    %swap3A_329 = tpu.vector_load %arg21[%swap3A_327, %swap3A_328] {strides = array<i32>} : memref<16x128xf32, #tpu.memory_space<vmem>>, vector<16xf32>,
    tpu.vector_store %arg21[%swap3A_327, %swap3A_328], %broadcast_in_dim3A_38 {strides = array<i32>} : memref<16x128xf32, #tpu.memory_space<vmem>>, vector<16xf32>,
    %swap3A_330 = arith.constant 9 : i32
    %swap3A_331 = arith.index_cast %swap3A_330 : i32 to index
    %swap3A_332 = arith.constant 16 : index
    %swap3A_333 = tpu.vector_load %arg21[%swap3A_331, %swap3A_332] {strides = array<i32>} : memref<16x128xf32, #tpu.memory_space<vmem>>, vector<16xf32>,
    tpu.vector_store %arg21[%swap3A_331, %swap3A_332], %broadcast_in_dim3A_38 {strides = array<i32>} : memref<16x128xf32, #tpu.memory_space<vmem>>, vector<16xf32>,
    %swap3A_334 = arith.constant 9 : i32
    %swap3A_335 = arith.index_cast %swap3A_334 : i32 to index
    %swap3A_336 = arith.constant 32 : index
    %swap3A_337 = tpu.vector_load %arg21[%swap3A_335, %swap3A_336] {strides = array<i32>} : memref<16x128xf32, #tpu.memory_space<vmem>>, vector<16xf32>,
    tpu.vector_store %arg21[%swap3A_335, %swap3A_336], %broadcast_in_dim3A_38 {strides = array<i32>} : memref<16x128xf32, #tpu.memory_space<vmem>>, vector<16xf32>,
    %swap3A_338 = arith.constant 9 : i32
    %swap3A_339 = arith.index_cast %swap3A_338 : i32 to index
    %swap3A_340 = arith.constant 48 : index
    %swap3A_341 = tpu.vector_load %arg21[%swap3A_339, %swap3A_340] {strides = array<i32>} : memref<16x128xf32, #tpu.memory_space<vmem>>, vector<16xf32>,
    tpu.vector_store %arg21[%swap3A_339, %swap3A_340], %broadcast_in_dim3A_38 {strides = array<i32>} : memref<16x128xf32, #tpu.memory_space<vmem>>, vector<16xf32>,
    %swap3A_342 = arith.constant 9 : i32
    %swap3A_343 = arith.index_cast %swap3A_342 : i32 to index
    %swap3A_344 = arith.constant 64 : index
    %swap3A_345 = tpu.vector_load %arg21[%swap3A_343, %swap3A_344] {strides = array<i32>} : memref<16x128xf32, #tpu.memory_space<vmem>>, vector<16xf32>,
    tpu.vector_store %arg21[%swap3A_343, %swap3A_344], %broadcast_in_dim3A_38 {strides = array<i32>} : memref<16x128xf32, #tpu.memory_space<vmem>>, vector<16xf32>,
    %swap3A_346 = arith.constant 9 : i32
    %swap3A_347 = arith.index_cast %swap3A_346 : i32 to index
    %swap3A_348 = arith.constant 80 : index
    %swap3A_349 = tpu.vector_load %arg21[%swap3A_347, %swap3A_348] {strides = array<i32>} : memref<16x128xf32, #tpu.memory_space<vmem>>, vector<16xf32>,
    tpu.vector_store %arg21[%swap3A_347, %swap3A_348], %broadcast_in_dim3A_38 {strides = array<i32>} : memref<16x128xf32, #tpu.memory_space<vmem>>, vector<16xf32>,
    %swap3A_350 = arith.constant 9 : i32
    %swap3A_351 = arith.index_cast %swap3A_350 : i32 to index
    %swap3A_352 = arith.constant 96 : index
    %swap3A_353 = tpu.vector_load %arg21[%swap3A_351, %swap3A_352] {strides = array<i32>} : memref<16x128xf32, #tpu.memory_space<vmem>>, vector<16xf32>,
    tpu.vector_store %arg21[%swap3A_351, %swap3A_352], %broadcast_in_dim3A_38 {strides = array<i32>} : memref<16x128xf32, #tpu.memory_space<vmem>>, vector<16xf32>,
    %swap3A_354 = arith.constant 9 : i32
    %swap3A_355 = arith.index_cast %swap3A_354 : i32 to index
    %swap3A_356 = arith.constant 112 : index
    %swap3A_357 = tpu.vector_load %arg21[%swap3A_355, %swap3A_356] {strides = array<i32>} : memref<16x128xf32, #tpu.memory_space<vmem>>, vector<16xf32>,
    tpu.vector_store %arg21[%swap3A_355, %swap3A_356], %broadcast_in_dim3A_38 {strides = array<i32>} : memref<16x128xf32, #tpu.memory_space<vmem>>, vector<16xf32>,
    %swap3A_358 = arith.constant 10 : i32
    %swap3A_359 = arith.index_cast %swap3A_358 : i32 to index
    %swap3A_360 = arith.constant 0 : index
    %swap3A_361 = tpu.vector_load %arg21[%swap3A_359, %swap3A_360] {strides = array<i32>} : memref<16x128xf32, #tpu.memory_space<vmem>>, vector<16xf32>,
    tpu.vector_store %arg21[%swap3A_359, %swap3A_360], %broadcast_in_dim3A_38 {strides = array<i32>} : memref<16x128xf32, #tpu.memory_space<vmem>>, vector<16xf32>,
    %swap3A_362 = arith.constant 10 : i32
    %swap3A_363 = arith.index_cast %swap3A_362 : i32 to index
    %swap3A_364 = arith.constant 16 : index
    %swap3A_365 = tpu.vector_load %arg21[%swap3A_363, %swap3A_364] {strides = array<i32>} : memref<16x128xf32, #tpu.memory_space<vmem>>, vector<16xf32>,
    tpu.vector_store %arg21[%swap3A_363, %swap3A_364], %broadcast_in_dim3A_38 {strides = array<i32>} : memref<16x128xf32, #tpu.memory_space<vmem>>, vector<16xf32>,
    %swap3A_366 = arith.constant 10 : i32
    %swap3A_367 = arith.index_cast %swap3A_366 : i32 to index
    %swap3A_368 = arith.constant 32 : index
    %swap3A_369 = tpu.vector_load %arg21[%swap3A_367, %swap3A_368] {strides = array<i32>} : memref<16x128xf32, #tpu.memory_space<vmem>>, vector<16xf32>,
    tpu.vector_store %arg21[%swap3A_367, %swap3A_368], %broadcast_in_dim3A_38 {strides = array<i32>} : memref<16x128xf32, #tpu.memory_space<vmem>>, vector<16xf32>,
    %swap3A_370 = arith.constant 10 : i32
    %swap3A_371 = arith.index_cast %swap3A_370 : i32 to index
    %swap3A_372 = arith.constant 48 : index
    %swap3A_373 = tpu.vector_load %arg21[%swap3A_371, %swap3A_372] {strides = array<i32>} : memref<16x128xf32, #tpu.memory_space<vmem>>, vector<16xf32>,
    tpu.vector_store %arg21[%swap3A_371, %swap3A_372], %broadcast_in_dim3A_38 {strides = array<i32>} : memref<16x128xf32, #tpu.memory_space<vmem>>, vector<16xf32>,
    %swap3A_374 = arith.constant 10 : i32
    %swap3A_375 = arith.index_cast %swap3A_374 : i32 to index
    %swap3A_376 = arith.constant 64 : index
    %swap3A_377 = tpu.vector_load %arg21[%swap3A_375, %swap3A_376] {strides = array<i32>} : memref<16x128xf32, #tpu.memory_space<vmem>>, vector<16xf32>,
    tpu.vector_store %arg21[%swap3A_375, %swap3A_376], %broadcast_in_dim3A_38 {strides = array<i32>} : memref<16x128xf32, #tpu.memory_space<vmem>>, vector<16xf32>,
    %swap3A_378 = arith.constant 10 : i32
    %swap3A_379 = arith.index_cast %swap3A_378 : i32 to index
    %swap3A_380 = arith.constant 80 : index
    %swap3A_381 = tpu.vector_load %arg21[%swap3A_379, %swap3A_380] {strides = array<i32>} : memref<16x128xf32, #tpu.memory_space<vmem>>, vector<16xf32>,
    tpu.vector_store %arg21[%swap3A_379, %swap3A_380], %broadcast_in_dim3A_38 {strides = array<i32>} : memref<16x128xf32, #tpu.memory_space<vmem>>, vector<16xf32>,
    %swap3A_382 = arith.constant 10 : i32
    %swap3A_383 = arith.index_cast %swap3A_382 : i32 to index
    %swap3A_384 = arith.constant 96 : index
    %swap3A_385 = tpu.vector_load %arg21[%swap3A_383, %swap3A_384] {strides = array<i32>} : memref<16x128xf32, #tpu.memory_space<vmem>>, vector<16xf32>,
    tpu.vector_store %arg21[%swap3A_383, %swap3A_384], %broadcast_in_dim3A_38 {strides = array<i32>} : memref<16x128xf32, #tpu.memory_space<vmem>>, vector<16xf32>,
    %swap3A_386 = arith.constant 10 : i32
    %swap3A_387 = arith.index_cast %swap3A_386 : i32 to index
    %swap3A_388 = arith.constant 112 : index
    %swap3A_389 = tpu.vector_load %arg21[%swap3A_387, %swap3A_388] {strides = array<i32>} : memref<16x128xf32, #tpu.memory_space<vmem>>, vector<16xf32>,
    tpu.vector_store %arg21[%swap3A_387, %swap3A_388], %broadcast_in_dim3A_38 {strides = array<i32>} : memref<16x128xf32, #tpu.memory_space<vmem>>, vector<16xf32>,
    %swap3A_390 = arith.constant 11 : i32
    %swap3A_391 = arith.index_cast %swap3A_390 : i32 to index
    %swap3A_392 = arith.constant 0 : index
    %swap3A_393 = tpu.vector_load %arg21[%swap3A_391, %swap3A_392] {strides = array<i32>} : memref<16x128xf32, #tpu.memory_space<vmem>>, vector<16xf32>,
    tpu.vector_store %arg21[%swap3A_391, %swap3A_392], %broadcast_in_dim3A_38 {strides = array<i32>} : memref<16x128xf32, #tpu.memory_space<vmem>>, vector<16xf32>,
    %swap3A_394 = arith.constant 11 : i32
    %swap3A_395 = arith.index_cast %swap3A_394 : i32 to index
    %swap3A_396 = arith.constant 16 : index
    %swap3A_397 = tpu.vector_load %arg21[%swap3A_395, %swap3A_396] {strides = array<i32>} : memref<16x128xf32, #tpu.memory_space<vmem>>, vector<16xf32>,
    tpu.vector_store %arg21[%swap3A_395, %swap3A_396], %broadcast_in_dim3A_38 {strides = array<i32>} : memref<16x128xf32, #tpu.memory_space<vmem>>, vector<16xf32>,
    %swap3A_398 = arith.constant 11 : i32
    %swap3A_399 = arith.index_cast %swap3A_398 : i32 to index
    %swap3A_400 = arith.constant 32 : index
    %swap3A_401 = tpu.vector_load %arg21[%swap3A_399, %swap3A_400] {strides = array<i32>} : memref<16x128xf32, #tpu.memory_space<vmem>>, vector<16xf32>,
    tpu.vector_store %arg21[%swap3A_399, %swap3A_400], %broadcast_in_dim3A_38 {strides = array<i32>} : memref<16x128xf32, #tpu.memory_space<vmem>>, vector<16xf32>,
    %swap3A_402 = arith.constant 11 : i32
    %swap3A_403 = arith.index_cast %swap3A_402 : i32 to index
    %swap3A_404 = arith.constant 48 : index
    %swap3A_405 = tpu.vector_load %arg21[%swap3A_403, %swap3A_404] {strides = array<i32>} : memref<16x128xf32, #tpu.memory_space<vmem>>, vector<16xf32>,
    tpu.vector_store %arg21[%swap3A_403, %swap3A_404], %broadcast_in_dim3A_38 {strides = array<i32>} : memref<16x128xf32, #tpu.memory_space<vmem>>, vector<16xf32>,
    %swap3A_406 = arith.constant 11 : i32
    %swap3A_407 = arith.index_cast %swap3A_406 : i32 to index
    %swap3A_408 = arith.constant 64 : index
    %swap3A_409 = tpu.vector_load %arg21[%swap3A_407, %swap3A_408] {strides = array<i32>} : memref<16x128xf32, #tpu.memory_space<vmem>>, vector<16xf32>,
    tpu.vector_store %arg21[%swap3A_407, %swap3A_408], %broadcast_in_dim3A_38 {strides = array<i32>} : memref<16x128xf32, #tpu.memory_space<vmem>>, vector<16xf32>,
    %swap3A_410 = arith.constant 11 : i32
    %swap3A_411 = arith.index_cast %swap3A_410 : i32 to index
    %swap3A_412 = arith.constant 80 : index
    %swap3A_413 = tpu.vector_load %arg21[%swap3A_411, %swap3A_412] {strides = array<i32>} : memref<16x128xf32, #tpu.memory_space<vmem>>, vector<16xf32>,
    tpu.vector_store %arg21[%swap3A_411, %swap3A_412], %broadcast_in_dim3A_38 {strides = array<i32>} : memref<16x128xf32, #tpu.memory_space<vmem>>, vector<16xf32>,
    %swap3A_414 = arith.constant 11 : i32
    %swap3A_415 = arith.index_cast %swap3A_414 : i32 to index
    %swap3A_416 = arith.constant 96 : index
    %swap3A_417 = tpu.vector_load %arg21[%swap3A_415, %swap3A_416] {strides = array<i32>} : memref<16x128xf32, #tpu.memory_space<vmem>>, vector<16xf32>,
    tpu.vector_store %arg21[%swap3A_415, %swap3A_416], %broadcast_in_dim3A_38 {strides = array<i32>} : memref<16x128xf32, #tpu.memory_space<vmem>>, vector<16xf32>,
    %swap3A_418 = arith.constant 11 : i32
    %swap3A_419 = arith.index_cast %swap3A_418 : i32 to index
    %swap3A_420 = arith.constant 112 : index
    %swap3A_421 = tpu.vector_load %arg21[%swap3A_419, %swap3A_420] {strides = array<i32>} : memref<16x128xf32, #tpu.memory_space<vmem>>, vector<16xf32>,
    tpu.vector_store %arg21[%swap3A_419, %swap3A_420], %broadcast_in_dim3A_38 {strides = array<i32>} : memref<16x128xf32, #tpu.memory_space<vmem>>, vector<16xf32>,
    %swap3A_422 = arith.constant 12 : i32
    %swap3A_423 = arith.index_cast %swap3A_422 : i32 to index
    %swap3A_424 = arith.constant 0 : index
    %swap3A_425 = tpu.vector_load %arg21[%swap3A_423, %swap3A_424] {strides = array<i32>} : memref<16x128xf32, #tpu.memory_space<vmem>>, vector<16xf32>,
    tpu.vector_store %arg21[%swap3A_423, %swap3A_424], %broadcast_in_dim3A_38 {strides = array<i32>} : memref<16x128xf32, #tpu.memory_space<vmem>>, vector<16xf32>,
    %swap3A_426 = arith.constant 12 : i32
    %swap3A_427 = arith.index_cast %swap3A_426 : i32 to index
    %swap3A_428 = arith.constant 16 : index
    %swap3A_429 = tpu.vector_load %arg21[%swap3A_427, %swap3A_428] {strides = array<i32>} : memref<16x128xf32, #tpu.memory_space<vmem>>, vector<16xf32>,
    tpu.vector_store %arg21[%swap3A_427, %swap3A_428], %broadcast_in_dim3A_38 {strides = array<i32>} : memref<16x128xf32, #tpu.memory_space<vmem>>, vector<16xf32>,
    %swap3A_430 = arith.constant 12 : i32
    %swap3A_431 = arith.index_cast %swap3A_430 : i32 to index
    %swap3A_432 = arith.constant 32 : index
    %swap3A_433 = tpu.vector_load %arg21[%swap3A_431, %swap3A_432] {strides = array<i32>} : memref<16x128xf32, #tpu.memory_space<vmem>>, vector<16xf32>,
    tpu.vector_store %arg21[%swap3A_431, %swap3A_432], %broadcast_in_dim3A_38 {strides = array<i32>} : memref<16x128xf32, #tpu.memory_space<vmem>>, vector<16xf32>,
    %swap3A_434 = arith.constant 12 : i32
    %swap3A_435 = arith.index_cast %swap3A_434 : i32 to index
    %swap3A_436 = arith.constant 48 : index
    %swap3A_437 = tpu.vector_load %arg21[%swap3A_435, %swap3A_436] {strides = array<i32>} : memref<16x128xf32, #tpu.memory_space<vmem>>, vector<16xf32>,
    tpu.vector_store %arg21[%swap3A_435, %swap3A_436], %broadcast_in_dim3A_38 {strides = array<i32>} : memref<16x128xf32, #tpu.memory_space<vmem>>, vector<16xf32>,
    %swap3A_438 = arith.constant 12 : i32
    %swap3A_439 = arith.index_cast %swap3A_438 : i32 to index
    %swap3A_440 = arith.constant 64 : index
    %swap3A_441 = tpu.vector_load %arg21[%swap3A_439, %swap3A_440] {strides = array<i32>} : memref<16x128xf32, #tpu.memory_space<vmem>>, vector<16xf32>,
    tpu.vector_store %arg21[%swap3A_439, %swap3A_440], %broadcast_in_dim3A_38 {strides = array<i32>} : memref<16x128xf32, #tpu.memory_space<vmem>>, vector<16xf32>,
    %swap3A_442 = arith.constant 12 : i32
    %swap3A_443 = arith.index_cast %swap3A_442 : i32 to index
    %swap3A_444 = arith.constant 80 : index
    %swap3A_445 = tpu.vector_load %arg21[%swap3A_443, %swap3A_444] {strides = array<i32>} : memref<16x128xf32, #tpu.memory_space<vmem>>, vector<16xf32>,
    tpu.vector_store %arg21[%swap3A_443, %swap3A_444], %broadcast_in_dim3A_38 {strides = array<i32>} : memref<16x128xf32, #tpu.memory_space<vmem>>, vector<16xf32>,
    %swap3A_446 = arith.constant 12 : i32
    %swap3A_447 = arith.index_cast %swap3A_446 : i32 to index
    %swap3A_448 = arith.constant 96 : index
    %swap3A_449 = tpu.vector_load %arg21[%swap3A_447, %swap3A_448] {strides = array<i32>} : memref<16x128xf32, #tpu.memory_space<vmem>>, vector<16xf32>,
    tpu.vector_store %arg21[%swap3A_447, %swap3A_448], %broadcast_in_dim3A_38 {strides = array<i32>} : memref<16x128xf32, #tpu.memory_space<vmem>>, vector<16xf32>,
    %swap3A_450 = arith.constant 12 : i32
    %swap3A_451 = arith.index_cast %swap3A_450 : i32 to index
    %swap3A_452 = arith.constant 112 : index
    %swap3A_453 = tpu.vector_load %arg21[%swap3A_451, %swap3A_452] {strides = array<i32>} : memref<16x128xf32, #tpu.memory_space<vmem>>, vector<16xf32>,
    tpu.vector_store %arg21[%swap3A_451, %swap3A_452], %broadcast_in_dim3A_38 {strides = array<i32>} : memref<16x128xf32, #tpu.memory_space<vmem>>, vector<16xf32>,
    %swap3A_454 = arith.constant 13 : i32
    %swap3A_455 = arith.index_cast %swap3A_454 : i32 to index
    %swap3A_456 = arith.constant 0 : index
    %swap3A_457 = tpu.vector_load %arg21[%swap3A_455, %swap3A_456] {strides = array<i32>} : memref<16x128xf32, #tpu.memory_space<vmem>>, vector<16xf32>,
    tpu.vector_store %arg21[%swap3A_455, %swap3A_456], %broadcast_in_dim3A_38 {strides = array<i32>} : memref<16x128xf32, #tpu.memory_space<vmem>>, vector<16xf32>,
    %swap3A_458 = arith.constant 13 : i32
    %swap3A_459 = arith.index_cast %swap3A_458 : i32 to index
    %swap3A_460 = arith.constant 16 : index
    %swap3A_461 = tpu.vector_load %arg21[%swap3A_459, %swap3A_460] {strides = array<i32>} : memref<16x128xf32, #tpu.memory_space<vmem>>, vector<16xf32>,
    tpu.vector_store %arg21[%swap3A_459, %swap3A_460], %broadcast_in_dim3A_38 {strides = array<i32>} : memref<16x128xf32, #tpu.memory_space<vmem>>, vector<16xf32>,
    %swap3A_462 = arith.constant 13 : i32
    %swap3A_463 = arith.index_cast %swap3A_462 : i32 to index
    %swap3A_464 = arith.constant 32 : index
    %swap3A_465 = tpu.vector_load %arg21[%swap3A_463, %swap3A_464] {strides = array<i32>} : memref<16x128xf32, #tpu.memory_space<vmem>>, vector<16xf32>,
    tpu.vector_store %arg21[%swap3A_463, %swap3A_464], %broadcast_in_dim3A_38 {strides = array<i32>} : memref<16x128xf32, #tpu.memory_space<vmem>>, vector<16xf32>,
    %swap3A_466 = arith.constant 13 : i32
    %swap3A_467 = arith.index_cast %swap3A_466 : i32 to index
    %swap3A_468 = arith.constant 48 : index
    %swap3A_469 = tpu.vector_load %arg21[%swap3A_467, %swap3A_468] {strides = array<i32>} : memref<16x128xf32, #tpu.memory_space<vmem>>, vector<16xf32>,
    tpu.vector_store %arg21[%swap3A_467, %swap3A_468], %broadcast_in_dim3A_38 {strides = array<i32>} : memref<16x128xf32, #tpu.memory_space<vmem>>, vector<16xf32>,
    %swap3A_470 = arith.constant 13 : i32
    %swap3A_471 = arith.index_cast %swap3A_470 : i32 to index
    %swap3A_472 = arith.constant 64 : index
    %swap3A_473 = tpu.vector_load %arg21[%swap3A_471, %swap3A_472] {strides = array<i32>} : memref<16x128xf32, #tpu.memory_space<vmem>>, vector<16xf32>,
    tpu.vector_store %arg21[%swap3A_471, %swap3A_472], %broadcast_in_dim3A_38 {strides = array<i32>} : memref<16x128xf32, #tpu.memory_space<vmem>>, vector<16xf32>,
    %swap3A_474 = arith.constant 13 : i32
    %swap3A_475 = arith.index_cast %swap3A_474 : i32 to index
    %swap3A_476 = arith.constant 80 : index
    %swap3A_477 = tpu.vector_load %arg21[%swap3A_475, %swap3A_476] {strides = array<i32>} : memref<16x128xf32, #tpu.memory_space<vmem>>, vector<16xf32>,
    tpu.vector_store %arg21[%swap3A_475, %swap3A_476], %broadcast_in_dim3A_38 {strides = array<i32>} : memref<16x128xf32, #tpu.memory_space<vmem>>, vector<16xf32>,
    %swap3A_478 = arith.constant 13 : i32
    %swap3A_479 = arith.index_cast %swap3A_478 : i32 to index
    %swap3A_480 = arith.constant 96 : index
    %swap3A_481 = tpu.vector_load %arg21[%swap3A_479, %swap3A_480] {strides = array<i32>} : memref<16x128xf32, #tpu.memory_space<vmem>>, vector<16xf32>,
    tpu.vector_store %arg21[%swap3A_479, %swap3A_480], %broadcast_in_dim3A_38 {strides = array<i32>} : memref<16x128xf32, #tpu.memory_space<vmem>>, vector<16xf32>,
    %swap3A_482 = arith.constant 13 : i32
    %swap3A_483 = arith.index_cast %swap3A_482 : i32 to index
    %swap3A_484 = arith.constant 112 : index
    %swap3A_485 = tpu.vector_load %arg21[%swap3A_483, %swap3A_484] {strides = array<i32>} : memref<16x128xf32, #tpu.memory_space<vmem>>, vector<16xf32>,
    tpu.vector_store %arg21[%swap3A_483, %swap3A_484], %broadcast_in_dim3A_38 {strides = array<i32>} : memref<16x128xf32, #tpu.memory_space<vmem>>, vector<16xf32>,
    %swap3A_486 = arith.constant 14 : i32
    %swap3A_487 = arith.index_cast %swap3A_486 : i32 to index
    %swap3A_488 = arith.constant 0 : index
    %swap3A_489 = tpu.vector_load %arg21[%swap3A_487, %swap3A_488] {strides = array<i32>} : memref<16x128xf32, #tpu.memory_space<vmem>>, vector<16xf32>,
    tpu.vector_store %arg21[%swap3A_487, %swap3A_488], %broadcast_in_dim3A_38 {strides = array<i32>} : memref<16x128xf32, #tpu.memory_space<vmem>>, vector<16xf32>,
    %swap3A_490 = arith.constant 14 : i32
    %swap3A_491 = arith.index_cast %swap3A_490 : i32 to index
    %swap3A_492 = arith.constant 16 : index
    %swap3A_493 = tpu.vector_load %arg21[%swap3A_491, %swap3A_492] {strides = array<i32>} : memref<16x128xf32, #tpu.memory_space<vmem>>, vector<16xf32>,
    tpu.vector_store %arg21[%swap3A_491, %swap3A_492], %broadcast_in_dim3A_38 {strides = array<i32>} : memref<16x128xf32, #tpu.memory_space<vmem>>, vector<16xf32>,
    %swap3A_494 = arith.constant 14 : i32
    %swap3A_495 = arith.index_cast %swap3A_494 : i32 to index
    %swap3A_496 = arith.constant 32 : index
    %swap3A_497 = tpu.vector_load %arg21[%swap3A_495, %swap3A_496] {strides = array<i32>} : memref<16x128xf32, #tpu.memory_space<vmem>>, vector<16xf32>,
    tpu.vector_store %arg21[%swap3A_495, %swap3A_496], %broadcast_in_dim3A_38 {strides = array<i32>} : memref<16x128xf32, #tpu.memory_space<vmem>>, vector<16xf32>,
    %swap3A_498 = arith.constant 14 : i32
    %swap3A_499 = arith.index_cast %swap3A_498 : i32 to index
    %swap3A_500 = arith.constant 48 : index
    %swap3A_501 = tpu.vector_load %arg21[%swap3A_499, %swap3A_500] {strides = array<i32>} : memref<16x128xf32, #tpu.memory_space<vmem>>, vector<16xf32>,
    tpu.vector_store %arg21[%swap3A_499, %swap3A_500], %broadcast_in_dim3A_38 {strides = array<i32>} : memref<16x128xf32, #tpu.memory_space<vmem>>, vector<16xf32>,
    %swap3A_502 = arith.constant 14 : i32
    %swap3A_503 = arith.index_cast %swap3A_502 : i32 to index
    %swap3A_504 = arith.constant 64 : index
    %swap3A_505 = tpu.vector_load %arg21[%swap3A_503, %swap3A_504] {strides = array<i32>} : memref<16x128xf32, #tpu.memory_space<vmem>>, vector<16xf32>,
    tpu.vector_store %arg21[%swap3A_503, %swap3A_504], %broadcast_in_dim3A_38 {strides = array<i32>} : memref<16x128xf32, #tpu.memory_space<vmem>>, vector<16xf32>,
    %swap3A_506 = arith.constant 14 : i32
    %swap3A_507 = arith.index_cast %swap3A_506 : i32 to index
    %swap3A_508 = arith.constant 80 : index
    %swap3A_509 = tpu.vector_load %arg21[%swap3A_507, %swap3A_508] {strides = array<i32>} : memref<16x128xf32, #tpu.memory_space<vmem>>, vector<16xf32>,
    tpu.vector_store %arg21[%swap3A_507, %swap3A_508], %broadcast_in_dim3A_38 {strides = array<i32>} : memref<16x128xf32, #tpu.memory_space<vmem>>, vector<16xf32>,
    %swap3A_510 = arith.constant 14 : i32
    %swap3A_511 = arith.index_cast %swap3A_510 : i32 to index
    %swap3A_512 = arith.constant 96 : index
    %swap3A_513 = tpu.vector_load %arg21[%swap3A_511, %swap3A_512] {strides = array<i32>} : memref<16x128xf32, #tpu.memory_space<vmem>>, vector<16xf32>,
    tpu.vector_store %arg21[%swap3A_511, %swap3A_512], %broadcast_in_dim3A_38 {strides = array<i32>} : memref<16x128xf32, #tpu.memory_space<vmem>>, vector<16xf32>,
    %swap3A_514 = arith.constant 14 : i32
    %swap3A_515 = arith.index_cast %swap3A_514 : i32 to index
    %swap3A_516 = arith.constant 112 : index
    %swap3A_517 = tpu.vector_load %arg21[%swap3A_515, %swap3A_516] {strides = array<i32>} : memref<16x128xf32, #tpu.memory_space<vmem>>, vector<16xf32>,
    tpu.vector_store %arg21[%swap3A_515, %swap3A_516], %broadcast_in_dim3A_38 {strides = array<i32>} : memref<16x128xf32, #tpu.memory_space<vmem>>, vector<16xf32>,
    %swap3A_518 = arith.constant 15 : i32
    %swap3A_519 = arith.index_cast %swap3A_518 : i32 to index
    %swap3A_520 = arith.constant 0 : index
    %swap3A_521 = tpu.vector_load %arg21[%swap3A_519, %swap3A_520] {strides = array<i32>} : memref<16x128xf32, #tpu.memory_space<vmem>>, vector<16xf32>,
    tpu.vector_store %arg21[%swap3A_519, %swap3A_520], %broadcast_in_dim3A_38 {strides = array<i32>} : memref<16x128xf32, #tpu.memory_space<vmem>>, vector<16xf32>,
    %swap3A_522 = arith.constant 15 : i32
    %swap3A_523 = arith.index_cast %swap3A_522 : i32 to index
    %swap3A_524 = arith.constant 16 : index
    %swap3A_525 = tpu.vector_load %arg21[%swap3A_523, %swap3A_524] {strides = array<i32>} : memref<16x128xf32, #tpu.memory_space<vmem>>, vector<16xf32>,
    tpu.vector_store %arg21[%swap3A_523, %swap3A_524], %broadcast_in_dim3A_38 {strides = array<i32>} : memref<16x128xf32, #tpu.memory_space<vmem>>, vector<16xf32>,
    %swap3A_526 = arith.constant 15 : i32
    %swap3A_527 = arith.index_cast %swap3A_526 : i32 to index
    %swap3A_528 = arith.constant 32 : index
    %swap3A_529 = tpu.vector_load %arg21[%swap3A_527, %swap3A_528] {strides = array<i32>} : memref<16x128xf32, #tpu.memory_space<vmem>>, vector<16xf32>,
    tpu.vector_store %arg21[%swap3A_527, %swap3A_528], %broadcast_in_dim3A_38 {strides = array<i32>} : memref<16x128xf32, #tpu.memory_space<vmem>>, vector<16xf32>,
    %swap3A_530 = arith.constant 15 : i32
    %swap3A_531 = arith.index_cast %swap3A_530 : i32 to index
    %swap3A_532 = arith.constant 48 : index
    %swap3A_533 = tpu.vector_load %arg21[%swap3A_531, %swap3A_532] {strides = array<i32>} : memref<16x128xf32, #tpu.memory_space<vmem>>, vector<16xf32>,
    tpu.vector_store %arg21[%swap3A_531, %swap3A_532], %broadcast_in_dim3A_38 {strides = array<i32>} : memref<16x128xf32, #tpu.memory_space<vmem>>, vector<16xf32>,
    %swap3A_534 = arith.constant 15 : i32
    %swap3A_535 = arith.index_cast %swap3A_534 : i32 to index
    %swap3A_536 = arith.constant 64 : index
    %swap3A_537 = tpu.vector_load %arg21[%swap3A_535, %swap3A_536] {strides = array<i32>} : memref<16x128xf32, #tpu.memory_space<vmem>>, vector<16xf32>,
    tpu.vector_store %arg21[%swap3A_535, %swap3A_536], %broadcast_in_dim3A_38 {strides = array<i32>} : memref<16x128xf32, #tpu.memory_space<vmem>>, vector<16xf32>,
    %swap3A_538 = arith.constant 15 : i32
    %swap3A_539 = arith.index_cast %swap3A_538 : i32 to index
    %swap3A_540 = arith.constant 80 : index
    %swap3A_541 = tpu.vector_load %arg21[%swap3A_539, %swap3A_540] {strides = array<i32>} : memref<16x128xf32, #tpu.memory_space<vmem>>, vector<16xf32>,
    tpu.vector_store %arg21[%swap3A_539, %swap3A_540], %broadcast_in_dim3A_38 {strides = array<i32>} : memref<16x128xf32, #tpu.memory_space<vmem>>, vector<16xf32>,
    %swap3A_542 = arith.constant 15 : i32
    %swap3A_543 = arith.index_cast %swap3A_542 : i32 to index
    %swap3A_544 = arith.constant 96 : index
    %swap3A_545 = tpu.vector_load %arg21[%swap3A_543, %swap3A_544] {strides = array<i32>} : memref<16x128xf32, #tpu.memory_space<vmem>>, vector<16xf32>,
    tpu.vector_store %arg21[%swap3A_543, %swap3A_544], %broadcast_in_dim3A_38 {strides = array<i32>} : memref<16x128xf32, #tpu.memory_space<vmem>>, vector<16xf32>,
    %swap3A_546 = arith.constant 15 : i32
    %swap3A_547 = arith.index_cast %swap3A_546 : i32 to index
    %swap3A_548 = arith.constant 112 : index
    %swap3A_549 = tpu.vector_load %arg21[%swap3A_547, %swap3A_548] {strides = array<i32>} : memref<16x128xf32, #tpu.memory_space<vmem>>, vector<16xf32>,
    tpu.vector_store %arg21[%swap3A_547, %swap3A_548], %broadcast_in_dim3A_38 {strides = array<i32>} : memref<16x128xf32, #tpu.memory_space<vmem>>, vector<16xf32>,
    %mul3A_550 = arith.constant 624 : i32
    %mul3A_551 = arith.muli %arg1, %mul3A_550 : i32
    %scan3A = arith.constant 0 : i32
    %scan3A_552 = arith.constant 0 : i32
    %scan3A_553 = arith.constant 39 : i32
    %scan3A_554 = arith.addi %scan3A_552, %scan3A_553 : i32
    %scan3A_555 = arith.constant 1 : i32
    %scan3A_556 = scf.for %scan3A_601 = %scan3A_552 to %scan3A_554 step %scan3A_555 iter_args(%scan3A_602 = %scan3A) -> (i32)  : i32 {
      %mul3A_603 = arith.constant 16 : i32
      %mul3A_604 = arith.muli %scan3A_601, %mul3A_603 : i32
      %add3A_605 = arith.addi %mul3A_551, %mul3A_604 : i32
      "tpu.region"() ({
        %run_scoped3A = tpu.sem_alloc : memref<!tpu.dma_semaphore, #tpu.memory_space<semaphore_mem>>
        %dma_start3A_607 = arith.constant 0 : i32
        %dma_start3A_608 = tpu.memref_slice %arg22[%add3A_605, %dma_start3A_607] : memref<10032x128xf32, #tpu.memory_space<vmem_shared>> -> memref<16x128xf32, #tpu.memory_space<vmem_shared>>
        %dma_start3A_609 = arith.constant 0 : i32
        %dma_start3A_610 = tpu.memref_slice %arg22[%add3A_605, %dma_start3A_609] : memref<10032x128xf32, #tpu.memory_space<vmem_shared>> -> memref<16x128xf32, #tpu.memory_space<vmem_shared>>
        tpu.enqueue_dma source(%arg21 : memref<16x128xf32, #tpu.memory_space<vmem>>) target(%dma_start3A_610 : memref<16x128xf32, #tpu.memory_space<vmem_shared>>) target_semaphore(%run_scoped3A : memref<!tpu.dma_semaphore, #tpu.memory_space<semaphore_mem>>)
        %dma_wait3A_611 = arith.constant 0 : i32
        %dma_wait3A_612 = tpu.memref_slice %arg22[%add3A_605, %dma_wait3A_611] : memref<10032x128xf32, #tpu.memory_space<vmem_shared>> -> memref<16x128xf32, #tpu.memory_space<vmem_shared>>
        %dma_wait3A_613 = arith.constant 0 : i32
        %dma_wait3A_614 = tpu.memref_slice %arg22[%add3A_605, %dma_wait3A_613] : memref<10032x128xf32, #tpu.memory_space<vmem_shared>> -> memref<16x128xf32, #tpu.memory_space<vmem_shared>>
        tpu.wait_dma2 semaphore(%run_scoped3A : memref<!tpu.dma_semaphore, #tpu.memory_space<semaphore_mem>>) src(%arg21 : memref<16x128xf32, #tpu.memory_space<vmem>>) dst(%dma_wait3A_614 : memref<16x128xf32, #tpu.memory_space<vmem_shared>>)
        tpu.yield
      }) : () -> ()
      %scan3A_606 = arith.constant 0 : i32
      scf.yield %scan3A_606 : i32
    }
    %scan3A_557 = arith.constant 39 : i32
    %eq3A = arith.constant 0 : i32
    %eq3A_558 = arith.cmpi eq, %arg1, %eq3A : i32
    %convert_element_type3A = arith.extui %eq3A_558 : i1 to i32
    %cond3A = arith.constant 0 : i32
    %cond3A_559 = arith.cmpi ne, %convert_element_type3A, %cond3A : i32
    scf.if %cond3A_559 {
      "tpu.region"() ({
        %run_scoped3A = tpu.sem_alloc : memref<!tpu.dma_semaphore, #tpu.memory_space<semaphore_mem>>
        %dma_start3A_601 = arith.constant 9984 : i32
        %dma_start3A_602 = arith.constant 0 : i32
        %dma_start3A_603 = tpu.memref_slice %arg22[%dma_start3A_601, %dma_start3A_602] : memref<10032x128xf32, #tpu.memory_space<vmem_shared>> -> memref<16x128xf32, #tpu.memory_space<vmem_shared>>
        %dma_start3A_604 = arith.constant 9984 : i32
        %dma_start3A_605 = arith.constant 0 : i32
        %dma_start3A_606 = tpu.memref_slice %arg22[%dma_start3A_604, %dma_start3A_605] : memref<10032x128xf32, #tpu.memory_space<vmem_shared>> -> memref<16x128xf32, #tpu.memory_space<vmem_shared>>
        tpu.enqueue_dma source(%arg21 : memref<16x128xf32, #tpu.memory_space<vmem>>) target(%dma_start3A_606 : memref<16x128xf32, #tpu.memory_space<vmem_shared>>) target_semaphore(%run_scoped3A : memref<!tpu.dma_semaphore, #tpu.memory_space<semaphore_mem>>)
        %dma_wait3A_607 = arith.constant 9984 : i32
        %dma_wait3A_608 = arith.constant 0 : i32
        %dma_wait3A_609 = tpu.memref_slice %arg22[%dma_wait3A_607, %dma_wait3A_608] : memref<10032x128xf32, #tpu.memory_space<vmem_shared>> -> memref<16x128xf32, #tpu.memory_space<vmem_shared>>
        %dma_wait3A_610 = arith.constant 9984 : i32
        %dma_wait3A_611 = arith.constant 0 : i32
        %dma_wait3A_612 = tpu.memref_slice %arg22[%dma_wait3A_610, %dma_wait3A_611] : memref<10032x128xf32, #tpu.memory_space<vmem_shared>> -> memref<16x128xf32, #tpu.memory_space<vmem_shared>>
        tpu.wait_dma2 semaphore(%run_scoped3A : memref<!tpu.dma_semaphore, #tpu.memory_space<semaphore_mem>>) src(%arg21 : memref<16x128xf32, #tpu.memory_space<vmem>>) dst(%dma_wait3A_612 : memref<16x128xf32, #tpu.memory_space<vmem_shared>>)
        tpu.yield
      }) : () -> ()
    } else {
    }
    %barrier3A = arith.constant 0 : index
    tpu.barrier barrier_id(%barrier3A)
    %dma_wait3A = arith.constant 0 : i32
    %dma_wait3A_560 = tpu.memref_slice %arg2[%dma_wait3A] : memref<645120xi32, #tpu.memory_space<hbm>> -> memref<112xi32, #tpu.memory_space<hbm>>
    %dma_wait3A_561 = arith.constant 0 : i32
    %dma_wait3A_562 = tpu.memref_slice %arg2[%dma_wait3A_561] : memref<645120xi32, #tpu.memory_space<hbm>> -> memref<112xi32, #tpu.memory_space<hbm>>
    tpu.wait_dma2 semaphore(%arg23 : memref<!tpu.dma_semaphore, #tpu.memory_space<semaphore_mem>>) src(%dma_wait3A_562 : memref<112xi32, #tpu.memory_space<hbm>>) dst(%arg6 : memref<112xi32, #tpu.memory_space<vmem>>)
    %dma_wait3A_563 = arith.constant 0 : i32
    %dma_wait3A_564 = tpu.memref_slice %arg3[%dma_wait3A_563] : memref<645120xi32, #tpu.memory_space<hbm>> -> memref<112xi32, #tpu.memory_space<hbm>>
    %dma_wait3A_565 = arith.constant 0 : i32
    %dma_wait3A_566 = tpu.memref_slice %arg3[%dma_wait3A_565] : memref<645120xi32, #tpu.memory_space<hbm>> -> memref<112xi32, #tpu.memory_space<hbm>>
    tpu.wait_dma2 semaphore(%arg23 : memref<!tpu.dma_semaphore, #tpu.memory_space<semaphore_mem>>) src(%dma_wait3A_566 : memref<112xi32, #tpu.memory_space<hbm>>) dst(%arg12 : memref<112xi32, #tpu.memory_space<vmem>>)
    %dma_start3A_567 = arith.constant 0 : i32
    %dma_start3A_568 = arith.constant 0 : i32
    %dma_start3A_569 = tpu.memref_slice %arg4[%dma_start3A_567, %dma_start3A_568] : memref<20000x128xf32, #tpu.memory_space<hbm>> -> memref<20000x128xf32, #tpu.memory_space<hbm>>
    tpu.enqueue_indirect_dma source(%dma_start3A_569 : memref<20000x128xf32, #tpu.memory_space<hbm>>) target(%arg18 : memref<112x128xf32, #tpu.memory_space<vmem>>) offsets(%arg6 : memref<112xi32, #tpu.memory_space<vmem>>) semaphore(%arg29 : memref<!tpu.dma_semaphore, #tpu.memory_space<semaphore_mem>>)
    %dma_wait3A_570 = arith.constant 0 : i32
    %dma_wait3A_571 = tpu.memref_slice %arg2[%dma_wait3A_570] : memref<645120xi32, #tpu.memory_space<hbm>> -> memref<112xi32, #tpu.memory_space<hbm>>
    %dma_wait3A_572 = arith.constant 0 : i32
    %dma_wait3A_573 = tpu.memref_slice %arg2[%dma_wait3A_572] : memref<645120xi32, #tpu.memory_space<hbm>> -> memref<112xi32, #tpu.memory_space<hbm>>
    tpu.wait_dma2 semaphore(%arg24 : memref<!tpu.dma_semaphore, #tpu.memory_space<semaphore_mem>>) src(%dma_wait3A_573 : memref<112xi32, #tpu.memory_space<hbm>>) dst(%arg7 : memref<112xi32, #tpu.memory_space<vmem>>)
    %dma_wait3A_574 = arith.constant 0 : i32
    %dma_wait3A_575 = tpu.memref_slice %arg3[%dma_wait3A_574] : memref<645120xi32, #tpu.memory_space<hbm>> -> memref<112xi32, #tpu.memory_space<hbm>>
    %dma_wait3A_576 = arith.constant 0 : i32
    %dma_wait3A_577 = tpu.memref_slice %arg3[%dma_wait3A_576] : memref<645120xi32, #tpu.memory_space<hbm>> -> memref<112xi32, #tpu.memory_space<hbm>>
    tpu.wait_dma2 semaphore(%arg24 : memref<!tpu.dma_semaphore, #tpu.memory_space<semaphore_mem>>) src(%dma_wait3A_577 : memref<112xi32, #tpu.memory_space<hbm>>) dst(%arg13 : memref<112xi32, #tpu.memory_space<vmem>>)
    %dma_start3A_578 = arith.constant 0 : i32
    %dma_start3A_579 = arith.constant 0 : i32
    %dma_start3A_580 = tpu.memref_slice %arg4[%dma_start3A_578, %dma_start3A_579] : memref<20000x128xf32, #tpu.memory_space<hbm>> -> memref<20000x128xf32, #tpu.memory_space<hbm>>
    tpu.enqueue_indirect_dma source(%dma_start3A_580 : memref<20000x128xf32, #tpu.memory_space<hbm>>) target(%arg19 : memref<112x128xf32, #tpu.memory_space<vmem>>) offsets(%arg7 : memref<112xi32, #tpu.memory_space<vmem>>) semaphore(%arg30 : memref<!tpu.dma_semaphore, #tpu.memory_space<semaphore_mem>>)
    %scan3A_581 = arith.constant 0 : i32
    %scan3A_582 = arith.constant 0 : i32
    %scan3A_583 = arith.constant 30 : i32
    %scan3A_584 = arith.addi %scan3A_582, %scan3A_583 : i32
    %scan3A_585 = arith.constant 1 : i32
    %scan3A_586 = scf.for %scan3A_601 = %scan3A_582 to %scan3A_584 step %scan3A_585 iter_args(%scan3A_602 = %scan3A_581) -> (i32)  : i32 {
      %mul3A_603 = arith.constant 6 : i32
      %mul3A_604 = arith.muli %mul3A_603, %scan3A_601 : i32
      %dma_wait3A_605 = arith.constant 0 : i32
      %dma_wait3A_606 = tpu.memref_slice %arg2[%dma_wait3A_605] : memref<645120xi32, #tpu.memory_space<hbm>> -> memref<112xi32, #tpu.memory_space<hbm>>
      %dma_wait3A_607 = arith.constant 0 : i32
      %dma_wait3A_608 = tpu.memref_slice %arg2[%dma_wait3A_607] : memref<645120xi32, #tpu.memory_space<hbm>> -> memref<112xi32, #tpu.memory_space<hbm>>
      tpu.wait_dma2 semaphore(%arg25 : memref<!tpu.dma_semaphore, #tpu.memory_space<semaphore_mem>>) src(%dma_wait3A_608 : memref<112xi32, #tpu.memory_space<hbm>>) dst(%arg8 : memref<112xi32, #tpu.memory_space<vmem>>)
      %dma_wait3A_609 = arith.constant 0 : i32
      %dma_wait3A_610 = tpu.memref_slice %arg3[%dma_wait3A_609] : memref<645120xi32, #tpu.memory_space<hbm>> -> memref<112xi32, #tpu.memory_space<hbm>>
      %dma_wait3A_611 = arith.constant 0 : i32
      %dma_wait3A_612 = tpu.memref_slice %arg3[%dma_wait3A_611] : memref<645120xi32, #tpu.memory_space<hbm>> -> memref<112xi32, #tpu.memory_space<hbm>>
      tpu.wait_dma2 semaphore(%arg25 : memref<!tpu.dma_semaphore, #tpu.memory_space<semaphore_mem>>) src(%dma_wait3A_612 : memref<112xi32, #tpu.memory_space<hbm>>) dst(%arg14 : memref<112xi32, #tpu.memory_space<vmem>>)
      %dma_start3A_613 = arith.constant 0 : i32
      %dma_start3A_614 = arith.constant 0 : i32
      %dma_start3A_615 = tpu.memref_slice %arg4[%dma_start3A_613, %dma_start3A_614] : memref<20000x128xf32, #tpu.memory_space<hbm>> -> memref<20000x128xf32, #tpu.memory_space<hbm>>
      tpu.enqueue_indirect_dma source(%dma_start3A_615 : memref<20000x128xf32, #tpu.memory_space<hbm>>) target(%arg20 : memref<112x128xf32, #tpu.memory_space<vmem>>) offsets(%arg8 : memref<112xi32, #tpu.memory_space<vmem>>) semaphore(%arg31 : memref<!tpu.dma_semaphore, #tpu.memory_space<semaphore_mem>>)
      %dma_wait3A_616 = arith.constant 0 : i32
      %dma_wait3A_617 = arith.constant 0 : i32
      %dma_wait3A_618 = tpu.memref_slice %arg4[%dma_wait3A_616, %dma_wait3A_617] : memref<20000x128xf32, #tpu.memory_space<hbm>> -> memref<20000x128xf32, #tpu.memory_space<hbm>>
      tpu.wait_indirect_dma semaphore(%arg29 : memref<!tpu.dma_semaphore, #tpu.memory_space<semaphore_mem>>) src(%dma_wait3A_618 : memref<20000x128xf32, #tpu.memory_space<hbm>>) dst(%arg18 : memref<112x128xf32, #tpu.memory_space<vmem>>)
      "tpu.region"() ({
        %run_scoped3A = tpu.sem_alloc : memref<!tpu.dma_semaphore, #tpu.memory_space<semaphore_mem>>
        %dma_start3A_707 = arith.constant 0 : i32
        %dma_start3A_708 = arith.constant 0 : i32
        %dma_start3A_709 = tpu.memref_slice %arg22[%dma_start3A_707, %dma_start3A_708] : memref<10032x128xf32, #tpu.memory_space<vmem_shared>> -> memref<10032x128xf32, #tpu.memory_space<vmem_shared>>
        tpu.enqueue_indirect_dma source(%arg18 : memref<112x128xf32, #tpu.memory_space<vmem>>) target(%dma_start3A_709 : memref<10032x128xf32, #tpu.memory_space<vmem_shared>>) offsets(%arg12 : memref<112xi32, #tpu.memory_space<vmem>>) semaphore(%run_scoped3A : memref<!tpu.dma_semaphore, #tpu.memory_space<semaphore_mem>>) {add = true}
        %dma_wait3A_710 = arith.constant 0 : i32
        %dma_wait3A_711 = arith.constant 0 : i32
        %dma_wait3A_712 = tpu.memref_slice %arg22[%dma_wait3A_710, %dma_wait3A_711] : memref<10032x128xf32, #tpu.memory_space<vmem_shared>> -> memref<10032x128xf32, #tpu.memory_space<vmem_shared>>
        tpu.wait_indirect_dma semaphore(%run_scoped3A : memref<!tpu.dma_semaphore, #tpu.memory_space<semaphore_mem>>) src(%arg18 : memref<112x128xf32, #tpu.memory_space<vmem>>) dst(%dma_wait3A_712 : memref<10032x128xf32, #tpu.memory_space<vmem_shared>>)
        tpu.yield
      }) : () -> ()
      %lt3A = arith.constant 29 : i32
      %lt3A_619 = arith.cmpi slt, %scan3A_601, %lt3A : i32
      %convert_element_type3A_620 = arith.extui %lt3A_619 : i1 to i32
      %cond3A_621 = arith.constant 0 : i32
      %cond3A_622 = arith.cmpi ne, %convert_element_type3A_620, %cond3A_621 : i32
      scf.if %cond3A_622 {
        %add3A_707 = arith.constant 0 : i32
        %add3A_708 = arith.addi %mul3A_604, %add3A_707 : i32
        %add3A_709 = arith.constant 6 : i32
        %add3A_710 = arith.addi %add3A_708, %add3A_709 : i32
        %mul3A_711 = arith.constant 112 : i32
        %mul3A_712 = arith.muli %add3A_710, %mul3A_711 : i32
        %add3A_713 = arith.addi %mul3A_2, %mul3A_712 : i32
        %dma_start3A_714 = tpu.memref_slice %arg2[%add3A_713] : memref<645120xi32, #tpu.memory_space<hbm>> -> memref<112xi32, #tpu.memory_space<hbm>>
        %dma_start3A_715 = tpu.memref_slice %arg2[%add3A_713] : memref<645120xi32, #tpu.memory_space<hbm>> -> memref<112xi32, #tpu.memory_space<hbm>>
        tpu.enqueue_dma source(%dma_start3A_715 : memref<112xi32, #tpu.memory_space<hbm>>) target(%arg6 : memref<112xi32, #tpu.memory_space<vmem>>) target_semaphore(%arg23 : memref<!tpu.dma_semaphore, #tpu.memory_space<semaphore_mem>>)
        %dma_start3A_716 = tpu.memref_slice %arg3[%add3A_713] : memref<645120xi32, #tpu.memory_space<hbm>> -> memref<112xi32, #tpu.memory_space<hbm>>
        %dma_start3A_717 = tpu.memref_slice %arg3[%add3A_713] : memref<645120xi32, #tpu.memory_space<hbm>> -> memref<112xi32, #tpu.memory_space<hbm>>
        tpu.enqueue_dma source(%dma_start3A_717 : memref<112xi32, #tpu.memory_space<hbm>>) target(%arg12 : memref<112xi32, #tpu.memory_space<vmem>>) target_semaphore(%arg23 : memref<!tpu.dma_semaphore, #tpu.memory_space<semaphore_mem>>)
      } else {
      }
      %dma_wait3A_623 = arith.constant 0 : i32
      %dma_wait3A_624 = tpu.memref_slice %arg2[%dma_wait3A_623] : memref<645120xi32, #tpu.memory_space<hbm>> -> memref<112xi32, #tpu.memory_space<hbm>>
      %dma_wait3A_625 = arith.constant 0 : i32
      %dma_wait3A_626 = tpu.memref_slice %arg2[%dma_wait3A_625] : memref<645120xi32, #tpu.memory_space<hbm>> -> memref<112xi32, #tpu.memory_space<hbm>>
      tpu.wait_dma2 semaphore(%arg26 : memref<!tpu.dma_semaphore, #tpu.memory_space<semaphore_mem>>) src(%dma_wait3A_626 : memref<112xi32, #tpu.memory_space<hbm>>) dst(%arg9 : memref<112xi32, #tpu.memory_space<vmem>>)
      %dma_wait3A_627 = arith.constant 0 : i32
      %dma_wait3A_628 = tpu.memref_slice %arg3[%dma_wait3A_627] : memref<645120xi32, #tpu.memory_space<hbm>> -> memref<112xi32, #tpu.memory_space<hbm>>
      %dma_wait3A_629 = arith.constant 0 : i32
      %dma_wait3A_630 = tpu.memref_slice %arg3[%dma_wait3A_629] : memref<645120xi32, #tpu.memory_space<hbm>> -> memref<112xi32, #tpu.memory_space<hbm>>
      tpu.wait_dma2 semaphore(%arg26 : memref<!tpu.dma_semaphore, #tpu.memory_space<semaphore_mem>>) src(%dma_wait3A_630 : memref<112xi32, #tpu.memory_space<hbm>>) dst(%arg15 : memref<112xi32, #tpu.memory_space<vmem>>)
      %dma_start3A_631 = arith.constant 0 : i32
      %dma_start3A_632 = arith.constant 0 : i32
      %dma_start3A_633 = tpu.memref_slice %arg4[%dma_start3A_631, %dma_start3A_632] : memref<20000x128xf32, #tpu.memory_space<hbm>> -> memref<20000x128xf32, #tpu.memory_space<hbm>>
      tpu.enqueue_indirect_dma source(%dma_start3A_633 : memref<20000x128xf32, #tpu.memory_space<hbm>>) target(%arg18 : memref<112x128xf32, #tpu.memory_space<vmem>>) offsets(%arg9 : memref<112xi32, #tpu.memory_space<vmem>>) semaphore(%arg29 : memref<!tpu.dma_semaphore, #tpu.memory_space<semaphore_mem>>)
      %dma_wait3A_634 = arith.constant 0 : i32
      %dma_wait3A_635 = arith.constant 0 : i32
      %dma_wait3A_636 = tpu.memref_slice %arg4[%dma_wait3A_634, %dma_wait3A_635] : memref<20000x128xf32, #tpu.memory_space<hbm>> -> memref<20000x128xf32, #tpu.memory_space<hbm>>
      tpu.wait_indirect_dma semaphore(%arg30 : memref<!tpu.dma_semaphore, #tpu.memory_space<semaphore_mem>>) src(%dma_wait3A_636 : memref<20000x128xf32, #tpu.memory_space<hbm>>) dst(%arg19 : memref<112x128xf32, #tpu.memory_space<vmem>>)
      "tpu.region"() ({
        %run_scoped3A = tpu.sem_alloc : memref<!tpu.dma_semaphore, #tpu.memory_space<semaphore_mem>>
        %dma_start3A_707 = arith.constant 0 : i32
        %dma_start3A_708 = arith.constant 0 : i32
        %dma_start3A_709 = tpu.memref_slice %arg22[%dma_start3A_707, %dma_start3A_708] : memref<10032x128xf32, #tpu.memory_space<vmem_shared>> -> memref<10032x128xf32, #tpu.memory_space<vmem_shared>>
        tpu.enqueue_indirect_dma source(%arg19 : memref<112x128xf32, #tpu.memory_space<vmem>>) target(%dma_start3A_709 : memref<10032x128xf32, #tpu.memory_space<vmem_shared>>) offsets(%arg13 : memref<112xi32, #tpu.memory_space<vmem>>) semaphore(%run_scoped3A : memref<!tpu.dma_semaphore, #tpu.memory_space<semaphore_mem>>) {add = true}
        %dma_wait3A_710 = arith.constant 0 : i32
        %dma_wait3A_711 = arith.constant 0 : i32
        %dma_wait3A_712 = tpu.memref_slice %arg22[%dma_wait3A_710, %dma_wait3A_711] : memref<10032x128xf32, #tpu.memory_space<vmem_shared>> -> memref<10032x128xf32, #tpu.memory_space<vmem_shared>>
        tpu.wait_indirect_dma semaphore(%run_scoped3A : memref<!tpu.dma_semaphore, #tpu.memory_space<semaphore_mem>>) src(%arg19 : memref<112x128xf32, #tpu.memory_space<vmem>>) dst(%dma_wait3A_712 : memref<10032x128xf32, #tpu.memory_space<vmem_shared>>)
        tpu.yield
      }) : () -> ()
      %lt3A_637 = arith.constant 29 : i32
      %lt3A_638 = arith.cmpi slt, %scan3A_601, %lt3A_637 : i32
      %convert_element_type3A_639 = arith.extui %lt3A_638 : i1 to i32
      %cond3A_640 = arith.constant 0 : i32
      %cond3A_641 = arith.cmpi ne, %convert_element_type3A_639, %cond3A_640 : i32
      scf.if %cond3A_641 {
        %add3A_707 = arith.constant 1 : i32
        %add3A_708 = arith.addi %mul3A_604, %add3A_707 : i32
        %add3A_709 = arith.constant 6 : i32
        %add3A_710 = arith.addi %add3A_708, %add3A_709 : i32
        %mul3A_711 = arith.constant 112 : i32
        %mul3A_712 = arith.muli %add3A_710, %mul3A_711 : i32
        %add3A_713 = arith.addi %mul3A_2, %mul3A_712 : i32
        %dma_start3A_714 = tpu.memref_slice %arg2[%add3A_713] : memref<645120xi32, #tpu.memory_space<hbm>> -> memref<112xi32, #tpu.memory_space<hbm>>
        %dma_start3A_715 = tpu.memref_slice %arg2[%add3A_713] : memref<645120xi32, #tpu.memory_space<hbm>> -> memref<112xi32, #tpu.memory_space<hbm>>
        tpu.enqueue_dma source(%dma_start3A_715 : memref<112xi32, #tpu.memory_space<hbm>>) target(%arg7 : memref<112xi32, #tpu.memory_space<vmem>>) target_semaphore(%arg24 : memref<!tpu.dma_semaphore, #tpu.memory_space<semaphore_mem>>)
        %dma_start3A_716 = tpu.memref_slice %arg3[%add3A_713] : memref<645120xi32, #tpu.memory_space<hbm>> -> memref<112xi32, #tpu.memory_space<hbm>>
        %dma_start3A_717 = tpu.memref_slice %arg3[%add3A_713] : memref<645120xi32, #tpu.memory_space<hbm>> -> memref<112xi32, #tpu.memory_space<hbm>>
        tpu.enqueue_dma source(%dma_start3A_717 : memref<112xi32, #tpu.memory_space<hbm>>) target(%arg13 : memref<112xi32, #tpu.memory_space<vmem>>) target_semaphore(%arg24 : memref<!tpu.dma_semaphore, #tpu.memory_space<semaphore_mem>>)
      } else {
      }
      %dma_wait3A_642 = arith.constant 0 : i32
      %dma_wait3A_643 = tpu.memref_slice %arg2[%dma_wait3A_642] : memref<645120xi32, #tpu.memory_space<hbm>> -> memref<112xi32, #tpu.memory_space<hbm>>
      %dma_wait3A_644 = arith.constant 0 : i32
      %dma_wait3A_645 = tpu.memref_slice %arg2[%dma_wait3A_644] : memref<645120xi32, #tpu.memory_space<hbm>> -> memref<112xi32, #tpu.memory_space<hbm>>
      tpu.wait_dma2 semaphore(%arg27 : memref<!tpu.dma_semaphore, #tpu.memory_space<semaphore_mem>>) src(%dma_wait3A_645 : memref<112xi32, #tpu.memory_space<hbm>>) dst(%arg10 : memref<112xi32, #tpu.memory_space<vmem>>)
      %dma_wait3A_646 = arith.constant 0 : i32
      %dma_wait3A_647 = tpu.memref_slice %arg3[%dma_wait3A_646] : memref<645120xi32, #tpu.memory_space<hbm>> -> memref<112xi32, #tpu.memory_space<hbm>>
      %dma_wait3A_648 = arith.constant 0 : i32
      %dma_wait3A_649 = tpu.memref_slice %arg3[%dma_wait3A_648] : memref<645120xi32, #tpu.memory_space<hbm>> -> memref<112xi32, #tpu.memory_space<hbm>>
      tpu.wait_dma2 semaphore(%arg27 : memref<!tpu.dma_semaphore, #tpu.memory_space<semaphore_mem>>) src(%dma_wait3A_649 : memref<112xi32, #tpu.memory_space<hbm>>) dst(%arg16 : memref<112xi32, #tpu.memory_space<vmem>>)
      %dma_start3A_650 = arith.constant 0 : i32
      %dma_start3A_651 = arith.constant 0 : i32
      %dma_start3A_652 = tpu.memref_slice %arg4[%dma_start3A_650, %dma_start3A_651] : memref<20000x128xf32, #tpu.memory_space<hbm>> -> memref<20000x128xf32, #tpu.memory_space<hbm>>
      tpu.enqueue_indirect_dma source(%dma_start3A_652 : memref<20000x128xf32, #tpu.memory_space<hbm>>) target(%arg19 : memref<112x128xf32, #tpu.memory_space<vmem>>) offsets(%arg10 : memref<112xi32, #tpu.memory_space<vmem>>) semaphore(%arg30 : memref<!tpu.dma_semaphore, #tpu.memory_space<semaphore_mem>>)
      %dma_wait3A_653 = arith.constant 0 : i32
      %dma_wait3A_654 = arith.constant 0 : i32
      %dma_wait3A_655 = tpu.memref_slice %arg4[%dma_wait3A_653, %dma_wait3A_654] : memref<20000x128xf32, #tpu.memory_space<hbm>> -> memref<20000x128xf32, #tpu.memory_space<hbm>>
      tpu.wait_indirect_dma semaphore(%arg31 : memref<!tpu.dma_semaphore, #tpu.memory_space<semaphore_mem>>) src(%dma_wait3A_655 : memref<20000x128xf32, #tpu.memory_space<hbm>>) dst(%arg20 : memref<112x128xf32, #tpu.memory_space<vmem>>)
      "tpu.region"() ({
        %run_scoped3A = tpu.sem_alloc : memref<!tpu.dma_semaphore, #tpu.memory_space<semaphore_mem>>
        %dma_start3A_707 = arith.constant 0 : i32
        %dma_start3A_708 = arith.constant 0 : i32
        %dma_start3A_709 = tpu.memref_slice %arg22[%dma_start3A_707, %dma_start3A_708] : memref<10032x128xf32, #tpu.memory_space<vmem_shared>> -> memref<10032x128xf32, #tpu.memory_space<vmem_shared>>
        tpu.enqueue_indirect_dma source(%arg20 : memref<112x128xf32, #tpu.memory_space<vmem>>) target(%dma_start3A_709 : memref<10032x128xf32, #tpu.memory_space<vmem_shared>>) offsets(%arg14 : memref<112xi32, #tpu.memory_space<vmem>>) semaphore(%run_scoped3A : memref<!tpu.dma_semaphore, #tpu.memory_space<semaphore_mem>>) {add = true}
        %dma_wait3A_710 = arith.constant 0 : i32
        %dma_wait3A_711 = arith.constant 0 : i32
        %dma_wait3A_712 = tpu.memref_slice %arg22[%dma_wait3A_710, %dma_wait3A_711] : memref<10032x128xf32, #tpu.memory_space<vmem_shared>> -> memref<10032x128xf32, #tpu.memory_space<vmem_shared>>
        tpu.wait_indirect_dma semaphore(%run_scoped3A : memref<!tpu.dma_semaphore, #tpu.memory_space<semaphore_mem>>) src(%arg20 : memref<112x128xf32, #tpu.memory_space<vmem>>) dst(%dma_wait3A_712 : memref<10032x128xf32, #tpu.memory_space<vmem_shared>>)
        tpu.yield
      }) : () -> ()
      %lt3A_656 = arith.constant 29 : i32
      %lt3A_657 = arith.cmpi slt, %scan3A_601, %lt3A_656 : i32
      %convert_element_type3A_658 = arith.extui %lt3A_657 : i1 to i32
      %cond3A_659 = arith.constant 0 : i32
      %cond3A_660 = arith.cmpi ne, %convert_element_type3A_658, %cond3A_659 : i32
      scf.if %cond3A_660 {
        %add3A_707 = arith.constant 2 : i32
        %add3A_708 = arith.addi %mul3A_604, %add3A_707 : i32
        %add3A_709 = arith.constant 6 : i32
        %add3A_710 = arith.addi %add3A_708, %add3A_709 : i32
        %mul3A_711 = arith.constant 112 : i32
        %mul3A_712 = arith.muli %add3A_710, %mul3A_711 : i32
        %add3A_713 = arith.addi %mul3A_2, %mul3A_712 : i32
        %dma_start3A_714 = tpu.memref_slice %arg2[%add3A_713] : memref<645120xi32, #tpu.memory_space<hbm>> -> memref<112xi32, #tpu.memory_space<hbm>>
        %dma_start3A_715 = tpu.memref_slice %arg2[%add3A_713] : memref<645120xi32, #tpu.memory_space<hbm>> -> memref<112xi32, #tpu.memory_space<hbm>>
        tpu.enqueue_dma source(%dma_start3A_715 : memref<112xi32, #tpu.memory_space<hbm>>) target(%arg8 : memref<112xi32, #tpu.memory_space<vmem>>) target_semaphore(%arg25 : memref<!tpu.dma_semaphore, #tpu.memory_space<semaphore_mem>>)
        %dma_start3A_716 = tpu.memref_slice %arg3[%add3A_713] : memref<645120xi32, #tpu.memory_space<hbm>> -> memref<112xi32, #tpu.memory_space<hbm>>
        %dma_start3A_717 = tpu.memref_slice %arg3[%add3A_713] : memref<645120xi32, #tpu.memory_space<hbm>> -> memref<112xi32, #tpu.memory_space<hbm>>
        tpu.enqueue_dma source(%dma_start3A_717 : memref<112xi32, #tpu.memory_space<hbm>>) target(%arg14 : memref<112xi32, #tpu.memory_space<vmem>>) target_semaphore(%arg25 : memref<!tpu.dma_semaphore, #tpu.memory_space<semaphore_mem>>)
      } else {
      }
      %dma_wait3A_661 = arith.constant 0 : i32
      %dma_wait3A_662 = tpu.memref_slice %arg2[%dma_wait3A_661] : memref<645120xi32, #tpu.memory_space<hbm>> -> memref<112xi32, #tpu.memory_space<hbm>>
      %dma_wait3A_663 = arith.constant 0 : i32
      %dma_wait3A_664 = tpu.memref_slice %arg2[%dma_wait3A_663] : memref<645120xi32, #tpu.memory_space<hbm>> -> memref<112xi32, #tpu.memory_space<hbm>>
      tpu.wait_dma2 semaphore(%arg28 : memref<!tpu.dma_semaphore, #tpu.memory_space<semaphore_mem>>) src(%dma_wait3A_664 : memref<112xi32, #tpu.memory_space<hbm>>) dst(%arg11 : memref<112xi32, #tpu.memory_space<vmem>>)
      %dma_wait3A_665 = arith.constant 0 : i32
      %dma_wait3A_666 = tpu.memref_slice %arg3[%dma_wait3A_665] : memref<645120xi32, #tpu.memory_space<hbm>> -> memref<112xi32, #tpu.memory_space<hbm>>
      %dma_wait3A_667 = arith.constant 0 : i32
      %dma_wait3A_668 = tpu.memref_slice %arg3[%dma_wait3A_667] : memref<645120xi32, #tpu.memory_space<hbm>> -> memref<112xi32, #tpu.memory_space<hbm>>
      tpu.wait_dma2 semaphore(%arg28 : memref<!tpu.dma_semaphore, #tpu.memory_space<semaphore_mem>>) src(%dma_wait3A_668 : memref<112xi32, #tpu.memory_space<hbm>>) dst(%arg17 : memref<112xi32, #tpu.memory_space<vmem>>)
      %dma_start3A_669 = arith.constant 0 : i32
      %dma_start3A_670 = arith.constant 0 : i32
      %dma_start3A_671 = tpu.memref_slice %arg4[%dma_start3A_669, %dma_start3A_670] : memref<20000x128xf32, #tpu.memory_space<hbm>> -> memref<20000x128xf32, #tpu.memory_space<hbm>>
      tpu.enqueue_indirect_dma source(%dma_start3A_671 : memref<20000x128xf32, #tpu.memory_space<hbm>>) target(%arg20 : memref<112x128xf32, #tpu.memory_space<vmem>>) offsets(%arg11 : memref<112xi32, #tpu.memory_space<vmem>>) semaphore(%arg31 : memref<!tpu.dma_semaphore, #tpu.memory_space<semaphore_mem>>)
      %dma_wait3A_672 = arith.constant 0 : i32
      %dma_wait3A_673 = arith.constant 0 : i32
      %dma_wait3A_674 = tpu.memref_slice %arg4[%dma_wait3A_672, %dma_wait3A_673] : memref<20000x128xf32, #tpu.memory_space<hbm>> -> memref<20000x128xf32, #tpu.memory_space<hbm>>
      tpu.wait_indirect_dma semaphore(%arg29 : memref<!tpu.dma_semaphore, #tpu.memory_space<semaphore_mem>>) src(%dma_wait3A_674 : memref<20000x128xf32, #tpu.memory_space<hbm>>) dst(%arg18 : memref<112x128xf32, #tpu.memory_space<vmem>>)
      "tpu.region"() ({
        %run_scoped3A = tpu.sem_alloc : memref<!tpu.dma_semaphore, #tpu.memory_space<semaphore_mem>>
        %dma_start3A_707 = arith.constant 0 : i32
        %dma_start3A_708 = arith.constant 0 : i32
        %dma_start3A_709 = tpu.memref_slice %arg22[%dma_start3A_707, %dma_start3A_708] : memref<10032x128xf32, #tpu.memory_space<vmem_shared>> -> memref<10032x128xf32, #tpu.memory_space<vmem_shared>>
        tpu.enqueue_indirect_dma source(%arg18 : memref<112x128xf32, #tpu.memory_space<vmem>>) target(%dma_start3A_709 : memref<10032x128xf32, #tpu.memory_space<vmem_shared>>) offsets(%arg15 : memref<112xi32, #tpu.memory_space<vmem>>) semaphore(%run_scoped3A : memref<!tpu.dma_semaphore, #tpu.memory_space<semaphore_mem>>) {add = true}
        %dma_wait3A_710 = arith.constant 0 : i32
        %dma_wait3A_711 = arith.constant 0 : i32
        %dma_wait3A_712 = tpu.memref_slice %arg22[%dma_wait3A_710, %dma_wait3A_711] : memref<10032x128xf32, #tpu.memory_space<vmem_shared>> -> memref<10032x128xf32, #tpu.memory_space<vmem_shared>>
        tpu.wait_indirect_dma semaphore(%run_scoped3A : memref<!tpu.dma_semaphore, #tpu.memory_space<semaphore_mem>>) src(%arg18 : memref<112x128xf32, #tpu.memory_space<vmem>>) dst(%dma_wait3A_712 : memref<10032x128xf32, #tpu.memory_space<vmem_shared>>)
        tpu.yield
      }) : () -> ()
      %lt3A_675 = arith.constant 29 : i32
      %lt3A_676 = arith.cmpi slt, %scan3A_601, %lt3A_675 : i32
      %convert_element_type3A_677 = arith.extui %lt3A_676 : i1 to i32
      %cond3A_678 = arith.constant 0 : i32
      %cond3A_679 = arith.cmpi ne, %convert_element_type3A_677, %cond3A_678 : i32
      scf.if %cond3A_679 {
        %add3A_707 = arith.constant 3 : i32
        %add3A_708 = arith.addi %mul3A_604, %add3A_707 : i32
        %add3A_709 = arith.constant 6 : i32
        %add3A_710 = arith.addi %add3A_708, %add3A_709 : i32
        %mul3A_711 = arith.constant 112 : i32
        %mul3A_712 = arith.muli %add3A_710, %mul3A_711 : i32
        %add3A_713 = arith.addi %mul3A_2, %mul3A_712 : i32
        %dma_start3A_714 = tpu.memref_slice %arg2[%add3A_713] : memref<645120xi32, #tpu.memory_space<hbm>> -> memref<112xi32, #tpu.memory_space<hbm>>
        %dma_start3A_715 = tpu.memref_slice %arg2[%add3A_713] : memref<645120xi32, #tpu.memory_space<hbm>> -> memref<112xi32, #tpu.memory_space<hbm>>
        tpu.enqueue_dma source(%dma_start3A_715 : memref<112xi32, #tpu.memory_space<hbm>>) target(%arg9 : memref<112xi32, #tpu.memory_space<vmem>>) target_semaphore(%arg26 : memref<!tpu.dma_semaphore, #tpu.memory_space<semaphore_mem>>)
        %dma_start3A_716 = tpu.memref_slice %arg3[%add3A_713] : memref<645120xi32, #tpu.memory_space<hbm>> -> memref<112xi32, #tpu.memory_space<hbm>>
        %dma_start3A_717 = tpu.memref_slice %arg3[%add3A_713] : memref<645120xi32, #tpu.memory_space<hbm>> -> memref<112xi32, #tpu.memory_space<hbm>>
        tpu.enqueue_dma source(%dma_start3A_717 : memref<112xi32, #tpu.memory_space<hbm>>) target(%arg15 : memref<112xi32, #tpu.memory_space<vmem>>) target_semaphore(%arg26 : memref<!tpu.dma_semaphore, #tpu.memory_space<semaphore_mem>>)
      } else {
      }
      %lt3A_680 = arith.constant 29 : i32
      %lt3A_681 = arith.cmpi slt, %scan3A_601, %lt3A_680 : i32
      %convert_element_type3A_682 = arith.extui %lt3A_681 : i1 to i32
      %cond3A_683 = arith.constant 0 : i32
      %cond3A_684 = arith.cmpi ne, %convert_element_type3A_682, %cond3A_683 : i32
      scf.if %cond3A_684 {
        %dma_wait3A_707 = arith.constant 0 : i32
        %dma_wait3A_708 = tpu.memref_slice %arg2[%dma_wait3A_707] : memref<645120xi32, #tpu.memory_space<hbm>> -> memref<112xi32, #tpu.memory_space<hbm>>
        %dma_wait3A_709 = arith.constant 0 : i32
        %dma_wait3A_710 = tpu.memref_slice %arg2[%dma_wait3A_709] : memref<645120xi32, #tpu.memory_space<hbm>> -> memref<112xi32, #tpu.memory_space<hbm>>
        tpu.wait_dma2 semaphore(%arg23 : memref<!tpu.dma_semaphore, #tpu.memory_space<semaphore_mem>>) src(%dma_wait3A_710 : memref<112xi32, #tpu.memory_space<hbm>>) dst(%arg6 : memref<112xi32, #tpu.memory_space<vmem>>)
        %dma_wait3A_711 = arith.constant 0 : i32
        %dma_wait3A_712 = tpu.memref_slice %arg3[%dma_wait3A_711] : memref<645120xi32, #tpu.memory_space<hbm>> -> memref<112xi32, #tpu.memory_space<hbm>>
        %dma_wait3A_713 = arith.constant 0 : i32
        %dma_wait3A_714 = tpu.memref_slice %arg3[%dma_wait3A_713] : memref<645120xi32, #tpu.memory_space<hbm>> -> memref<112xi32, #tpu.memory_space<hbm>>
        tpu.wait_dma2 semaphore(%arg23 : memref<!tpu.dma_semaphore, #tpu.memory_space<semaphore_mem>>) src(%dma_wait3A_714 : memref<112xi32, #tpu.memory_space<hbm>>) dst(%arg12 : memref<112xi32, #tpu.memory_space<vmem>>)
        %dma_start3A_715 = arith.constant 0 : i32
        %dma_start3A_716 = arith.constant 0 : i32
        %dma_start3A_717 = tpu.memref_slice %arg4[%dma_start3A_715, %dma_start3A_716] : memref<20000x128xf32, #tpu.memory_space<hbm>> -> memref<20000x128xf32, #tpu.memory_space<hbm>>
        tpu.enqueue_indirect_dma source(%dma_start3A_717 : memref<20000x128xf32, #tpu.memory_space<hbm>>) target(%arg18 : memref<112x128xf32, #tpu.memory_space<vmem>>) offsets(%arg6 : memref<112xi32, #tpu.memory_space<vmem>>) semaphore(%arg29 : memref<!tpu.dma_semaphore, #tpu.memory_space<semaphore_mem>>)
      } else {
      }
      %dma_wait3A_685 = arith.constant 0 : i32
      %dma_wait3A_686 = arith.constant 0 : i32
      %dma_wait3A_687 = tpu.memref_slice %arg4[%dma_wait3A_685, %dma_wait3A_686] : memref<20000x128xf32, #tpu.memory_space<hbm>> -> memref<20000x128xf32, #tpu.memory_space<hbm>>
      tpu.wait_indirect_dma semaphore(%arg30 : memref<!tpu.dma_semaphore, #tpu.memory_space<semaphore_mem>>) src(%dma_wait3A_687 : memref<20000x128xf32, #tpu.memory_space<hbm>>) dst(%arg19 : memref<112x128xf32, #tpu.memory_space<vmem>>)
      "tpu.region"() ({
        %run_scoped3A = tpu.sem_alloc : memref<!tpu.dma_semaphore, #tpu.memory_space<semaphore_mem>>
        %dma_start3A_707 = arith.constant 0 : i32
        %dma_start3A_708 = arith.constant 0 : i32
        %dma_start3A_709 = tpu.memref_slice %arg22[%dma_start3A_707, %dma_start3A_708] : memref<10032x128xf32, #tpu.memory_space<vmem_shared>> -> memref<10032x128xf32, #tpu.memory_space<vmem_shared>>
        tpu.enqueue_indirect_dma source(%arg19 : memref<112x128xf32, #tpu.memory_space<vmem>>) target(%dma_start3A_709 : memref<10032x128xf32, #tpu.memory_space<vmem_shared>>) offsets(%arg16 : memref<112xi32, #tpu.memory_space<vmem>>) semaphore(%run_scoped3A : memref<!tpu.dma_semaphore, #tpu.memory_space<semaphore_mem>>) {add = true}
        %dma_wait3A_710 = arith.constant 0 : i32
        %dma_wait3A_711 = arith.constant 0 : i32
        %dma_wait3A_712 = tpu.memref_slice %arg22[%dma_wait3A_710, %dma_wait3A_711] : memref<10032x128xf32, #tpu.memory_space<vmem_shared>> -> memref<10032x128xf32, #tpu.memory_space<vmem_shared>>
        tpu.wait_indirect_dma semaphore(%run_scoped3A : memref<!tpu.dma_semaphore, #tpu.memory_space<semaphore_mem>>) src(%arg19 : memref<112x128xf32, #tpu.memory_space<vmem>>) dst(%dma_wait3A_712 : memref<10032x128xf32, #tpu.memory_space<vmem_shared>>)
        tpu.yield
      }) : () -> ()
      %lt3A_688 = arith.constant 29 : i32
      %lt3A_689 = arith.cmpi slt, %scan3A_601, %lt3A_688 : i32
      %convert_element_type3A_690 = arith.extui %lt3A_689 : i1 to i32
      %cond3A_691 = arith.constant 0 : i32
      %cond3A_692 = arith.cmpi ne, %convert_element_type3A_690, %cond3A_691 : i32
      scf.if %cond3A_692 {
        %add3A_707 = arith.constant 4 : i32
        %add3A_708 = arith.addi %mul3A_604, %add3A_707 : i32
        %add3A_709 = arith.constant 6 : i32
        %add3A_710 = arith.addi %add3A_708, %add3A_709 : i32
        %mul3A_711 = arith.constant 112 : i32
        %mul3A_712 = arith.muli %add3A_710, %mul3A_711 : i32
        %add3A_713 = arith.addi %mul3A_2, %mul3A_712 : i32
        %dma_start3A_714 = tpu.memref_slice %arg2[%add3A_713] : memref<645120xi32, #tpu.memory_space<hbm>> -> memref<112xi32, #tpu.memory_space<hbm>>
        %dma_start3A_715 = tpu.memref_slice %arg2[%add3A_713] : memref<645120xi32, #tpu.memory_space<hbm>> -> memref<112xi32, #tpu.memory_space<hbm>>
        tpu.enqueue_dma source(%dma_start3A_715 : memref<112xi32, #tpu.memory_space<hbm>>) target(%arg10 : memref<112xi32, #tpu.memory_space<vmem>>) target_semaphore(%arg27 : memref<!tpu.dma_semaphore, #tpu.memory_space<semaphore_mem>>)
        %dma_start3A_716 = tpu.memref_slice %arg3[%add3A_713] : memref<645120xi32, #tpu.memory_space<hbm>> -> memref<112xi32, #tpu.memory_space<hbm>>
        %dma_start3A_717 = tpu.memref_slice %arg3[%add3A_713] : memref<645120xi32, #tpu.memory_space<hbm>> -> memref<112xi32, #tpu.memory_space<hbm>>
        tpu.enqueue_dma source(%dma_start3A_717 : memref<112xi32, #tpu.memory_space<hbm>>) target(%arg16 : memref<112xi32, #tpu.memory_space<vmem>>) target_semaphore(%arg27 : memref<!tpu.dma_semaphore, #tpu.memory_space<semaphore_mem>>)
      } else {
      }
      %lt3A_693 = arith.constant 29 : i32
      %lt3A_694 = arith.cmpi slt, %scan3A_601, %lt3A_693 : i32
      %convert_element_type3A_695 = arith.extui %lt3A_694 : i1 to i32
      %cond3A_696 = arith.constant 0 : i32
      %cond3A_697 = arith.cmpi ne, %convert_element_type3A_695, %cond3A_696 : i32
      scf.if %cond3A_697 {
        %dma_wait3A_707 = arith.constant 0 : i32
        %dma_wait3A_708 = tpu.memref_slice %arg2[%dma_wait3A_707] : memref<645120xi32, #tpu.memory_space<hbm>> -> memref<112xi32, #tpu.memory_space<hbm>>
        %dma_wait3A_709 = arith.constant 0 : i32
        %dma_wait3A_710 = tpu.memref_slice %arg2[%dma_wait3A_709] : memref<645120xi32, #tpu.memory_space<hbm>> -> memref<112xi32, #tpu.memory_space<hbm>>
        tpu.wait_dma2 semaphore(%arg24 : memref<!tpu.dma_semaphore, #tpu.memory_space<semaphore_mem>>) src(%dma_wait3A_710 : memref<112xi32, #tpu.memory_space<hbm>>) dst(%arg7 : memref<112xi32, #tpu.memory_space<vmem>>)
        %dma_wait3A_711 = arith.constant 0 : i32
        %dma_wait3A_712 = tpu.memref_slice %arg3[%dma_wait3A_711] : memref<645120xi32, #tpu.memory_space<hbm>> -> memref<112xi32, #tpu.memory_space<hbm>>
        %dma_wait3A_713 = arith.constant 0 : i32
        %dma_wait3A_714 = tpu.memref_slice %arg3[%dma_wait3A_713] : memref<645120xi32, #tpu.memory_space<hbm>> -> memref<112xi32, #tpu.memory_space<hbm>>
        tpu.wait_dma2 semaphore(%arg24 : memref<!tpu.dma_semaphore, #tpu.memory_space<semaphore_mem>>) src(%dma_wait3A_714 : memref<112xi32, #tpu.memory_space<hbm>>) dst(%arg13 : memref<112xi32, #tpu.memory_space<vmem>>)
        %dma_start3A_715 = arith.constant 0 : i32
        %dma_start3A_716 = arith.constant 0 : i32
        %dma_start3A_717 = tpu.memref_slice %arg4[%dma_start3A_715, %dma_start3A_716] : memref<20000x128xf32, #tpu.memory_space<hbm>> -> memref<20000x128xf32, #tpu.memory_space<hbm>>
        tpu.enqueue_indirect_dma source(%dma_start3A_717 : memref<20000x128xf32, #tpu.memory_space<hbm>>) target(%arg19 : memref<112x128xf32, #tpu.memory_space<vmem>>) offsets(%arg7 : memref<112xi32, #tpu.memory_space<vmem>>) semaphore(%arg30 : memref<!tpu.dma_semaphore, #tpu.memory_space<semaphore_mem>>)
      } else {
      }
      %dma_wait3A_698 = arith.constant 0 : i32
      %dma_wait3A_699 = arith.constant 0 : i32
      %dma_wait3A_700 = tpu.memref_slice %arg4[%dma_wait3A_698, %dma_wait3A_699] : memref<20000x128xf32, #tpu.memory_space<hbm>> -> memref<20000x128xf32, #tpu.memory_space<hbm>>
      tpu.wait_indirect_dma semaphore(%arg31 : memref<!tpu.dma_semaphore, #tpu.memory_space<semaphore_mem>>) src(%dma_wait3A_700 : memref<20000x128xf32, #tpu.memory_space<hbm>>) dst(%arg20 : memref<112x128xf32, #tpu.memory_space<vmem>>)
      "tpu.region"() ({
        %run_scoped3A = tpu.sem_alloc : memref<!tpu.dma_semaphore, #tpu.memory_space<semaphore_mem>>
        %dma_start3A_707 = arith.constant 0 : i32
        %dma_start3A_708 = arith.constant 0 : i32
        %dma_start3A_709 = tpu.memref_slice %arg22[%dma_start3A_707, %dma_start3A_708] : memref<10032x128xf32, #tpu.memory_space<vmem_shared>> -> memref<10032x128xf32, #tpu.memory_space<vmem_shared>>
        tpu.enqueue_indirect_dma source(%arg20 : memref<112x128xf32, #tpu.memory_space<vmem>>) target(%dma_start3A_709 : memref<10032x128xf32, #tpu.memory_space<vmem_shared>>) offsets(%arg17 : memref<112xi32, #tpu.memory_space<vmem>>) semaphore(%run_scoped3A : memref<!tpu.dma_semaphore, #tpu.memory_space<semaphore_mem>>) {add = true}
        %dma_wait3A_710 = arith.constant 0 : i32
        %dma_wait3A_711 = arith.constant 0 : i32
        %dma_wait3A_712 = tpu.memref_slice %arg22[%dma_wait3A_710, %dma_wait3A_711] : memref<10032x128xf32, #tpu.memory_space<vmem_shared>> -> memref<10032x128xf32, #tpu.memory_space<vmem_shared>>
        tpu.wait_indirect_dma semaphore(%run_scoped3A : memref<!tpu.dma_semaphore, #tpu.memory_space<semaphore_mem>>) src(%arg20 : memref<112x128xf32, #tpu.memory_space<vmem>>) dst(%dma_wait3A_712 : memref<10032x128xf32, #tpu.memory_space<vmem_shared>>)
        tpu.yield
      }) : () -> ()
      %lt3A_701 = arith.constant 29 : i32
      %lt3A_702 = arith.cmpi slt, %scan3A_601, %lt3A_701 : i32
      %convert_element_type3A_703 = arith.extui %lt3A_702 : i1 to i32
      %cond3A_704 = arith.constant 0 : i32
      %cond3A_705 = arith.cmpi ne, %convert_element_type3A_703, %cond3A_704 : i32
      scf.if %cond3A_705 {
        %add3A_707 = arith.constant 5 : i32
        %add3A_708 = arith.addi %mul3A_604, %add3A_707 : i32
        %add3A_709 = arith.constant 6 : i32
        %add3A_710 = arith.addi %add3A_708, %add3A_709 : i32
        %mul3A_711 = arith.constant 112 : i32
        %mul3A_712 = arith.muli %add3A_710, %mul3A_711 : i32
        %add3A_713 = arith.addi %mul3A_2, %mul3A_712 : i32
        %dma_start3A_714 = tpu.memref_slice %arg2[%add3A_713] : memref<645120xi32, #tpu.memory_space<hbm>> -> memref<112xi32, #tpu.memory_space<hbm>>
        %dma_start3A_715 = tpu.memref_slice %arg2[%add3A_713] : memref<645120xi32, #tpu.memory_space<hbm>> -> memref<112xi32, #tpu.memory_space<hbm>>
        tpu.enqueue_dma source(%dma_start3A_715 : memref<112xi32, #tpu.memory_space<hbm>>) target(%arg11 : memref<112xi32, #tpu.memory_space<vmem>>) target_semaphore(%arg28 : memref<!tpu.dma_semaphore, #tpu.memory_space<semaphore_mem>>)
        %dma_start3A_716 = tpu.memref_slice %arg3[%add3A_713] : memref<645120xi32, #tpu.memory_space<hbm>> -> memref<112xi32, #tpu.memory_space<hbm>>
        %dma_start3A_717 = tpu.memref_slice %arg3[%add3A_713] : memref<645120xi32, #tpu.memory_space<hbm>> -> memref<112xi32, #tpu.memory_space<hbm>>
        tpu.enqueue_dma source(%dma_start3A_717 : memref<112xi32, #tpu.memory_space<hbm>>) target(%arg17 : memref<112xi32, #tpu.memory_space<vmem>>) target_semaphore(%arg28 : memref<!tpu.dma_semaphore, #tpu.memory_space<semaphore_mem>>)
      } else {
      }
      %scan3A_706 = arith.constant 0 : i32
      scf.yield %scan3A_706 : i32
    }
    %scan3A_587 = arith.constant 30 : i32
    %barrier3A_588 = arith.constant 0 : index
    tpu.barrier barrier_id(%barrier3A_588)
    %mul3A_589 = arith.constant 624 : i32
    %mul3A_590 = arith.muli %arg1, %mul3A_589 : i32
    %mul3A_591 = arith.constant 10000 : i32
    %mul3A_592 = arith.muli %arg0, %mul3A_591 : i32
    %mul3A_593 = arith.constant 624 : i32
    %mul3A_594 = arith.muli %arg1, %mul3A_593 : i32
    %add3A_595 = arith.addi %mul3A_592, %mul3A_594 : i32
    "tpu.region"() ({
      %run_scoped3A = tpu.sem_alloc : memref<!tpu.dma_semaphore, #tpu.memory_space<semaphore_mem>>
      %dma_start3A_601 = arith.constant 0 : i32
      %dma_start3A_602 = tpu.memref_slice %arg5[%add3A_595, %dma_start3A_601] : memref<20000x128xf32, #tpu.memory_space<hbm>> -> memref<624x128xf32, #tpu.memory_space<hbm>>
      %dma_start3A_603 = arith.constant 0 : i32
      %dma_start3A_604 = tpu.memref_slice %arg22[%mul3A_590, %dma_start3A_603] : memref<10032x128xf32, #tpu.memory_space<vmem_shared>> -> memref<624x128xf32, #tpu.memory_space<vmem_shared>>
      tpu.enqueue_dma source(%dma_start3A_604 : memref<624x128xf32, #tpu.memory_space<vmem_shared>>) target(%dma_start3A_602 : memref<624x128xf32, #tpu.memory_space<hbm>>) target_semaphore(%run_scoped3A : memref<!tpu.dma_semaphore, #tpu.memory_space<semaphore_mem>>)
      %dma_wait3A_605 = arith.constant 0 : i32
      %dma_wait3A_606 = tpu.memref_slice %arg5[%add3A_595, %dma_wait3A_605] : memref<20000x128xf32, #tpu.memory_space<hbm>> -> memref<624x128xf32, #tpu.memory_space<hbm>>
      %dma_wait3A_607 = arith.constant 0 : i32
      %dma_wait3A_608 = tpu.memref_slice %arg22[%mul3A_590, %dma_wait3A_607] : memref<10032x128xf32, #tpu.memory_space<vmem_shared>> -> memref<624x128xf32, #tpu.memory_space<vmem_shared>>
      tpu.wait_dma2 semaphore(%run_scoped3A : memref<!tpu.dma_semaphore, #tpu.memory_space<semaphore_mem>>) src(%dma_wait3A_608 : memref<624x128xf32, #tpu.memory_space<vmem_shared>>) dst(%dma_wait3A_606 : memref<624x128xf32, #tpu.memory_space<hbm>>)
      tpu.yield
    }) : () -> ()
    %eq3A_596 = arith.constant 0 : i32
    %eq3A_597 = arith.cmpi eq, %arg1, %eq3A_596 : i32
    %convert_element_type3A_598 = arith.extui %eq3A_597 : i1 to i32
    %cond3A_599 = arith.constant 0 : i32
    %cond3A_600 = arith.cmpi ne, %convert_element_type3A_598, %cond3A_599 : i32
    scf.if %cond3A_600 {
      %mul3A_601 = arith.constant 10000 : i32
      %mul3A_602 = arith.muli %arg0, %mul3A_601 : i32
      %add3A_603 = arith.constant 9984 : i32
      %add3A_604 = arith.addi %mul3A_602, %add3A_603 : i32
      "tpu.region"() ({
        %run_scoped3A = tpu.sem_alloc : memref<!tpu.dma_semaphore, #tpu.memory_space<semaphore_mem>>
        %dma_start3A_605 = arith.constant 0 : i32
        %dma_start3A_606 = tpu.memref_slice %arg5[%add3A_604, %dma_start3A_605] : memref<20000x128xf32, #tpu.memory_space<hbm>> -> memref<16x128xf32, #tpu.memory_space<hbm>>
        %dma_start3A_607 = arith.constant 9984 : i32
        %dma_start3A_608 = arith.constant 0 : i32
        %dma_start3A_609 = tpu.memref_slice %arg22[%dma_start3A_607, %dma_start3A_608] : memref<10032x128xf32, #tpu.memory_space<vmem_shared>> -> memref<16x128xf32, #tpu.memory_space<vmem_shared>>
        tpu.enqueue_dma source(%dma_start3A_609 : memref<16x128xf32, #tpu.memory_space<vmem_shared>>) target(%dma_start3A_606 : memref<16x128xf32, #tpu.memory_space<hbm>>) target_semaphore(%run_scoped3A : memref<!tpu.dma_semaphore, #tpu.memory_space<semaphore_mem>>)
        %dma_wait3A_610 = arith.constant 0 : i32
        %dma_wait3A_611 = tpu.memref_slice %arg5[%add3A_604, %dma_wait3A_610] : memref<20000x128xf32, #tpu.memory_space<hbm>> -> memref<16x128xf32, #tpu.memory_space<hbm>>
        %dma_wait3A_612 = arith.constant 9984 : i32
        %dma_wait3A_613 = arith.constant 0 : i32
        %dma_wait3A_614 = tpu.memref_slice %arg22[%dma_wait3A_612, %dma_wait3A_613] : memref<10032x128xf32, #tpu.memory_space<vmem_shared>> -> memref<16x128xf32, #tpu.memory_space<vmem_shared>>
        tpu.wait_dma2 semaphore(%run_scoped3A : memref<!tpu.dma_semaphore, #tpu.memory_space<semaphore_mem>>) src(%dma_wait3A_614 : memref<16x128xf32, #tpu.memory_space<vmem_shared>>) dst(%dma_wait3A_611 : memref<16x128xf32, #tpu.memory_space<hbm>>)
        tpu.yield
      }) : () -> ()
    } else {
    }
    return
  }
}

#map = affine_map<(d0, d1) -> (0)>
#map1 = affine_map<(d0, d1) -> (0, 0)>
module attributes {stable_mosaic.version = 14 : i64} {
  func.func @_deg_kernel(%arg0: i32, %arg1: i32, %arg2: memref<1280000xi32, #tpu.memory_space<hbm>>, %arg3: memref<320x128xf32, #tpu.memory_space<hbm>>, %arg4: memref<20000xi32, #tpu.memory_space<vmem>>, %arg5: memref<20000xi32, #tpu.memory_space<vmem>>, %arg6: memref<160x128xf32, #tpu.memory_space<vmem>>, %arg7: memref<80xi32, #tpu.memory_space<vmem>>, %arg8: memref<80xi32, #tpu.memory_space<vmem>>, %arg9: memref<160x128xf32, #tpu.memory_space<vmem_shared>>) attributes {dimension_semantics = [#tpu.dimension_semantics<core_parallel>, #tpu.dimension_semantics<subcore_parallel>], iteration_bounds = array<i64: 2, 16>, scalar_prefetch = 0 : i64, scratch_operands = 6 : i64, tpu.core_type = #tpu.core_type<sc_vector_subcore>, window_params = [{transform_indices = #map}, {transform_indices = #map1}]} {
    %broadcast_in_dim3A = arith.constant 0.000000e+00 : f32
    %broadcast_in_dim3A_0 = vector.broadcast %broadcast_in_dim3A : f32 to vector<16xf32>
    %scan3A = arith.constant 0 : i32
    %scan3A_1 = arith.constant 0 : i32
    %scan3A_2 = arith.constant 160 : i32
    %scan3A_3 = arith.addi %scan3A_1, %scan3A_2 : i32
    %scan3A_4 = arith.constant 1 : i32
    %scan3A_5 = scf.for %scan3A_93 = %scan3A_1 to %scan3A_3 step %scan3A_4 iter_args(%scan3A_94 = %scan3A) -> (i32)  : i32 {
      %swap3A_95 = arith.index_cast %scan3A_93 : i32 to index
      %swap3A_96 = arith.constant 0 : index
      %swap3A_97 = tpu.vector_load %arg6[%swap3A_95, %swap3A_96] {strides = array<i32>} : memref<160x128xf32, #tpu.memory_space<vmem>>, vector<16xf32>,
      tpu.vector_store %arg6[%swap3A_95, %swap3A_96], %broadcast_in_dim3A_0 {strides = array<i32>} : memref<160x128xf32, #tpu.memory_space<vmem>>, vector<16xf32>,
      %swap3A_98 = arith.index_cast %scan3A_93 : i32 to index
      %swap3A_99 = arith.constant 16 : index
      %swap3A_100 = tpu.vector_load %arg6[%swap3A_98, %swap3A_99] {strides = array<i32>} : memref<160x128xf32, #tpu.memory_space<vmem>>, vector<16xf32>,
      tpu.vector_store %arg6[%swap3A_98, %swap3A_99], %broadcast_in_dim3A_0 {strides = array<i32>} : memref<160x128xf32, #tpu.memory_space<vmem>>, vector<16xf32>,
      %swap3A_101 = arith.index_cast %scan3A_93 : i32 to index
      %swap3A_102 = arith.constant 32 : index
      %swap3A_103 = tpu.vector_load %arg6[%swap3A_101, %swap3A_102] {strides = array<i32>} : memref<160x128xf32, #tpu.memory_space<vmem>>, vector<16xf32>,
      tpu.vector_store %arg6[%swap3A_101, %swap3A_102], %broadcast_in_dim3A_0 {strides = array<i32>} : memref<160x128xf32, #tpu.memory_space<vmem>>, vector<16xf32>,
      %swap3A_104 = arith.index_cast %scan3A_93 : i32 to index
      %swap3A_105 = arith.constant 48 : index
      %swap3A_106 = tpu.vector_load %arg6[%swap3A_104, %swap3A_105] {strides = array<i32>} : memref<160x128xf32, #tpu.memory_space<vmem>>, vector<16xf32>,
      tpu.vector_store %arg6[%swap3A_104, %swap3A_105], %broadcast_in_dim3A_0 {strides = array<i32>} : memref<160x128xf32, #tpu.memory_space<vmem>>, vector<16xf32>,
      %swap3A_107 = arith.index_cast %scan3A_93 : i32 to index
      %swap3A_108 = arith.constant 64 : index
      %swap3A_109 = tpu.vector_load %arg6[%swap3A_107, %swap3A_108] {strides = array<i32>} : memref<160x128xf32, #tpu.memory_space<vmem>>, vector<16xf32>,
      tpu.vector_store %arg6[%swap3A_107, %swap3A_108], %broadcast_in_dim3A_0 {strides = array<i32>} : memref<160x128xf32, #tpu.memory_space<vmem>>, vector<16xf32>,
      %swap3A_110 = arith.index_cast %scan3A_93 : i32 to index
      %swap3A_111 = arith.constant 80 : index
      %swap3A_112 = tpu.vector_load %arg6[%swap3A_110, %swap3A_111] {strides = array<i32>} : memref<160x128xf32, #tpu.memory_space<vmem>>, vector<16xf32>,
      tpu.vector_store %arg6[%swap3A_110, %swap3A_111], %broadcast_in_dim3A_0 {strides = array<i32>} : memref<160x128xf32, #tpu.memory_space<vmem>>, vector<16xf32>,
      %swap3A_113 = arith.index_cast %scan3A_93 : i32 to index
      %swap3A_114 = arith.constant 96 : index
      %swap3A_115 = tpu.vector_load %arg6[%swap3A_113, %swap3A_114] {strides = array<i32>} : memref<160x128xf32, #tpu.memory_space<vmem>>, vector<16xf32>,
      tpu.vector_store %arg6[%swap3A_113, %swap3A_114], %broadcast_in_dim3A_0 {strides = array<i32>} : memref<160x128xf32, #tpu.memory_space<vmem>>, vector<16xf32>,
      %swap3A_116 = arith.index_cast %scan3A_93 : i32 to index
      %swap3A_117 = arith.constant 112 : index
      %swap3A_118 = tpu.vector_load %arg6[%swap3A_116, %swap3A_117] {strides = array<i32>} : memref<160x128xf32, #tpu.memory_space<vmem>>, vector<16xf32>,
      tpu.vector_store %arg6[%swap3A_116, %swap3A_117], %broadcast_in_dim3A_0 {strides = array<i32>} : memref<160x128xf32, #tpu.memory_space<vmem>>, vector<16xf32>,
      %scan3A_119 = arith.constant 0 : i32
      scf.yield %scan3A_119 : i32
    }
    %scan3A_6 = arith.constant 160 : i32
    %iota3A = tpu.iota {dimensions = array<i32: 0>} : vector<16xi32>
    %add3A = arith.constant 0 : i32
    %add3A_7 = vector.broadcast %add3A : i32 to vector<16xi32>
    %add3A_8 = arith.addi %iota3A, %add3A_7 : vector<16xi32>
    %swap3A = arith.constant 0 : index
    %swap3A_9 = tpu.vector_load %arg7[%swap3A] {strides = array<i32>} : memref<80xi32, #tpu.memory_space<vmem>>, vector<16xi32>,
    tpu.vector_store %arg7[%swap3A], %add3A_8 {strides = array<i32>} : memref<80xi32, #tpu.memory_space<vmem>>, vector<16xi32>,
    %add3A_10 = arith.constant 80 : i32
    %add3A_11 = vector.broadcast %add3A_10 : i32 to vector<16xi32>
    %add3A_12 = arith.addi %iota3A, %add3A_11 : vector<16xi32>
    %swap3A_13 = arith.constant 0 : index
    %swap3A_14 = tpu.vector_load %arg8[%swap3A_13] {strides = array<i32>} : memref<80xi32, #tpu.memory_space<vmem>>, vector<16xi32>,
    tpu.vector_store %arg8[%swap3A_13], %add3A_12 {strides = array<i32>} : memref<80xi32, #tpu.memory_space<vmem>>, vector<16xi32>,
    %add3A_15 = arith.constant 16 : i32
    %add3A_16 = vector.broadcast %add3A_15 : i32 to vector<16xi32>
    %add3A_17 = arith.addi %iota3A, %add3A_16 : vector<16xi32>
    %swap3A_18 = arith.constant 16 : index
    %swap3A_19 = tpu.vector_load %arg7[%swap3A_18] {strides = array<i32>} : memref<80xi32, #tpu.memory_space<vmem>>, vector<16xi32>,
    tpu.vector_store %arg7[%swap3A_18], %add3A_17 {strides = array<i32>} : memref<80xi32, #tpu.memory_space<vmem>>, vector<16xi32>,
    %add3A_20 = arith.constant 96 : i32
    %add3A_21 = vector.broadcast %add3A_20 : i32 to vector<16xi32>
    %add3A_22 = arith.addi %iota3A, %add3A_21 : vector<16xi32>
    %swap3A_23 = arith.constant 16 : index
    %swap3A_24 = tpu.vector_load %arg8[%swap3A_23] {strides = array<i32>} : memref<80xi32, #tpu.memory_space<vmem>>, vector<16xi32>,
    tpu.vector_store %arg8[%swap3A_23], %add3A_22 {strides = array<i32>} : memref<80xi32, #tpu.memory_space<vmem>>, vector<16xi32>,
    %add3A_25 = arith.constant 32 : i32
    %add3A_26 = vector.broadcast %add3A_25 : i32 to vector<16xi32>
    %add3A_27 = arith.addi %iota3A, %add3A_26 : vector<16xi32>
    %swap3A_28 = arith.constant 32 : index
    %swap3A_29 = tpu.vector_load %arg7[%swap3A_28] {strides = array<i32>} : memref<80xi32, #tpu.memory_space<vmem>>, vector<16xi32>,
    tpu.vector_store %arg7[%swap3A_28], %add3A_27 {strides = array<i32>} : memref<80xi32, #tpu.memory_space<vmem>>, vector<16xi32>,
    %add3A_30 = arith.constant 112 : i32
    %add3A_31 = vector.broadcast %add3A_30 : i32 to vector<16xi32>
    %add3A_32 = arith.addi %iota3A, %add3A_31 : vector<16xi32>
    %swap3A_33 = arith.constant 32 : index
    %swap3A_34 = tpu.vector_load %arg8[%swap3A_33] {strides = array<i32>} : memref<80xi32, #tpu.memory_space<vmem>>, vector<16xi32>,
    tpu.vector_store %arg8[%swap3A_33], %add3A_32 {strides = array<i32>} : memref<80xi32, #tpu.memory_space<vmem>>, vector<16xi32>,
    %add3A_35 = arith.constant 48 : i32
    %add3A_36 = vector.broadcast %add3A_35 : i32 to vector<16xi32>
    %add3A_37 = arith.addi %iota3A, %add3A_36 : vector<16xi32>
    %swap3A_38 = arith.constant 48 : index
    %swap3A_39 = tpu.vector_load %arg7[%swap3A_38] {strides = array<i32>} : memref<80xi32, #tpu.memory_space<vmem>>, vector<16xi32>,
    tpu.vector_store %arg7[%swap3A_38], %add3A_37 {strides = array<i32>} : memref<80xi32, #tpu.memory_space<vmem>>, vector<16xi32>,
    %add3A_40 = arith.constant 128 : i32
    %add3A_41 = vector.broadcast %add3A_40 : i32 to vector<16xi32>
    %add3A_42 = arith.addi %iota3A, %add3A_41 : vector<16xi32>
    %swap3A_43 = arith.constant 48 : index
    %swap3A_44 = tpu.vector_load %arg8[%swap3A_43] {strides = array<i32>} : memref<80xi32, #tpu.memory_space<vmem>>, vector<16xi32>,
    tpu.vector_store %arg8[%swap3A_43], %add3A_42 {strides = array<i32>} : memref<80xi32, #tpu.memory_space<vmem>>, vector<16xi32>,
    %add3A_45 = arith.constant 64 : i32
    %add3A_46 = vector.broadcast %add3A_45 : i32 to vector<16xi32>
    %add3A_47 = arith.addi %iota3A, %add3A_46 : vector<16xi32>
    %swap3A_48 = arith.constant 64 : index
    %swap3A_49 = tpu.vector_load %arg7[%swap3A_48] {strides = array<i32>} : memref<80xi32, #tpu.memory_space<vmem>>, vector<16xi32>,
    tpu.vector_store %arg7[%swap3A_48], %add3A_47 {strides = array<i32>} : memref<80xi32, #tpu.memory_space<vmem>>, vector<16xi32>,
    %add3A_50 = arith.constant 144 : i32
    %add3A_51 = vector.broadcast %add3A_50 : i32 to vector<16xi32>
    %add3A_52 = arith.addi %iota3A, %add3A_51 : vector<16xi32>
    %swap3A_53 = arith.constant 64 : index
    %swap3A_54 = tpu.vector_load %arg8[%swap3A_53] {strides = array<i32>} : memref<80xi32, #tpu.memory_space<vmem>>, vector<16xi32>,
    tpu.vector_store %arg8[%swap3A_53], %add3A_52 {strides = array<i32>} : memref<80xi32, #tpu.memory_space<vmem>>, vector<16xi32>,
    %eq3A = arith.constant 0 : i32
    %eq3A_55 = arith.cmpi eq, %arg1, %eq3A : i32
    %convert_element_type3A = arith.extui %eq3A_55 : i1 to i32
    %cond3A = arith.constant 0 : i32
    %cond3A_56 = arith.cmpi ne, %convert_element_type3A, %cond3A : i32
    scf.if %cond3A_56 {
      "tpu.region"() ({
        %run_scoped3A = tpu.sem_alloc : memref<!tpu.dma_semaphore, #tpu.memory_space<semaphore_mem>>
        tpu.enqueue_dma source(%arg6 : memref<160x128xf32, #tpu.memory_space<vmem>>) target(%arg9 : memref<160x128xf32, #tpu.memory_space<vmem_shared>>) target_semaphore(%run_scoped3A : memref<!tpu.dma_semaphore, #tpu.memory_space<semaphore_mem>>)
        tpu.wait_dma2 semaphore(%run_scoped3A : memref<!tpu.dma_semaphore, #tpu.memory_space<semaphore_mem>>) src(%arg6 : memref<160x128xf32, #tpu.memory_space<vmem>>) dst(%arg9 : memref<160x128xf32, #tpu.memory_space<vmem_shared>>)
        tpu.yield
      }) : () -> ()
    } else {
    }
    %mul3A = arith.constant 2 : i32
    %mul3A_57 = arith.muli %mul3A, %arg0 : i32
    %mul3A_58 = arith.constant 320000 : i32
    %mul3A_59 = arith.muli %mul3A_57, %mul3A_58 : i32
    %mul3A_60 = arith.constant 20000 : i32
    %mul3A_61 = arith.muli %arg1, %mul3A_60 : i32
    %add3A_62 = arith.addi %mul3A_59, %mul3A_61 : i32
    %mul3A_63 = arith.constant 2 : i32
    %mul3A_64 = arith.muli %mul3A_63, %arg0 : i32
    %add3A_65 = arith.constant 1 : i32
    %add3A_66 = arith.addi %mul3A_64, %add3A_65 : i32
    %mul3A_67 = arith.constant 320000 : i32
    %mul3A_68 = arith.muli %add3A_66, %mul3A_67 : i32
    %mul3A_69 = arith.constant 20000 : i32
    %mul3A_70 = arith.muli %arg1, %mul3A_69 : i32
    %add3A_71 = arith.addi %mul3A_68, %mul3A_70 : i32
    "tpu.region"() ({
      %run_scoped3A = tpu.sem_alloc : memref<!tpu.dma_semaphore, #tpu.memory_space<semaphore_mem>>
      %dma_start3A = tpu.memref_slice %arg2[%add3A_62] : memref<1280000xi32, #tpu.memory_space<hbm>> -> memref<20000xi32, #tpu.memory_space<hbm>>
      %dma_start3A_93 = tpu.memref_slice %arg2[%add3A_62] : memref<1280000xi32, #tpu.memory_space<hbm>> -> memref<20000xi32, #tpu.memory_space<hbm>>
      tpu.enqueue_dma source(%dma_start3A_93 : memref<20000xi32, #tpu.memory_space<hbm>>) target(%arg4 : memref<20000xi32, #tpu.memory_space<vmem>>) target_semaphore(%run_scoped3A : memref<!tpu.dma_semaphore, #tpu.memory_space<semaphore_mem>>)
      %dma_wait3A = tpu.memref_slice %arg2[%add3A_62] : memref<1280000xi32, #tpu.memory_space<hbm>> -> memref<20000xi32, #tpu.memory_space<hbm>>
      %dma_wait3A_94 = tpu.memref_slice %arg2[%add3A_62] : memref<1280000xi32, #tpu.memory_space<hbm>> -> memref<20000xi32, #tpu.memory_space<hbm>>
      tpu.wait_dma2 semaphore(%run_scoped3A : memref<!tpu.dma_semaphore, #tpu.memory_space<semaphore_mem>>) src(%dma_wait3A_94 : memref<20000xi32, #tpu.memory_space<hbm>>) dst(%arg4 : memref<20000xi32, #tpu.memory_space<vmem>>)
      tpu.yield
    }) : () -> ()
    "tpu.region"() ({
      %run_scoped3A = tpu.sem_alloc : memref<!tpu.dma_semaphore, #tpu.memory_space<semaphore_mem>>
      %dma_start3A = tpu.memref_slice %arg2[%add3A_71] : memref<1280000xi32, #tpu.memory_space<hbm>> -> memref<20000xi32, #tpu.memory_space<hbm>>
      %dma_start3A_93 = tpu.memref_slice %arg2[%add3A_71] : memref<1280000xi32, #tpu.memory_space<hbm>> -> memref<20000xi32, #tpu.memory_space<hbm>>
      tpu.enqueue_dma source(%dma_start3A_93 : memref<20000xi32, #tpu.memory_space<hbm>>) target(%arg5 : memref<20000xi32, #tpu.memory_space<vmem>>) target_semaphore(%run_scoped3A : memref<!tpu.dma_semaphore, #tpu.memory_space<semaphore_mem>>)
      %dma_wait3A = tpu.memref_slice %arg2[%add3A_71] : memref<1280000xi32, #tpu.memory_space<hbm>> -> memref<20000xi32, #tpu.memory_space<hbm>>
      %dma_wait3A_94 = tpu.memref_slice %arg2[%add3A_71] : memref<1280000xi32, #tpu.memory_space<hbm>> -> memref<20000xi32, #tpu.memory_space<hbm>>
      tpu.wait_dma2 semaphore(%run_scoped3A : memref<!tpu.dma_semaphore, #tpu.memory_space<semaphore_mem>>) src(%dma_wait3A_94 : memref<20000xi32, #tpu.memory_space<hbm>>) dst(%arg5 : memref<20000xi32, #tpu.memory_space<vmem>>)
      tpu.yield
    }) : () -> ()
    %broadcast_in_dim3A_72 = arith.constant 1.000000e+00 : f32
    %broadcast_in_dim3A_73 = vector.broadcast %broadcast_in_dim3A_72 : f32 to vector<16xf32>
    %scan3A_74 = arith.constant 0 : i32
    %scan3A_75 = arith.constant 0 : i32
    %scan3A_76 = arith.constant 312 : i32
    %scan3A_77 = arith.addi %scan3A_75, %scan3A_76 : i32
    %scan3A_78 = arith.constant 1 : i32
    %scan3A_79 = scf.for %scan3A_93 = %scan3A_75 to %scan3A_77 step %scan3A_78 iter_args(%scan3A_94 = %scan3A_74) -> (i32)  : i32 {
      %mul3A_95 = arith.constant 64 : i32
      %mul3A_96 = arith.muli %scan3A_93, %mul3A_95 : i32
      %add3A_97 = arith.constant 0 : i32
      %add3A_98 = arith.addi %mul3A_96, %add3A_97 : i32
      %get3A = arith.index_cast %add3A_98 : i32 to index
      %get3A_99 = tpu.vector_load %arg4[%get3A] {strides = array<i32>} : memref<20000xi32, #tpu.memory_space<vmem>>, vector<16xi32>,
      %shift_right_logical3A = arith.constant 7 : i32
      %shift_right_logical3A_100 = vector.broadcast %shift_right_logical3A : i32 to vector<16xi32>
      %shift_right_logical3A_101 = arith.shrui %get3A_99, %shift_right_logical3A_100 : vector<16xi32>
      %add3A_102 = arith.constant 0 : i32
      %add3A_103 = vector.broadcast %add3A_102 : i32 to vector<16xi32>
      %add3A_104 = arith.addi %shift_right_logical3A_101, %add3A_103 : vector<16xi32>
      %and3A = arith.constant 127 : i32
      %and3A_105 = vector.broadcast %and3A : i32 to vector<16xi32>
      %and3A_106 = arith.andi %get3A_99, %and3A_105 : vector<16xi32>
      tpu.vector_store_idx %arg6[%add3A_104, %and3A_106], %broadcast_in_dim3A_73 {add = true} : memref<160x128xf32, #tpu.memory_space<vmem>>[vector<16xi32>, vector<16xi32>], vector<16xf32>,
      %mul3A_107 = arith.constant 64 : i32
      %mul3A_108 = arith.muli %scan3A_93, %mul3A_107 : i32
      %add3A_109 = arith.constant 16 : i32
      %add3A_110 = arith.addi %mul3A_108, %add3A_109 : i32
      %get3A_111 = arith.index_cast %add3A_110 : i32 to index
      %get3A_112 = tpu.vector_load %arg4[%get3A_111] {strides = array<i32>} : memref<20000xi32, #tpu.memory_space<vmem>>, vector<16xi32>,
      %shift_right_logical3A_113 = arith.constant 7 : i32
      %shift_right_logical3A_114 = vector.broadcast %shift_right_logical3A_113 : i32 to vector<16xi32>
      %shift_right_logical3A_115 = arith.shrui %get3A_112, %shift_right_logical3A_114 : vector<16xi32>
      %add3A_116 = arith.constant 0 : i32
      %add3A_117 = vector.broadcast %add3A_116 : i32 to vector<16xi32>
      %add3A_118 = arith.addi %shift_right_logical3A_115, %add3A_117 : vector<16xi32>
      %and3A_119 = arith.constant 127 : i32
      %and3A_120 = vector.broadcast %and3A_119 : i32 to vector<16xi32>
      %and3A_121 = arith.andi %get3A_112, %and3A_120 : vector<16xi32>
      tpu.vector_store_idx %arg6[%add3A_118, %and3A_121], %broadcast_in_dim3A_73 {add = true} : memref<160x128xf32, #tpu.memory_space<vmem>>[vector<16xi32>, vector<16xi32>], vector<16xf32>,
      %mul3A_122 = arith.constant 64 : i32
      %mul3A_123 = arith.muli %scan3A_93, %mul3A_122 : i32
      %add3A_124 = arith.constant 32 : i32
      %add3A_125 = arith.addi %mul3A_123, %add3A_124 : i32
      %get3A_126 = arith.index_cast %add3A_125 : i32 to index
      %get3A_127 = tpu.vector_load %arg4[%get3A_126] {strides = array<i32>} : memref<20000xi32, #tpu.memory_space<vmem>>, vector<16xi32>,
      %shift_right_logical3A_128 = arith.constant 7 : i32
      %shift_right_logical3A_129 = vector.broadcast %shift_right_logical3A_128 : i32 to vector<16xi32>
      %shift_right_logical3A_130 = arith.shrui %get3A_127, %shift_right_logical3A_129 : vector<16xi32>
      %add3A_131 = arith.constant 0 : i32
      %add3A_132 = vector.broadcast %add3A_131 : i32 to vector<16xi32>
      %add3A_133 = arith.addi %shift_right_logical3A_130, %add3A_132 : vector<16xi32>
      %and3A_134 = arith.constant 127 : i32
      %and3A_135 = vector.broadcast %and3A_134 : i32 to vector<16xi32>
      %and3A_136 = arith.andi %get3A_127, %and3A_135 : vector<16xi32>
      tpu.vector_store_idx %arg6[%add3A_133, %and3A_136], %broadcast_in_dim3A_73 {add = true} : memref<160x128xf32, #tpu.memory_space<vmem>>[vector<16xi32>, vector<16xi32>], vector<16xf32>,
      %mul3A_137 = arith.constant 64 : i32
      %mul3A_138 = arith.muli %scan3A_93, %mul3A_137 : i32
      %add3A_139 = arith.constant 48 : i32
      %add3A_140 = arith.addi %mul3A_138, %add3A_139 : i32
      %get3A_141 = arith.index_cast %add3A_140 : i32 to index
      %get3A_142 = tpu.vector_load %arg4[%get3A_141] {strides = array<i32>} : memref<20000xi32, #tpu.memory_space<vmem>>, vector<16xi32>,
      %shift_right_logical3A_143 = arith.constant 7 : i32
      %shift_right_logical3A_144 = vector.broadcast %shift_right_logical3A_143 : i32 to vector<16xi32>
      %shift_right_logical3A_145 = arith.shrui %get3A_142, %shift_right_logical3A_144 : vector<16xi32>
      %add3A_146 = arith.constant 0 : i32
      %add3A_147 = vector.broadcast %add3A_146 : i32 to vector<16xi32>
      %add3A_148 = arith.addi %shift_right_logical3A_145, %add3A_147 : vector<16xi32>
      %and3A_149 = arith.constant 127 : i32
      %and3A_150 = vector.broadcast %and3A_149 : i32 to vector<16xi32>
      %and3A_151 = arith.andi %get3A_142, %and3A_150 : vector<16xi32>
      tpu.vector_store_idx %arg6[%add3A_148, %and3A_151], %broadcast_in_dim3A_73 {add = true} : memref<160x128xf32, #tpu.memory_space<vmem>>[vector<16xi32>, vector<16xi32>], vector<16xf32>,
      %scan3A_152 = arith.constant 0 : i32
      scf.yield %scan3A_152 : i32
    }
    %scan3A_80 = arith.constant 312 : i32
    %scan3A_81 = arith.constant 0 : i32
    %scan3A_82 = arith.constant 0 : i32
    %scan3A_83 = arith.constant 312 : i32
    %scan3A_84 = arith.addi %scan3A_82, %scan3A_83 : i32
    %scan3A_85 = arith.constant 1 : i32
    %scan3A_86 = scf.for %scan3A_93 = %scan3A_82 to %scan3A_84 step %scan3A_85 iter_args(%scan3A_94 = %scan3A_81) -> (i32)  : i32 {
      %mul3A_95 = arith.constant 64 : i32
      %mul3A_96 = arith.muli %scan3A_93, %mul3A_95 : i32
      %add3A_97 = arith.constant 0 : i32
      %add3A_98 = arith.addi %mul3A_96, %add3A_97 : i32
      %get3A = arith.index_cast %add3A_98 : i32 to index
      %get3A_99 = tpu.vector_load %arg5[%get3A] {strides = array<i32>} : memref<20000xi32, #tpu.memory_space<vmem>>, vector<16xi32>,
      %shift_right_logical3A = arith.constant 7 : i32
      %shift_right_logical3A_100 = vector.broadcast %shift_right_logical3A : i32 to vector<16xi32>
      %shift_right_logical3A_101 = arith.shrui %get3A_99, %shift_right_logical3A_100 : vector<16xi32>
      %add3A_102 = arith.constant 80 : i32
      %add3A_103 = vector.broadcast %add3A_102 : i32 to vector<16xi32>
      %add3A_104 = arith.addi %shift_right_logical3A_101, %add3A_103 : vector<16xi32>
      %and3A = arith.constant 127 : i32
      %and3A_105 = vector.broadcast %and3A : i32 to vector<16xi32>
      %and3A_106 = arith.andi %get3A_99, %and3A_105 : vector<16xi32>
      tpu.vector_store_idx %arg6[%add3A_104, %and3A_106], %broadcast_in_dim3A_73 {add = true} : memref<160x128xf32, #tpu.memory_space<vmem>>[vector<16xi32>, vector<16xi32>], vector<16xf32>,
      %mul3A_107 = arith.constant 64 : i32
      %mul3A_108 = arith.muli %scan3A_93, %mul3A_107 : i32
      %add3A_109 = arith.constant 16 : i32
      %add3A_110 = arith.addi %mul3A_108, %add3A_109 : i32
      %get3A_111 = arith.index_cast %add3A_110 : i32 to index
      %get3A_112 = tpu.vector_load %arg5[%get3A_111] {strides = array<i32>} : memref<20000xi32, #tpu.memory_space<vmem>>, vector<16xi32>,
      %shift_right_logical3A_113 = arith.constant 7 : i32
      %shift_right_logical3A_114 = vector.broadcast %shift_right_logical3A_113 : i32 to vector<16xi32>
      %shift_right_logical3A_115 = arith.shrui %get3A_112, %shift_right_logical3A_114 : vector<16xi32>
      %add3A_116 = arith.constant 80 : i32
      %add3A_117 = vector.broadcast %add3A_116 : i32 to vector<16xi32>
      %add3A_118 = arith.addi %shift_right_logical3A_115, %add3A_117 : vector<16xi32>
      %and3A_119 = arith.constant 127 : i32
      %and3A_120 = vector.broadcast %and3A_119 : i32 to vector<16xi32>
      %and3A_121 = arith.andi %get3A_112, %and3A_120 : vector<16xi32>
      tpu.vector_store_idx %arg6[%add3A_118, %and3A_121], %broadcast_in_dim3A_73 {add = true} : memref<160x128xf32, #tpu.memory_space<vmem>>[vector<16xi32>, vector<16xi32>], vector<16xf32>,
      %mul3A_122 = arith.constant 64 : i32
      %mul3A_123 = arith.muli %scan3A_93, %mul3A_122 : i32
      %add3A_124 = arith.constant 32 : i32
      %add3A_125 = arith.addi %mul3A_123, %add3A_124 : i32
      %get3A_126 = arith.index_cast %add3A_125 : i32 to index
      %get3A_127 = tpu.vector_load %arg5[%get3A_126] {strides = array<i32>} : memref<20000xi32, #tpu.memory_space<vmem>>, vector<16xi32>,
      %shift_right_logical3A_128 = arith.constant 7 : i32
      %shift_right_logical3A_129 = vector.broadcast %shift_right_logical3A_128 : i32 to vector<16xi32>
      %shift_right_logical3A_130 = arith.shrui %get3A_127, %shift_right_logical3A_129 : vector<16xi32>
      %add3A_131 = arith.constant 80 : i32
      %add3A_132 = vector.broadcast %add3A_131 : i32 to vector<16xi32>
      %add3A_133 = arith.addi %shift_right_logical3A_130, %add3A_132 : vector<16xi32>
      %and3A_134 = arith.constant 127 : i32
      %and3A_135 = vector.broadcast %and3A_134 : i32 to vector<16xi32>
      %and3A_136 = arith.andi %get3A_127, %and3A_135 : vector<16xi32>
      tpu.vector_store_idx %arg6[%add3A_133, %and3A_136], %broadcast_in_dim3A_73 {add = true} : memref<160x128xf32, #tpu.memory_space<vmem>>[vector<16xi32>, vector<16xi32>], vector<16xf32>,
      %mul3A_137 = arith.constant 64 : i32
      %mul3A_138 = arith.muli %scan3A_93, %mul3A_137 : i32
      %add3A_139 = arith.constant 48 : i32
      %add3A_140 = arith.addi %mul3A_138, %add3A_139 : i32
      %get3A_141 = arith.index_cast %add3A_140 : i32 to index
      %get3A_142 = tpu.vector_load %arg5[%get3A_141] {strides = array<i32>} : memref<20000xi32, #tpu.memory_space<vmem>>, vector<16xi32>,
      %shift_right_logical3A_143 = arith.constant 7 : i32
      %shift_right_logical3A_144 = vector.broadcast %shift_right_logical3A_143 : i32 to vector<16xi32>
      %shift_right_logical3A_145 = arith.shrui %get3A_142, %shift_right_logical3A_144 : vector<16xi32>
      %add3A_146 = arith.constant 80 : i32
      %add3A_147 = vector.broadcast %add3A_146 : i32 to vector<16xi32>
      %add3A_148 = arith.addi %shift_right_logical3A_145, %add3A_147 : vector<16xi32>
      %and3A_149 = arith.constant 127 : i32
      %and3A_150 = vector.broadcast %and3A_149 : i32 to vector<16xi32>
      %and3A_151 = arith.andi %get3A_142, %and3A_150 : vector<16xi32>
      tpu.vector_store_idx %arg6[%add3A_148, %and3A_151], %broadcast_in_dim3A_73 {add = true} : memref<160x128xf32, #tpu.memory_space<vmem>>[vector<16xi32>, vector<16xi32>], vector<16xf32>,
      %scan3A_152 = arith.constant 0 : i32
      scf.yield %scan3A_152 : i32
    }
    %scan3A_87 = arith.constant 312 : i32
    %barrier3A = arith.constant 0 : index
    tpu.barrier barrier_id(%barrier3A)
    "tpu.region"() ({
      %run_scoped3A = tpu.sem_alloc : memref<!tpu.dma_semaphore, #tpu.memory_space<semaphore_mem>>
      %dma_start3A = arith.constant 0 : i32
      %dma_start3A_93 = arith.constant 0 : i32
      %dma_start3A_94 = tpu.memref_slice %arg6[%dma_start3A, %dma_start3A_93] : memref<160x128xf32, #tpu.memory_space<vmem>> -> memref<80x128xf32, #tpu.memory_space<vmem>>
      %dma_start3A_95 = arith.constant 0 : i32
      %dma_start3A_96 = arith.constant 0 : i32
      %dma_start3A_97 = tpu.memref_slice %arg9[%dma_start3A_95, %dma_start3A_96] : memref<160x128xf32, #tpu.memory_space<vmem_shared>> -> memref<160x128xf32, #tpu.memory_space<vmem_shared>>
      tpu.enqueue_indirect_dma source(%dma_start3A_94 : memref<80x128xf32, #tpu.memory_space<vmem>>) target(%dma_start3A_97 : memref<160x128xf32, #tpu.memory_space<vmem_shared>>) offsets(%arg7 : memref<80xi32, #tpu.memory_space<vmem>>) semaphore(%run_scoped3A : memref<!tpu.dma_semaphore, #tpu.memory_space<semaphore_mem>>) {add = true}
      %dma_wait3A = arith.constant 0 : i32
      %dma_wait3A_98 = arith.constant 0 : i32
      %dma_wait3A_99 = tpu.memref_slice %arg6[%dma_wait3A, %dma_wait3A_98] : memref<160x128xf32, #tpu.memory_space<vmem>> -> memref<80x128xf32, #tpu.memory_space<vmem>>
      %dma_wait3A_100 = arith.constant 0 : i32
      %dma_wait3A_101 = arith.constant 0 : i32
      %dma_wait3A_102 = tpu.memref_slice %arg9[%dma_wait3A_100, %dma_wait3A_101] : memref<160x128xf32, #tpu.memory_space<vmem_shared>> -> memref<160x128xf32, #tpu.memory_space<vmem_shared>>
      tpu.wait_indirect_dma semaphore(%run_scoped3A : memref<!tpu.dma_semaphore, #tpu.memory_space<semaphore_mem>>) src(%dma_wait3A_99 : memref<80x128xf32, #tpu.memory_space<vmem>>) dst(%dma_wait3A_102 : memref<160x128xf32, #tpu.memory_space<vmem_shared>>)
      tpu.yield
    }) : () -> ()
    "tpu.region"() ({
      %run_scoped3A = tpu.sem_alloc : memref<!tpu.dma_semaphore, #tpu.memory_space<semaphore_mem>>
      %dma_start3A = arith.constant 80 : i32
      %dma_start3A_93 = arith.constant 0 : i32
      %dma_start3A_94 = tpu.memref_slice %arg6[%dma_start3A, %dma_start3A_93] : memref<160x128xf32, #tpu.memory_space<vmem>> -> memref<80x128xf32, #tpu.memory_space<vmem>>
      %dma_start3A_95 = arith.constant 0 : i32
      %dma_start3A_96 = arith.constant 0 : i32
      %dma_start3A_97 = tpu.memref_slice %arg9[%dma_start3A_95, %dma_start3A_96] : memref<160x128xf32, #tpu.memory_space<vmem_shared>> -> memref<160x128xf32, #tpu.memory_space<vmem_shared>>
      tpu.enqueue_indirect_dma source(%dma_start3A_94 : memref<80x128xf32, #tpu.memory_space<vmem>>) target(%dma_start3A_97 : memref<160x128xf32, #tpu.memory_space<vmem_shared>>) offsets(%arg8 : memref<80xi32, #tpu.memory_space<vmem>>) semaphore(%run_scoped3A : memref<!tpu.dma_semaphore, #tpu.memory_space<semaphore_mem>>) {add = true}
      %dma_wait3A = arith.constant 80 : i32
      %dma_wait3A_98 = arith.constant 0 : i32
      %dma_wait3A_99 = tpu.memref_slice %arg6[%dma_wait3A, %dma_wait3A_98] : memref<160x128xf32, #tpu.memory_space<vmem>> -> memref<80x128xf32, #tpu.memory_space<vmem>>
      %dma_wait3A_100 = arith.constant 0 : i32
      %dma_wait3A_101 = arith.constant 0 : i32
      %dma_wait3A_102 = tpu.memref_slice %arg9[%dma_wait3A_100, %dma_wait3A_101] : memref<160x128xf32, #tpu.memory_space<vmem_shared>> -> memref<160x128xf32, #tpu.memory_space<vmem_shared>>
      tpu.wait_indirect_dma semaphore(%run_scoped3A : memref<!tpu.dma_semaphore, #tpu.memory_space<semaphore_mem>>) src(%dma_wait3A_99 : memref<80x128xf32, #tpu.memory_space<vmem>>) dst(%dma_wait3A_102 : memref<160x128xf32, #tpu.memory_space<vmem_shared>>)
      tpu.yield
    }) : () -> ()
    %barrier3A_88 = arith.constant 0 : index
    tpu.barrier barrier_id(%barrier3A_88)
    %lt3A = arith.constant 10 : i32
    %lt3A_89 = arith.cmpi slt, %arg1, %lt3A : i32
    %convert_element_type3A_90 = arith.extui %lt3A_89 : i1 to i32
    %cond3A_91 = arith.constant 0 : i32
    %cond3A_92 = arith.cmpi ne, %convert_element_type3A_90, %cond3A_91 : i32
    scf.if %cond3A_92 {
      %mul3A_93 = arith.constant 16 : i32
      %mul3A_94 = arith.muli %arg1, %mul3A_93 : i32
      %mul3A_95 = arith.constant 160 : i32
      %mul3A_96 = arith.muli %arg0, %mul3A_95 : i32
      %mul3A_97 = arith.constant 16 : i32
      %mul3A_98 = arith.muli %arg1, %mul3A_97 : i32
      %add3A_99 = arith.addi %mul3A_96, %mul3A_98 : i32
      "tpu.region"() ({
        %run_scoped3A = tpu.sem_alloc : memref<!tpu.dma_semaphore, #tpu.memory_space<semaphore_mem>>
        %dma_start3A = arith.constant 0 : i32
        %dma_start3A_100 = tpu.memref_slice %arg3[%add3A_99, %dma_start3A] : memref<320x128xf32, #tpu.memory_space<hbm>> -> memref<16x128xf32, #tpu.memory_space<hbm>>
        %dma_start3A_101 = arith.constant 0 : i32
        %dma_start3A_102 = tpu.memref_slice %arg9[%mul3A_94, %dma_start3A_101] : memref<160x128xf32, #tpu.memory_space<vmem_shared>> -> memref<16x128xf32, #tpu.memory_space<vmem_shared>>
        tpu.enqueue_dma source(%dma_start3A_102 : memref<16x128xf32, #tpu.memory_space<vmem_shared>>) target(%dma_start3A_100 : memref<16x128xf32, #tpu.memory_space<hbm>>) target_semaphore(%run_scoped3A : memref<!tpu.dma_semaphore, #tpu.memory_space<semaphore_mem>>)
        %dma_wait3A = arith.constant 0 : i32
        %dma_wait3A_103 = tpu.memref_slice %arg3[%add3A_99, %dma_wait3A] : memref<320x128xf32, #tpu.memory_space<hbm>> -> memref<16x128xf32, #tpu.memory_space<hbm>>
        %dma_wait3A_104 = arith.constant 0 : i32
        %dma_wait3A_105 = tpu.memref_slice %arg9[%mul3A_94, %dma_wait3A_104] : memref<160x128xf32, #tpu.memory_space<vmem_shared>> -> memref<16x128xf32, #tpu.memory_space<vmem_shared>>
        tpu.wait_dma2 semaphore(%run_scoped3A : memref<!tpu.dma_semaphore, #tpu.memory_space<semaphore_mem>>) src(%dma_wait3A_105 : memref<16x128xf32, #tpu.memory_space<vmem_shared>>) dst(%dma_wait3A_103 : memref<16x128xf32, #tpu.memory_space<hbm>>)
        tpu.yield
      }) : () -> ()
    } else {
    }
    return
  }
}

module attributes {stable_mosaic.version = 14 : i64} {
  func.func @_msg_body(%arg0: memref<10000x128xf32, #tpu.memory_space<vmem>>, %arg1: memref<2x2x10240xf32, #tpu.memory_space<vmem>>, %arg2: memref<2x10000x128xf32, #tpu.memory_space<vmem>>) attributes {dimension_semantics = [], scalar_prefetch = 0 : i64, scratch_operands = 0 : i64, tpu.core_type = #tpu.core_type<tc>} {
    %get3A = arith.constant 0 : index
    %get3A_0 = arith.constant 0 : index
    %get3A_1 = vector.load %arg0[%get3A, %get3A_0] : memref<10000x128xf32, #tpu.memory_space<vmem>>, vector<10000x128xf32>
    %get3A_2 = arith.constant 0 : index
    %get3A_3 = arith.constant 0 : index
    %get3A_4 = arith.constant 0 : index
    %get3A_5 = vector.load %arg1[%get3A_2, %get3A_3, %get3A_4] : memref<2x2x10240xf32, #tpu.memory_space<vmem>>, vector<1x1x10240xf32>
    %get3A_6 = vector.shape_cast %get3A_5 : vector<1x1x10240xf32> to vector<10240xf32>
    %gt3A = arith.constant 0.000000e+00 : f32
    %gt3A_7 = vector.broadcast %gt3A : f32 to vector<10240xf32>
    %gt3A_8 = arith.cmpf ogt, %get3A_6, %gt3A_7 : vector<10240xf32>
    %max3A = arith.constant 9.99999996E-13 : f32
    %max3A_9 = vector.broadcast %max3A : f32 to vector<10240xf32>
    %max3A_10 = arith.maximumf %get3A_6, %max3A_9 : vector<10240xf32>
    %rsqrt3A = math.rsqrt %max3A_10 : vector<10240xf32>
    %jit3A = arith.constant 0.000000e+00 : f32
    %broadcast_in_dim3A = vector.broadcast %jit3A : f32 to vector<10240xf32>
    %select_n3A = arith.select %gt3A_8, %rsqrt3A, %broadcast_in_dim3A : vector<10240xi1>, vector<10240xf32>
    %slice3A = vector.extract_strided_slice %select_n3A {offsets = [0], sizes = [10000], strides = [1]} : vector<10240xf32> to vector<10000xf32>
    %broadcast_in_dim3A_11 = vector.shape_cast %slice3A : vector<10000xf32> to vector<10000x1xf32>
    %mul3A = vector.broadcast %broadcast_in_dim3A_11 : vector<10000x1xf32> to vector<10000x128xf32>
    %mul3A_12 = arith.mulf %get3A_1, %mul3A : vector<10000x128xf32>
    %swap3A = arith.constant 0 : index
    %swap3A_13 = arith.constant 0 : index
    %swap3A_14 = arith.constant 0 : index
    %swap3A_15 = vector.load %arg2[%swap3A, %swap3A_13, %swap3A_14] : memref<2x10000x128xf32, #tpu.memory_space<vmem>>, vector<1x10000x128xf32>
    %swap3A_16 = vector.shape_cast %swap3A_15 : vector<1x10000x128xf32> to vector<10000x128xf32>
    %swap3A_17 = vector.shape_cast %mul3A_12 : vector<10000x128xf32> to vector<1x10000x128xf32>
    tpu.vector_store %arg2[%swap3A, %swap3A_13, %swap3A_14], %swap3A_17 {strides = array<i32>} : memref<2x10000x128xf32, #tpu.memory_space<vmem>>, vector<1x10000x128xf32>,
    %get3A_18 = arith.constant 1 : index
    %get3A_19 = arith.constant 0 : index
    %get3A_20 = arith.constant 0 : index
    %get3A_21 = vector.load %arg1[%get3A_18, %get3A_19, %get3A_20] : memref<2x2x10240xf32, #tpu.memory_space<vmem>>, vector<1x1x10240xf32>
    %get3A_22 = vector.shape_cast %get3A_21 : vector<1x1x10240xf32> to vector<10240xf32>
    %gt3A_23 = arith.constant 0.000000e+00 : f32
    %gt3A_24 = vector.broadcast %gt3A_23 : f32 to vector<10240xf32>
    %gt3A_25 = arith.cmpf ogt, %get3A_22, %gt3A_24 : vector<10240xf32>
    %max3A_26 = arith.constant 9.99999996E-13 : f32
    %max3A_27 = vector.broadcast %max3A_26 : f32 to vector<10240xf32>
    %max3A_28 = arith.maximumf %get3A_22, %max3A_27 : vector<10240xf32>
    %rsqrt3A_29 = math.rsqrt %max3A_28 : vector<10240xf32>
    %jit3A_30 = arith.constant 0.000000e+00 : f32
    %broadcast_in_dim3A_31 = vector.broadcast %jit3A_30 : f32 to vector<10240xf32>
    %select_n3A_32 = arith.select %gt3A_25, %rsqrt3A_29, %broadcast_in_dim3A_31 : vector<10240xi1>, vector<10240xf32>
    %slice3A_33 = vector.extract_strided_slice %select_n3A_32 {offsets = [0], sizes = [10000], strides = [1]} : vector<10240xf32> to vector<10000xf32>
    %broadcast_in_dim3A_34 = vector.shape_cast %slice3A_33 : vector<10000xf32> to vector<10000x1xf32>
    %mul3A_35 = vector.broadcast %broadcast_in_dim3A_34 : vector<10000x1xf32> to vector<10000x128xf32>
    %mul3A_36 = arith.mulf %get3A_1, %mul3A_35 : vector<10000x128xf32>
    %swap3A_37 = arith.constant 1 : index
    %swap3A_38 = arith.constant 0 : index
    %swap3A_39 = arith.constant 0 : index
    %swap3A_40 = vector.load %arg2[%swap3A_37, %swap3A_38, %swap3A_39] : memref<2x10000x128xf32, #tpu.memory_space<vmem>>, vector<1x10000x128xf32>
    %swap3A_41 = vector.shape_cast %swap3A_40 : vector<1x10000x128xf32> to vector<10000x128xf32>
    %swap3A_42 = vector.shape_cast %mul3A_36 : vector<10000x128xf32> to vector<1x10000x128xf32>
    tpu.vector_store %arg2[%swap3A_37, %swap3A_38, %swap3A_39], %swap3A_42 {strides = array<i32>} : memref<2x10000x128xf32, #tpu.memory_space<vmem>>, vector<1x10000x128xf32>,
    return
  }
}

module attributes {stable_mosaic.version = 14 : i64} {
  func.func @_stats_body(%arg0: memref<2x10000x128xf32, #tpu.memory_space<vmem>>, %arg1: memref<2x2x10240xf32, #tpu.memory_space<vmem>>, %arg2: memref<128x128xf32, #tpu.memory_space<vmem>>, %arg3: memref<128xf32, #tpu.memory_space<vmem>>, %arg4: memref<1x128xf32, #tpu.memory_space<vmem>>, %arg5: memref<2xf32, #tpu.memory_space<smem>>) attributes {dimension_semantics = [], scalar_prefetch = 0 : i64, scratch_operands = 0 : i64, tpu.core_type = #tpu.core_type<tc>} {
    %get3A = arith.constant 0 : index
    %get3A_0 = arith.constant 1 : index
    %get3A_1 = arith.constant 0 : index
    %get3A_2 = vector.load %arg1[%get3A, %get3A_0, %get3A_1] : memref<2x2x10240xf32, #tpu.memory_space<vmem>>, vector<1x1x10240xf32>
    %get3A_3 = vector.shape_cast %get3A_2 : vector<1x1x10240xf32> to vector<10240xf32>
    %gt3A = arith.constant 0.000000e+00 : f32
    %gt3A_4 = vector.broadcast %gt3A : f32 to vector<10240xf32>
    %gt3A_5 = arith.cmpf ogt, %get3A_3, %gt3A_4 : vector<10240xf32>
    %max3A = arith.constant 9.99999996E-13 : f32
    %max3A_6 = vector.broadcast %max3A : f32 to vector<10240xf32>
    %max3A_7 = arith.maximumf %get3A_3, %max3A_6 : vector<10240xf32>
    %rsqrt3A = math.rsqrt %max3A_7 : vector<10240xf32>
    %jit3A = arith.constant 0.000000e+00 : f32
    %broadcast_in_dim3A = vector.broadcast %jit3A : f32 to vector<10240xf32>
    %select_n3A = arith.select %gt3A_5, %rsqrt3A, %broadcast_in_dim3A : vector<10240xi1>, vector<10240xf32>
    %get3A_8 = arith.constant 0 : index
    %get3A_9 = arith.constant 0 : index
    %get3A_10 = arith.constant 0 : index
    %get3A_11 = vector.load %arg0[%get3A_8, %get3A_9, %get3A_10] : memref<2x10000x128xf32, #tpu.memory_space<vmem>>, vector<1x10000x128xf32>
    %get3A_12 = vector.shape_cast %get3A_11 : vector<1x10000x128xf32> to vector<10000x128xf32>
    %slice3A = vector.extract_strided_slice %select_n3A {offsets = [0], sizes = [10000], strides = [1]} : vector<10240xf32> to vector<10000xf32>
    %broadcast_in_dim3A_13 = vector.shape_cast %slice3A : vector<10000xf32> to vector<10000x1xf32>
    %mul3A = vector.broadcast %broadcast_in_dim3A_13 : vector<10000x1xf32> to vector<10000x128xf32>
    %mul3A_14 = arith.mulf %get3A_12, %mul3A : vector<10000x128xf32>
    %get3A_15 = arith.constant 0 : index
    %get3A_16 = arith.constant 0 : index
    %get3A_17 = vector.load %arg2[%get3A_15, %get3A_16] : memref<128x128xf32, #tpu.memory_space<vmem>>, vector<128x128xf32>
    %dot_general3A = arith.constant dense<0.000000e+00> : vector<10000x128xf32>
    %dot_general3A_18 = tpu.matmul %mul3A_14, %get3A_17, %dot_general3A {dimension_numbers = #tpu.dot_dimension_numbers<[1], [0], [0], [1], [0, 0, 1, 1], [], []>, transpose_lhs_hint = false} : vector<10000x128xf32>, vector<128x128xf32>, vector<10000x128xf32> -> vector<10000x128xf32>
    %get3A_19 = arith.constant 0 : index
    %get3A_20 = vector.load %arg3[%get3A_19] : memref<128xf32, #tpu.memory_space<vmem>>, vector<128xf32>
    %broadcast_in_dim3A_21 = vector.shape_cast %get3A_20 : vector<128xf32> to vector<1x128xf32>
    %add3A = vector.broadcast %broadcast_in_dim3A_21 : vector<1x128xf32> to vector<10000x128xf32>
    %add3A_22 = arith.addf %dot_general3A_18, %add3A : vector<10000x128xf32>
    %tanh3A = math.tanh %add3A_22 : vector<10000x128xf32>
    %get3A_23 = arith.constant 0 : index
    %get3A_24 = arith.constant 0 : index
    %get3A_25 = vector.load %arg4[%get3A_23, %get3A_24] : memref<1x128xf32, #tpu.memory_space<vmem>>, vector<1x128xf32>
    %mul3A_26 = vector.broadcast %get3A_25 : vector<1x128xf32> to vector<10000x128xf32>
    %mul3A_27 = arith.mulf %tanh3A, %mul3A_26 : vector<10000x128xf32>
    %reduce_sum3A = vector.shape_cast %mul3A_27 : vector<10000x128xf32> to vector<1x10000x128xf32>
    %reduce_sum3A_28 = arith.constant dense<0.000000e+00> : vector<1xf32>
    %reduce_sum3A_29 = vector.multi_reduction <add>, %reduce_sum3A, %reduce_sum3A_28 [1, 2] : vector<1x10000x128xf32> to vector<1xf32>
    %reduce_sum3A_30 = vector.shape_cast %reduce_sum3A_29 : vector<1xf32> to vector<1x1x1xf32>
    %reduce_sum3A_31 = vector.extract %reduce_sum3A_30[0, 0, 0] : f32 from vector<1x1x1xf32>
    %div3A = arith.constant 1.000000e+04 : f32
    %div3A_32 = arith.divf %reduce_sum3A_31, %div3A : f32
    %get3A_33 = arith.constant 1 : index
    %get3A_34 = arith.constant 1 : index
    %get3A_35 = arith.constant 0 : index
    %get3A_36 = vector.load %arg1[%get3A_33, %get3A_34, %get3A_35] : memref<2x2x10240xf32, #tpu.memory_space<vmem>>, vector<1x1x10240xf32>
    %get3A_37 = vector.shape_cast %get3A_36 : vector<1x1x10240xf32> to vector<10240xf32>
    %gt3A_38 = arith.constant 0.000000e+00 : f32
    %gt3A_39 = vector.broadcast %gt3A_38 : f32 to vector<10240xf32>
    %gt3A_40 = arith.cmpf ogt, %get3A_37, %gt3A_39 : vector<10240xf32>
    %max3A_41 = arith.constant 9.99999996E-13 : f32
    %max3A_42 = vector.broadcast %max3A_41 : f32 to vector<10240xf32>
    %max3A_43 = arith.maximumf %get3A_37, %max3A_42 : vector<10240xf32>
    %rsqrt3A_44 = math.rsqrt %max3A_43 : vector<10240xf32>
    %jit3A_45 = arith.constant 0.000000e+00 : f32
    %broadcast_in_dim3A_46 = vector.broadcast %jit3A_45 : f32 to vector<10240xf32>
    %select_n3A_47 = arith.select %gt3A_40, %rsqrt3A_44, %broadcast_in_dim3A_46 : vector<10240xi1>, vector<10240xf32>
    %get3A_48 = arith.constant 1 : index
    %get3A_49 = arith.constant 0 : index
    %get3A_50 = arith.constant 0 : index
    %get3A_51 = vector.load %arg0[%get3A_48, %get3A_49, %get3A_50] : memref<2x10000x128xf32, #tpu.memory_space<vmem>>, vector<1x10000x128xf32>
    %get3A_52 = vector.shape_cast %get3A_51 : vector<1x10000x128xf32> to vector<10000x128xf32>
    %slice3A_53 = vector.extract_strided_slice %select_n3A_47 {offsets = [0], sizes = [10000], strides = [1]} : vector<10240xf32> to vector<10000xf32>
    %broadcast_in_dim3A_54 = vector.shape_cast %slice3A_53 : vector<10000xf32> to vector<10000x1xf32>
    %mul3A_55 = vector.broadcast %broadcast_in_dim3A_54 : vector<10000x1xf32> to vector<10000x128xf32>
    %mul3A_56 = arith.mulf %get3A_52, %mul3A_55 : vector<10000x128xf32>
    %get3A_57 = arith.constant 0 : index
    %get3A_58 = arith.constant 0 : index
    %get3A_59 = vector.load %arg2[%get3A_57, %get3A_58] : memref<128x128xf32, #tpu.memory_space<vmem>>, vector<128x128xf32>
    %dot_general3A_60 = arith.constant dense<0.000000e+00> : vector<10000x128xf32>
    %dot_general3A_61 = tpu.matmul %mul3A_56, %get3A_59, %dot_general3A_60 {dimension_numbers = #tpu.dot_dimension_numbers<[1], [0], [0], [1], [0, 0, 1, 1], [], []>, transpose_lhs_hint = false} : vector<10000x128xf32>, vector<128x128xf32>, vector<10000x128xf32> -> vector<10000x128xf32>
    %get3A_62 = arith.constant 0 : index
    %get3A_63 = vector.load %arg3[%get3A_62] : memref<128xf32, #tpu.memory_space<vmem>>, vector<128xf32>
    %broadcast_in_dim3A_64 = vector.shape_cast %get3A_63 : vector<128xf32> to vector<1x128xf32>
    %add3A_65 = vector.broadcast %broadcast_in_dim3A_64 : vector<1x128xf32> to vector<10000x128xf32>
    %add3A_66 = arith.addf %dot_general3A_61, %add3A_65 : vector<10000x128xf32>
    %tanh3A_67 = math.tanh %add3A_66 : vector<10000x128xf32>
    %get3A_68 = arith.constant 0 : index
    %get3A_69 = arith.constant 0 : index
    %get3A_70 = vector.load %arg4[%get3A_68, %get3A_69] : memref<1x128xf32, #tpu.memory_space<vmem>>, vector<1x128xf32>
    %mul3A_71 = vector.broadcast %get3A_70 : vector<1x128xf32> to vector<10000x128xf32>
    %mul3A_72 = arith.mulf %tanh3A_67, %mul3A_71 : vector<10000x128xf32>
    %reduce_sum3A_73 = vector.shape_cast %mul3A_72 : vector<10000x128xf32> to vector<1x10000x128xf32>
    %reduce_sum3A_74 = arith.constant dense<0.000000e+00> : vector<1xf32>
    %reduce_sum3A_75 = vector.multi_reduction <add>, %reduce_sum3A_73, %reduce_sum3A_74 [1, 2] : vector<1x10000x128xf32> to vector<1xf32>
    %reduce_sum3A_76 = vector.shape_cast %reduce_sum3A_75 : vector<1xf32> to vector<1x1x1xf32>
    %reduce_sum3A_77 = vector.extract %reduce_sum3A_76[0, 0, 0] : f32 from vector<1x1x1xf32>
    %div3A_78 = arith.constant 1.000000e+04 : f32
    %div3A_79 = arith.divf %reduce_sum3A_77, %div3A_78 : f32
    %max3A_80 = arith.maximumf %div3A_32, %div3A_79 : f32
    %sub3A = arith.subf %div3A_32, %max3A_80 : f32
    %exp3A = math.exp %sub3A : f32
    %sub3A_81 = arith.subf %div3A_79, %max3A_80 : f32
    %exp3A_82 = math.exp %sub3A_81 : f32
    %add3A_83 = arith.addf %exp3A, %exp3A_82 : f32
    %div3A_84 = arith.divf %exp3A, %add3A_83 : f32
    %swap3A = arith.constant 0 : index
    %swap3A_85 = memref.load %arg5[%swap3A] : memref<2xf32, #tpu.memory_space<smem>>
    memref.store %div3A_84, %arg5[%swap3A] : memref<2xf32, #tpu.memory_space<smem>>
    %add3A_86 = arith.addf %exp3A, %exp3A_82 : f32
    %div3A_87 = arith.divf %exp3A_82, %add3A_86 : f32
    %swap3A_88 = arith.constant 1 : index
    %swap3A_89 = memref.load %arg5[%swap3A_88] : memref<2xf32, #tpu.memory_space<smem>>
    memref.store %div3A_87, %arg5[%swap3A_88] : memref<2xf32, #tpu.memory_space<smem>>
    return
  }
}

module attributes {stable_mosaic.version = 14 : i64} {
  func.func @_comb_body(%arg0: memref<2x10000x128xf32, #tpu.memory_space<vmem>>, %arg1: memref<2x2x10240xf32, #tpu.memory_space<vmem>>, %arg2: memref<2xf32, #tpu.memory_space<smem>>, %arg3: memref<10000x128xf32, #tpu.memory_space<vmem>>) attributes {dimension_semantics = [], scalar_prefetch = 0 : i64, scratch_operands = 0 : i64, tpu.core_type = #tpu.core_type<tc>} {
    %get3A = arith.constant 0 : index
    %get3A_0 = arith.constant 1 : index
    %get3A_1 = arith.constant 0 : index
    %get3A_2 = vector.load %arg1[%get3A, %get3A_0, %get3A_1] : memref<2x2x10240xf32, #tpu.memory_space<vmem>>, vector<1x1x10240xf32>
    %get3A_3 = vector.shape_cast %get3A_2 : vector<1x1x10240xf32> to vector<10240xf32>
    %gt3A = arith.constant 0.000000e+00 : f32
    %gt3A_4 = vector.broadcast %gt3A : f32 to vector<10240xf32>
    %gt3A_5 = arith.cmpf ogt, %get3A_3, %gt3A_4 : vector<10240xf32>
    %max3A = arith.constant 9.99999996E-13 : f32
    %max3A_6 = vector.broadcast %max3A : f32 to vector<10240xf32>
    %max3A_7 = arith.maximumf %get3A_3, %max3A_6 : vector<10240xf32>
    %rsqrt3A = math.rsqrt %max3A_7 : vector<10240xf32>
    %jit3A = arith.constant 0.000000e+00 : f32
    %broadcast_in_dim3A = vector.broadcast %jit3A : f32 to vector<10240xf32>
    %select_n3A = arith.select %gt3A_5, %rsqrt3A, %broadcast_in_dim3A : vector<10240xi1>, vector<10240xf32>
    %get3A_8 = arith.constant 0 : index
    %get3A_9 = arith.constant 0 : index
    %get3A_10 = arith.constant 0 : index
    %get3A_11 = vector.load %arg0[%get3A_8, %get3A_9, %get3A_10] : memref<2x10000x128xf32, #tpu.memory_space<vmem>>, vector<1x10000x128xf32>
    %get3A_12 = vector.shape_cast %get3A_11 : vector<1x10000x128xf32> to vector<10000x128xf32>
    %slice3A = vector.extract_strided_slice %select_n3A {offsets = [0], sizes = [10000], strides = [1]} : vector<10240xf32> to vector<10000xf32>
    %broadcast_in_dim3A_13 = vector.shape_cast %slice3A : vector<10000xf32> to vector<10000x1xf32>
    %mul3A = vector.broadcast %broadcast_in_dim3A_13 : vector<10000x1xf32> to vector<10000x128xf32>
    %mul3A_14 = arith.mulf %get3A_12, %mul3A : vector<10000x128xf32>
    %get3A_15 = arith.constant 0 : index
    %get3A_16 = memref.load %arg2[%get3A_15] : memref<2xf32, #tpu.memory_space<smem>>
    %mul3A_17 = vector.broadcast %get3A_16 : f32 to vector<10000x128xf32>
    %mul3A_18 = arith.mulf %mul3A_14, %mul3A_17 : vector<10000x128xf32>
    %get3A_19 = arith.constant 1 : index
    %get3A_20 = arith.constant 1 : index
    %get3A_21 = arith.constant 0 : index
    %get3A_22 = vector.load %arg1[%get3A_19, %get3A_20, %get3A_21] : memref<2x2x10240xf32, #tpu.memory_space<vmem>>, vector<1x1x10240xf32>
    %get3A_23 = vector.shape_cast %get3A_22 : vector<1x1x10240xf32> to vector<10240xf32>
    %gt3A_24 = arith.constant 0.000000e+00 : f32
    %gt3A_25 = vector.broadcast %gt3A_24 : f32 to vector<10240xf32>
    %gt3A_26 = arith.cmpf ogt, %get3A_23, %gt3A_25 : vector<10240xf32>
    %max3A_27 = arith.constant 9.99999996E-13 : f32
    %max3A_28 = vector.broadcast %max3A_27 : f32 to vector<10240xf32>
    %max3A_29 = arith.maximumf %get3A_23, %max3A_28 : vector<10240xf32>
    %rsqrt3A_30 = math.rsqrt %max3A_29 : vector<10240xf32>
    %jit3A_31 = arith.constant 0.000000e+00 : f32
    %broadcast_in_dim3A_32 = vector.broadcast %jit3A_31 : f32 to vector<10240xf32>
    %select_n3A_33 = arith.select %gt3A_26, %rsqrt3A_30, %broadcast_in_dim3A_32 : vector<10240xi1>, vector<10240xf32>
    %get3A_34 = arith.constant 1 : index
    %get3A_35 = arith.constant 0 : index
    %get3A_36 = arith.constant 0 : index
    %get3A_37 = vector.load %arg0[%get3A_34, %get3A_35, %get3A_36] : memref<2x10000x128xf32, #tpu.memory_space<vmem>>, vector<1x10000x128xf32>
    %get3A_38 = vector.shape_cast %get3A_37 : vector<1x10000x128xf32> to vector<10000x128xf32>
    %slice3A_39 = vector.extract_strided_slice %select_n3A_33 {offsets = [0], sizes = [10000], strides = [1]} : vector<10240xf32> to vector<10000xf32>
    %broadcast_in_dim3A_40 = vector.shape_cast %slice3A_39 : vector<10000xf32> to vector<10000x1xf32>
    %mul3A_41 = vector.broadcast %broadcast_in_dim3A_40 : vector<10000x1xf32> to vector<10000x128xf32>
    %mul3A_42 = arith.mulf %get3A_38, %mul3A_41 : vector<10000x128xf32>
    %get3A_43 = arith.constant 1 : index
    %get3A_44 = memref.load %arg2[%get3A_43] : memref<2xf32, #tpu.memory_space<smem>>
    %mul3A_45 = vector.broadcast %get3A_44 : f32 to vector<10000x128xf32>
    %mul3A_46 = arith.mulf %mul3A_42, %mul3A_45 : vector<10000x128xf32>
    %add3A = arith.addf %mul3A_18, %mul3A_46 : vector<10000x128xf32>
    %swap3A = arith.constant 0 : index
    %swap3A_47 = arith.constant 0 : index
    %swap3A_48 = vector.load %arg3[%swap3A, %swap3A_47] : memref<10000x128xf32, #tpu.memory_space<vmem>>, vector<10000x128xf32>
    tpu.vector_store %arg3[%swap3A, %swap3A_47], %add3A {strides = array<i32>} : memref<10000x128xf32, #tpu.memory_space<vmem>>, vector<10000x128xf32>,
    return
  }
}

</mosaic_0001>

<sc_bundles>
// kernel: kernel.10.cloned.1.call-start
scs
__scs_entry_jumppad:
0x0: {  	(pc) =	sbr.rel $0x88, $3  }
0x1: {  	(tag) =	ssettag $0x0;
	lr =	simm.s32 $0x1  }
0x2: {  	[smem:$0x3F9B] =	sst lr;
	_ =	strace $0xD0000000  }
0x3: {  	_ = 	snop  }
0x4: {  	_ = 	snop  }
0x5: {  	_ = 	snop  }
0x6: {  	_ = 	snop  }
0x7: {  	_ = 	snop  }
__scs_overlays_trampoline_lowered:
0x8: {  	[smem:$0x3FAA] =	sst s0  }
0x9: {  	[smem:$0x3FAB] =	sst s1  }
0xa: {  	[smem:$0x3FAC] =	sst s2  }
0xb: {  	[smem:$0x3FAD] =	sst s3  }
0xc: {  	[smem:$0x3FAE] =	sst s4  }
0xd: {  	[smem:$0x3FAF] =	sst s5  }
0xe: {  	[smem:$0x3FB0] =	sst s6  }
0xf: {  	[smem:$0x3FB1] =	sst s7  }
0x10: {  	[smem:$0x3FB2] =	sst s8  }
0x11: {  	[smem:$0x3FB3] =	sst s9;
	s0 =	simm.s32 @!p0 $0x0  }
0x12: {  	s1 =	sld [smem:$0x3F99];
	s0 =	simm.s32 @p0 $0x1  }
0x13: {  	[smem:$0x3FB4] =	sst s0;
	s0 =	simm.s32 @!p1 $0x0  }
0x14: {  	s2 =	sld [smem:$0x3F98];
	s0 =	simm.s32 @p1 $0x1  }
0x15: {  	[smem:$0x3FB5] =	sst s0;
	s0 =	simm.s32 @!p2 $0x0  }
0x16: {  	s3 =	sld [smem:$0x3FDB];
	s0 =	simm.s32 @p2 $0x1  }
0x17: {  	s4 =	simm.s32 $0x1BF5;
	[smem:$0x3FB7] =	sst s0  }
0x18: {  	s0 =	sld [smem:$0x3F9A];
	_ =	swait.ge [sflag:s4], $0x0  }
0x19: {  	s7 =	sld [smem:$0x3F9B]  }
0x1a: {  	s8 =	sadd.s32 $0xFFFFE003, lr  }
0x1b: {  	s9 =	sadd.s32 $0xFFFFFEF7, lr;
	s5 =	simm.s32 $0xFFFFFFFF;
	p2 =	slt.u32 s8, $0xFFFFF086  }
0x1c: {  	p1 =	slt.u32 s9, $0xF7A;
	s5 =	simm.s32 @!p2 $0x0  }
0x1d: {  	s5 =	simm.s32 @p1 $0x1;
	p0 =	seq.s32 s7, s2  }
0x1e: {  	s7 =	smul.u32 @!p0 $0xF7A, s2;
	p2 =	seq.s32 @!p0 s5, $0x0  }
0x1f: {  	s9 =	smul.u32 $0xF7A, s1;
	s8 =	simm.s32 @!p0 $0x1BF5;
	p2 =	por !p2, p0  }
0x20: {  	[sflag:s8] =	ssyncset.s32 @!p0 $0xFFFFF086;
	s6 =	sadd.s32 @!p0 s3, s7;
	s7 =	simm.s32 @!p0 $0x108  }
0x21: {  	s3 =	sadd.s32 s3, s9;
	s6 =	sadd.s32 @!p0 $0x88, s6;
	s7 =	simm.s32 @p2 $0x1082  }
0x22: {  	[simem:s7], [sflag:s8] =	dma.local @!p0 [hbm:s6], $0xF7A  }
0x23: {  	s9 =	sor.u32 $0xD0000000, s2;
	s6 =	simm.s32 $0x108;
	_ =	swait.ge @!p0 [sflag:s8], $0x0  }
0x24: {  	s3 =	sadd.s32 $0x88, s3;
	s6 =	simm.s32 @!p1 $0x1082;
	[sflag:s4] =	ssyncset.s32 $0xFFFFF086  }
0x25: {  	[simem:s6], [sflag:s4] =	dma.local [hbm:s3], $0xF7A  }
0x26: {  	[smem:$0x3F9B] =	sst s1;
	(tag) =	ssettag s2;
	_ =	strace s9  }
0x27: {  	s1 =	sld [smem:$0x3FAB]  }
0x28: {  	s2 =	sld [smem:$0x3FAC]  }
0x29: {  	s4 =	sld [smem:$0x3FAE]  }
0x2a: {  	p0 =	seq.s32 s5, $0x0;
	s5 =	sld [smem:$0x3FAF]  }
0x2b: {  	s6 =	sld [smem:$0x3FB0]  }
0x2c: {  	s7 =	sld [smem:$0x3FB1]  }
0x2d: {  	s3 =	simm.s32 $0x108;
	s8 =	sld [smem:$0x3FB2]  }
0x2e: {  	s3 =	simm.s32 @!p0 $0x1082;
	s9 =	sld [smem:$0x3FB3]  }
0x2f: {  	lr =	sadd.s32 s0, s3;
	s0 =	sld [smem:$0x3FAA]  }
0x30: {  	s3 =	sld [smem:$0x3FAD]  }
0x31: {  	[smem:$0x3FB6] =	sst s10  }
0x32: {  	s10 =	sld [smem:$0x3FB4];
	_ =	sdelay $0x3  }
0x33: {  	p0 =	seq.s32 s10, $0x1;
	s10 =	sld [smem:$0x3FB6];
	_ =	sdelay $0x3  }
0x34: {  	[smem:$0x3FB6] =	sst s10  }
0x35: {  	s10 =	sld [smem:$0x3FB5];
	_ =	sdelay $0x3  }
0x36: {  	p1 =	seq.s32 s10, $0x1;
	s10 =	sld [smem:$0x3FB6];
	_ =	sdelay $0x3  }
0x37: {  	[smem:$0x3FB6] =	sst s10  }
0x38: {  	s10 =	sld [smem:$0x3FB7]  }
0x39: {  	_ = 	snop;
	(pc) =	sbr.ind lr, $3  }
0x3a: {  	_ = 	snop  }
0x3b: {  	_ = 	snop  }
0x3c: {  	p2 =	seq.s32 s10, $0x1;
	s10 =	sld [smem:$0x3FB6]  }
0x3d: {  	_ =	shalt  }
0x3e: {  	_ =	shalt  }
0x3f: {  	_ =	shalt  }
0x40: {  	_ =	shalt  }
0x41: {  	_ =	shalt  }
0x42: {  	_ =	shalt  }
0x43: {  	_ =	shalt  }
0x44: {  	_ =	shalt  }
0x45: {  	_ =	shalt  }
0x46: {  	_ =	shalt  }
0x47: {  	_ =	shalt  }
0x48: {  	_ =	shalt  }
0x49: {  	_ =	shalt  }
0x4a: {  	_ =	shalt  }
0x4b: {  	_ =	shalt  }
0x4c: {  	_ =	shalt  }
0x4d: {  	_ =	shalt  }
0x4e: {  	_ =	shalt  }
0x4f: {  	_ =	shalt  }
0x50: {  	_ =	shalt  }
0x51: {  	_ =	shalt  }
0x52: {  	_ =	shalt  }
0x53: {  	_ =	shalt  }
0x54: {  	_ =	shalt  }
0x55: {  	_ =	shalt  }
0x56: {  	_ =	shalt  }
0x57: {  	_ =	shalt  }
0x58: {  	_ =	shalt  }
0x59: {  	_ =	shalt  }
0x5a: {  	_ =	shalt  }
0x5b: {  	_ =	shalt  }
0x5c: {  	_ =	shalt  }
0x5d: {  	_ =	shalt  }
0x5e: {  	_ =	shalt  }
0x5f: {  	_ =	shalt  }
0x60: {  	_ =	shalt  }
0x61: {  	_ =	shalt  }
0x62: {  	_ =	shalt  }
0x63: {  	_ =	shalt  }
0x64: {  	_ =	shalt  }
0x65: {  	_ =	shalt  }
0x66: {  	_ =	shalt  }
0x67: {  	_ =	shalt  }
0x68: {  	_ =	shalt  }
0x69: {  	_ =	shalt  }
0x6a: {  	_ =	shalt  }
0x6b: {  	_ =	shalt  }
0x6c: {  	_ =	shalt  }
0x6d: {  	_ =	shalt  }
0x6e: {  	_ =	shalt  }
0x6f: {  	_ =	shalt  }
0x70: {  	_ =	shalt  }
0x71: {  	_ =	shalt  }
0x72: {  	_ =	shalt  }
0x73: {  	_ =	shalt  }
0x74: {  	_ =	shalt  }
0x75: {  	_ =	shalt  }
0x76: {  	_ =	shalt  }
0x77: {  	_ =	shalt  }
0x78: {  	_ =	shalt  }
0x79: {  	_ =	shalt  }
0x7a: {  	_ =	shalt  }
0x7b: {  	_ =	shalt  }
0x7c: {  	_ =	shalt  }
0x7d: {  	_ =	shalt  }
0x7e: {  	_ =	shalt  }
0x7f: {  	_ =	shalt  }
0x80: {  	_ =	shalt  }
0x81: {  	_ =	shalt  }
0x82: {  	_ =	shalt  }
0x83: {  	_ =	shalt  }
0x84: {  	_ =	shalt  }
0x85: {  	_ =	shalt  }
0x86: {  	_ =	shalt  }
0x87: {  	_ =	shalt  }
.Lfunc_end0:
.L_simem_size_0:
called_computation.1_lowered:
.L_overlay_start_0:
0x88: {  	s2 =	sld [smem:$0x3FD9]  }
0x89: {  	s3 =	sld [smem:$0x3FFE];
	_ =	sdelay $0x1  }
0x8a: {  	s1 =	srdreg.scid  }
0x8b: {  	s0 =	sand.u32 $0x1, s1  }
0x8c: {  	s16 =	sshll.u32 s0, $0xA;
	s2 =	sadd.s32 s3, s2  }
0x8d: {  	s2 =	sadd.s32 s2, s16  }
0x8e: {  	[smem:$0x3FC2] =	sst s2  }
0x8f: {  	_ = 	snop  }
0x90: {  	(tm) =	ssettm $0x1  }
0x91: {  	s17 =	sld [smem:$0x3FFB];
	_ =	sdelay $0x3  }
0x92: {  	_ =	strace s17  }
0x93: {  	s2 =	sld [smem:$0x3FFC];
	_ =	sdelay $0x3  }
0x94: {  	_ =	strace s2  }
0x95: {  	s2 =	sld [smem:$0x3FFD];
	_ =	sdelay $0x3  }
0x96: {  	_ =	strace s2  }
0x97: {  	_ =	strace $0x8FFFFFFF  }
0x98: {  	s18 =	sld [smem:$0x3FDB];
	_ =	sdelay $0x1  }
0x99: {  	s19 =	simm.s32 $_scs_section_size  }
0x9a: {  	s4 =	simm.s32 $_size__tile_overlayer_lowered;
	s5 =	simm.s32 $_tile_overlayer_lowered  }
0x9b: {  	s22 =	simm.s32 $0x1BFF;
	s21 =	sshll.u32 s5, $0x1;
	s2 =	sadd.s32 s19, s18  }
0x9c: {  	s6 =	simm.s32 $0x0;
	s20 =	sshll.u32 s4, $0x1;
	s4 =	sadd.s32 s21, s2  }
0x9d: {  	[timem:s6], [sflag:s22] =	dma.local [hbm:s4], s20  }
0x9e: {  	_ =	swait.ge [sflag:s22], s20  }
0x9f: {  	s3 =	ssub.s32 $0x0, s20;
	[sflag:s22] =	ssyncset.done $0x0  }
0xa0: {  	[sflag:s22] =	ssyncadd.s32 s3;
	_ =	sdelay $0x1  }
0xa1: {  	s23 =	simm.s32 $0x1B8B  }
0xa2: {  	_ =	swait.ge [sflag:s23], $0x1  }
0xa3: {  	[sflag:s23] =	ssyncset.done $0x0  }
0xa4: {  	s25 =	simm.s32 $0x1B8E;
	s24 =	sld [smem:$0x3FFE];
	[sflag:s23] =	ssyncadd.s32 $0xFFFFFFFF  }
0xa5: {  	s26 =	simm.s32 $execute0_lowered;
	[smem:$0x3FD2] =	sst s25  }
0xa6: {  	s4 =	sshll.u32 s26, $0x1;
	_ =	strace $0x80000049;
	[dreg:$0x1] =	wrdreg $0xFFFFFFFF  }
0xa7: {  	s28 =	simm.s32 $_size_execute0_lowered;
	s2 =	sadd.s32 s2, s4;
	[dreg:$0x0] =	wrdreg $0x0  }
0xa8: {  	s4 =	sshll.u32 s28, $0x1;
	[dreg:$0x2] =	wrdreg s2  }
0xa9: {  	[dreg:$0x3] =	wrdreg s4  }
0xaa: {  	[dreg:$0x4] =	wrdreg $0xC0  }
0xab: {  	_ =	task [dreg:s6], $0x5FFFF  }
0xac: {  	[dreg:$0x1] =	wrdreg $0xFFFFFFFF  }
0xad: {  	[dreg:$0x0] =	wrdreg $0x60  }
0xae: {  	[dreg:$0x2] =	wrdreg s24  }
0xaf: {  	[dreg:$0x3] =	wrdreg $0xB6000  }
0xb0: {  	[dreg:$0x4] =	wrdreg $0x9  }
0xb1: {  	_ =	task.clear_ibuf [dreg:s6], $0x5FFFF;
	_ =	strace $0x90000049  }
0xb2: {  	s29 =	simm.s32 $0x9;
	_ =	strace $0x8000004B  }
0xb3: {  	_ =	swait.ge [sflag:s29], $0x1  }
0xb4: {  	[sflag:s29] =	ssyncadd.s32 $0xFFFFFFFF  }
0xb5: {  	_ =	strace $0x9000004B  }
0xb6: {  	_ =	sfence  }
0xb7: {  	s30 =	sld [smem:$0x0];
	_ =	sdelay $0x2  }
0xb8: {  	s31 =	sshll.u32 s1, $0xD;
	s1 =	sshrl.u32 s1, $0x2  }
0xb9: {  	s3 =	sand.u32 $0x4000, s31;
	s1 =	sadd.s32 s1, s30  }
0xba: {  	s0 =	sor.u32 s3, s0;
	s1 =	sshll.u32 s1, $0x11  }
0xbb: {  	s0 =	sor.u32 s1, s0  }
0xbc: {  	s0 =	sadd.s32 $0x8F2B, s0  }
0xbd: {  	[sflag:s0] =	ssyncadd.remote.s32 $0x1  }
0xbe: {  	_ =	sfence.sel $0xFFFF  }
0xbf: {  	[dreg:$0x0] =	wrdreg $0xFFFFFFFF;
	(pc) =	sbr.abs _section_cstart, $3  }
0xc0: {  	[dreg:$0x1] =	wrdreg $0xFFFFFFFF  }
0xc1: {  	_ =	task.clear_ibuf [dreg:s6], $0x2FFFF;
	_ =	strace $0x9FFFFFFF  }
0xc2: {  	(tm) =	ssettm $0x7FFFFFFF  }
0xc3: {  	_ =	shalt  }
tec
execute0_lowered:
.L_overlay_start_1:
0x0: {  	(tag) =	ssettag $0x1  }
0x1: {  	s0 =	rddreg [dreg:$0x0]  }
0x2: {  	s1 =	rddreg [dreg:$0x1]  }
0x3: {  	s2 =	srdreg.scid;
	s10 =	simm.s32 $0x0;
	s12 =	stileid.u32  }
0x4: {  	s3 =	sand.u32 $0x1, s2;
	[smem:$0x7FF] =	sst s10;
	s8 =	smul.u32 $0x2700, s12  }
0x5: {  	s13 =	sadd.s32 $0x2000, s0;
	s10 =	smul.u32 $0x4E000, s12;
	s4 =	sshll.u32 s3, $0x4  }
0x6: {  	s14 =	sadd.s32 $0x15C00, s0;
	s29 =	smul.u32 $0x4EC0, s12;
	s4 =	sor.u32 s12, s4  }
0x7: {  	s6 =	sadd.s32 $0x29800, s0;
	s0 =	sadd.s32 $0x77A00, s0;
	s4 =	smul.u32 $0x4EC0, s4  }
0x8: {  	p0 =	sne.s32 s12, $0x0;
	_ =	strace $0x8000004A;
	s5 =	ssub.s32 $0x2, s3  }
0x9: {  	s23 =	smul.u32 $0x27100, s3;
	s2 =	smov.u32 s14;
	s4 =	sshrl.u32 s4, $0x3  }
0xa: {  	s31 =	smov.u32 s13;
	s7 =	sshrl.u32 s5, $0x1;
	s15 =	sadd.s32 s13, s4  }
0xb: {  	s11 =	sadd.s32 $0xE, s4;
	s16 =	sadd.s32 s14, s4;
	[dreg:$0x3] =	wrdreg s15  }
0xc: {  	s10 =	sshrl.u32 s10, $0x2;
	[dreg:$0x4] =	wrdreg s16;
	s17 =	sadd.s32 s13, s11  }
0xd: {  	s19 =	sadd.s32 $0x1C, s4;
	s18 =	sadd.s32 s14, s11;
	[dreg:$0x5] =	wrdreg s17  }
0xe: {  	s12 =	simm.s32 $0x4;
	s20 =	sadd.s32 s13, s19;
	[dreg:$0x6] =	wrdreg s18  }
0xf: {  	s9 =	sadd.s32 $0x2A, s4;
	s21 =	sadd.s32 s14, s19;
	[dreg:$0x7] =	wrdreg s20  }
0x10: {  	s5 =	ssub.s32 s5, s7;
	s22 =	sadd.s32 s13, s9;
	[dreg:$0x8] =	wrdreg s21  }
0x11: {  	s25 =	sadd.s32 $0x38, s4;
	s24 =	sadd.s32 s14, s9;
	[dreg:$0x9] =	wrdreg s22  }
0x12: {  	s7 =	sadd.s32 s8, s23;
	s26 =	sadd.s32 s13, s25;
	[dreg:$0xa] =	wrdreg s24  }
0x13: {  	s4 =	sadd.s32 $0x46, s4;
	s28 =	sadd.s32 s14, s25;
	[dreg:$0xb] =	wrdreg s26  }
0x14: {  	s11 =	smul.u32 $0x138800, s3;
	s30 =	sadd.s32 s13, s4;
	[dreg:$0xc] =	wrdreg s28  }
0x15: {  	s3 =	smul.u32 $0x4EC00, s3;
	s9 =	sadd.s32 s14, s4;
	[dreg:$0xd] =	wrdreg s30  }
0x16: {  	s19 =	sadd.s32 s10, s1;
	s15 =	sadd.s32 s0, s7;
	[dreg:$0xe] =	wrdreg s9  }
0x17: {  	s10 =	simm.s32 $0x70;
	s7 =	simm.s32 $0x600;
	[dreg:$0xf] =	wrdreg s15  }
0x18: {  	s18 =	smax.u32 s5, $0x1;
	s9 =	simm.s32 $0x7600;
	s15 =	simm.s32 $0x9  }
0x19: {  	s11 =	sshrl.u32 s11, $0x3;
	s8 =	sadd.s32 s29, s3;
	[dreg:$0x11] =	wrdreg s18  }
0x1a: {  	s18 =	simm.s32 $0x580;
	s0 =	sadd.s32 s0, s11;
	s3 =	sadd.s32 $0x4D0, s8  }
0x1b: {  	s17 =	sadd.s32 $0x460, s8;
	s22 =	sadd.s32 $0x3F0, s8;
	s24 =	sadd.s32 $0x380, s8  }
0x1c: {  	s26 =	sadd.s32 $0x310, s8;
	s30 =	sadd.s32 $0x2A0, s8;
	s8 =	simm.s32 $0x3  }
0x1d: {  	s11 =	simm.s32 $0x7;
	s0 =	sadd.s32 $0x27000, s0;
	s16 =	sshrl.u32 s3, $0x3  }
0x1e: {  	s3 =	sshrl.u32 s17, $0x3;
	s4 =	sshrl.u32 s26, $0x3;
	[dreg:$0x1a] =	wrdreg s30  }
0x1f: {  	s17 =	simm.s32 $0x280;
	[dreg:$0x10] =	wrdreg s0;
	s20 =	sadd.s32 s16, s14  }
0x20: {  	s0 =	sadd.s32 s16, s13;
	s21 =	sadd.s32 s3, s14;
	[dreg:$0x12] =	wrdreg s20  }
0x21: {  	s23 =	sadd.s32 s3, s13;
	s3 =	sshrl.u32 s24, $0x3;
	[dreg:$0x13] =	wrdreg s0  }
0x22: {  	s24 =	sadd.s32 $0x138000, s1;
	s16 =	simm.s32 $0x6;
	[dreg:$0x14] =	wrdreg s21  }
0x23: {  	[dreg:$0x15] =	wrdreg s23;
	s0 =	sshrl.u32 s22, $0x3;
	s28 =	sadd.s32 s3, s14  }
0x24: {  	s29 =	sadd.s32 s3, s13;
	s3 =	sadd.s32 s4, s13;
	[dreg:$0x1b] =	wrdreg s24  }
.Ltmp0:
0x25: {  	s20 =	simm.s32 $0xAE00;
	[dreg:$0x18] =	wrdreg s28;
	(pc) =	sbr.rel .LBB2_1-.Ltmp0, $4  }
0x26: {  	s21 =	simm.s32 $0xA;
	s25 =	sadd.s32 s0, s14;
	[dreg:$0x19] =	wrdreg s29  }
0x27: {  	s22 =	simm.s32 $0x3E00;
	s0 =	sadd.s32 s0, s13;
	[dreg:$0x16] =	wrdreg s25  }
0x28: {  	s23 =	simm.s32 $0x0;
	s13 =	simm.s32 $0x8;
	[dreg:$0x17] =	wrdreg s0  }
0x29: {  	v0 =	vimm.f32 $0.0e+00;
	s0 =	sadd.s32 s4, s14;
	s25 =	simm.s32 $0x80;
	s14 =	simm.s32 $0x5  }
.LBB2_6:
0x2a: {  	s4 =	stileid.u32  }
0x2b: {  	[bflag:$0x0] =	sbarrier.arrive $0xFFFF;
	s4 =	sshll.u32 s4, $0x6  }
0x2c: {  	s5 =	sshrl.u32 s19, $0x3;
	s23 =	rddreg [dreg:$0xf];
	s4 =	sor.u32 $0x1C0A, s4  }
0x2d: {  	[hbm:s23], [sflag:s4] =	dma.local [spmem:s5], $0x2700  }
0x2e: {  	_ =	swait.ge [sflag:s21], $0x2700  }
0x2f: {  	[sflag:s21] =	ssyncset.done $0x0;
	s24 =	rddreg [dreg:$0x1b]  }
0x30: {  	s23 =	rddreg [dreg:$0x10];
	[sflag:s21] =	ssyncadd.s32 $0xFFFFD900;
	s5 =	sshrl.u32 @!p0 s24, $0x3  }
0x31: {  	[hbm:s23], [sflag:s4] =	dma.local @!p0 [spmem:s5], $0x100  }
0x32: {  	s4 =	simm.s32 @!p0 $0xA  }
0x33: {  	_ =	swait.ge @!p0 [sflag:s4], $0x100  }
0x34: {  	s29 =	rddreg [dreg:$0x1c]  }
0x35: {  	s30 =	rddreg [dreg:$0x11];
	s23 =	sadd.s32 $0x1, s29  }
0x36: {  	p1 =	sne.s32 s23, s30  }
.Ltmp1:
0x37: {  	_ = 	snop;
	(pc) =	sbr.rel @!p1 .LBB2_7-.Ltmp1, $3  }
0x38: {  	_ =	sdelay $0x1  }
0x39: {  	[sflag:s4] =	ssyncset.done @!p0 $0x0  }
0x3a: {  	s25 =	simm.s32 $0x80;
	[sflag:s4] =	ssyncadd.s32 @!p0 $0xFFFFFF00  }
.LBB2_1:
0x3b: {  	[dreg:$0x1c] =	wrdreg s23  }
0x3c: {  	s4 =	simm.s32 $0x0;
	s5 =	rddreg [dreg:$0x3]  }
0x3d: {  	[tilespmem:s4], [sflag:$0x1] =	stream.linear.gather [hbm4b:s5+s4], $0x70, $0x38;
	[tilespmem:$0x1EF80] =	vst v63  }
0x3e: {  	s29 =	rddreg [dreg:$0x4];
	s30 =	simm.s32 $0x300  }
0x3f: {  	[tilespmem:s30], [sflag:$0x1] =	stream.linear.gather [hbm4b:s29+s4], $0x70, $0x38;
	[tilespmem:$0x1EF80] =	vst v63  }
0x40: {  	s23 =	rddreg [dreg:$0x5]  }
0x41: {  	[tilespmem:s25], [sflag:$0x2] =	stream.linear.gather [hbm4b:s23+s4], $0x70, $0x38;
	[tilespmem:$0x1EF80] =	vst v63  }
0x42: {  	s26 =	rddreg [dreg:$0x6];
	s28 =	simm.s32 $0x380  }
0x43: {  	[tilespmem:s28], [sflag:$0x2] =	stream.linear.gather [hbm4b:s26+s4], $0x70, $0x38;
	[tilespmem:$0x1EF80] =	vst v63  }
0x44: {  	s29 =	rddreg [dreg:$0x7];
	s30 =	simm.s32 $0x100  }
0x45: {  	[tilespmem:s30], [sflag:$0x3] =	stream.linear.gather [hbm4b:s29+s4], $0x70, $0x38;
	[tilespmem:$0x1EF80] =	vst v63  }
0x46: {  	s26 =	rddreg [dreg:$0x8];
	s28 =	simm.s32 $0x400  }
0x47: {  	[tilespmem:s28], [sflag:$0x3] =	stream.linear.gather [hbm4b:s26+s4], $0x70, $0x38;
	[tilespmem:$0x1EF80] =	vst v63  }
0x48: {  	s29 =	rddreg [dreg:$0x9];
	s30 =	simm.s32 $0x180  }
0x49: {  	[tilespmem:s30], [sflag:$0x4] =	stream.linear.gather [hbm4b:s29+s4], $0x70, $0x38;
	[tilespmem:$0x1EF80] =	vst v63  }
0x4a: {  	s26 =	rddreg [dreg:$0xa];
	s28 =	simm.s32 $0x480  }
0x4b: {  	[tilespmem:s28], [sflag:$0x4] =	stream.linear.gather [hbm4b:s26+s4], $0x70, $0x38;
	[tilespmem:$0x1EF80] =	vst v63  }
0x4c: {  	s29 =	rddreg [dreg:$0xb];
	s30 =	simm.s32 $0x200  }
0x4d: {  	[tilespmem:s30], [sflag:$0x5] =	stream.linear.gather [hbm4b:s29+s4], $0x70, $0x38;
	[tilespmem:$0x1EF80] =	vst v63  }
0x4e: {  	s23 =	rddreg [dreg:$0xc];
	s26 =	simm.s32 $0x500  }
0x4f: {  	[tilespmem:s26], [sflag:$0x5] =	stream.linear.gather [hbm4b:s23+s4], $0x70, $0x38;
	[tilespmem:$0x1EF80] =	vst v63  }
0x50: {  	s28 =	rddreg [dreg:$0xd]  }
0x51: {  	[tilespmem:s17], [sflag:$0x6] =	stream.linear.gather [hbm4b:s28+s4], $0x70, $0x38;
	[tilespmem:$0x1EF80] =	vst v63  }
0x52: {  	s29 =	rddreg [dreg:$0xe]  }
0x53: {  	[tilespmem:s18], [sflag:$0x6] =	stream.linear.gather [hbm4b:s29+s4], $0x70, $0x38;
	[tilespmem:$0x1EF80] =	vst v63  }
0x54: {  	[tilespmem:$0xAE00] =	vst v0  }
0x55: {  	[tilespmem:$0xAE10] =	vst v0  }
0x56: {  	[tilespmem:$0xAE20] =	vst v0  }
0x57: {  	[tilespmem:$0xAE30] =	vst v0  }
0x58: {  	[tilespmem:$0xAE40] =	vst v0  }
0x59: {  	[tilespmem:$0xAE50] =	vst v0  }
0x5a: {  	[tilespmem:$0xAE60] =	vst v0  }
0x5b: {  	[tilespmem:$0xAE70] =	vst v0  }
0x5c: {  	[tilespmem:$0xAE80] =	vst v0  }
0x5d: {  	[tilespmem:$0xAE90] =	vst v0  }
0x5e: {  	[tilespmem:$0xAEA0] =	vst v0  }
0x5f: {  	[tilespmem:$0xAEB0] =	vst v0  }
0x60: {  	[tilespmem:$0xAEC0] =	vst v0  }
0x61: {  	[tilespmem:$0xAED0] =	vst v0  }
0x62: {  	[tilespmem:$0xAEE0] =	vst v0  }
0x63: {  	[tilespmem:$0xAEF0] =	vst v0  }
0x64: {  	[tilespmem:$0xAF00] =	vst v0  }
0x65: {  	[tilespmem:$0xAF10] =	vst v0  }
0x66: {  	[tilespmem:$0xAF20] =	vst v0  }
0x67: {  	[tilespmem:$0xAF30] =	vst v0  }
0x68: {  	[tilespmem:$0xAF40] =	vst v0  }
0x69: {  	[tilespmem:$0xAF50] =	vst v0  }
0x6a: {  	[tilespmem:$0xAF60] =	vst v0  }
0x6b: {  	[tilespmem:$0xAF70] =	vst v0  }
0x6c: {  	[tilespmem:$0xAF80] =	vst v0  }
0x6d: {  	[tilespmem:$0xAF90] =	vst v0  }
0x6e: {  	[tilespmem:$0xAFA0] =	vst v0  }
0x6f: {  	[tilespmem:$0xAFB0] =	vst v0  }
0x70: {  	[tilespmem:$0xAFC0] =	vst v0  }
0x71: {  	[tilespmem:$0xAFD0] =	vst v0  }
0x72: {  	[tilespmem:$0xAFE0] =	vst v0  }
0x73: {  	[tilespmem:$0xAFF0] =	vst v0  }
0x74: {  	[tilespmem:$0xB000] =	vst v0  }
0x75: {  	[tilespmem:$0xB010] =	vst v0  }
0x76: {  	[tilespmem:$0xB020] =	vst v0  }
0x77: {  	[tilespmem:$0xB030] =	vst v0  }
0x78: {  	[tilespmem:$0xB040] =	vst v0  }
0x79: {  	[tilespmem:$0xB050] =	vst v0  }
0x7a: {  	[tilespmem:$0xB060] =	vst v0  }
0x7b: {  	[tilespmem:$0xB070] =	vst v0  }
0x7c: {  	[tilespmem:$0xB080] =	vst v0  }
0x7d: {  	[tilespmem:$0xB090] =	vst v0  }
0x7e: {  	[tilespmem:$0xB0A0] =	vst v0  }
0x7f: {  	[tilespmem:$0xB0B0] =	vst v0  }
0x80: {  	[tilespmem:$0xB0C0] =	vst v0  }
0x81: {  	[tilespmem:$0xB0D0] =	vst v0  }
0x82: {  	[tilespmem:$0xB0E0] =	vst v0  }
0x83: {  	[tilespmem:$0xB0F0] =	vst v0  }
0x84: {  	[tilespmem:$0xB100] =	vst v0  }
0x85: {  	[tilespmem:$0xB110] =	vst v0  }
0x86: {  	[tilespmem:$0xB120] =	vst v0  }
0x87: {  	[tilespmem:$0xB130] =	vst v0  }
0x88: {  	[tilespmem:$0xB140] =	vst v0  }
0x89: {  	[tilespmem:$0xB150] =	vst v0  }
0x8a: {  	[tilespmem:$0xB160] =	vst v0  }
0x8b: {  	[tilespmem:$0xB170] =	vst v0  }
0x8c: {  	[tilespmem:$0xB180] =	vst v0  }
0x8d: {  	[tilespmem:$0xB190] =	vst v0  }
0x8e: {  	[tilespmem:$0xB1A0] =	vst v0  }
0x8f: {  	[tilespmem:$0xB1B0] =	vst v0  }
0x90: {  	[tilespmem:$0xB1C0] =	vst v0  }
0x91: {  	[tilespmem:$0xB1D0] =	vst v0  }
0x92: {  	[tilespmem:$0xB1E0] =	vst v0  }
0x93: {  	[tilespmem:$0xB1F0] =	vst v0  }
0x94: {  	[tilespmem:$0xB200] =	vst v0  }
0x95: {  	[tilespmem:$0xB210] =	vst v0  }
0x96: {  	[tilespmem:$0xB220] =	vst v0  }
0x97: {  	[tilespmem:$0xB230] =	vst v0  }
0x98: {  	[tilespmem:$0xB240] =	vst v0  }
0x99: {  	[tilespmem:$0xB250] =	vst v0  }
0x9a: {  	[tilespmem:$0xB260] =	vst v0  }
0x9b: {  	[tilespmem:$0xB270] =	vst v0  }
0x9c: {  	[tilespmem:$0xB280] =	vst v0  }
0x9d: {  	[tilespmem:$0xB290] =	vst v0  }
0x9e: {  	[tilespmem:$0xB2A0] =	vst v0  }
0x9f: {  	[tilespmem:$0xB2B0] =	vst v0  }
0xa0: {  	[tilespmem:$0xB2C0] =	vst v0  }
0xa1: {  	[tilespmem:$0xB2D0] =	vst v0  }
0xa2: {  	[tilespmem:$0xB2E0] =	vst v0  }
0xa3: {  	[tilespmem:$0xB2F0] =	vst v0  }
0xa4: {  	[tilespmem:$0xB300] =	vst v0  }
0xa5: {  	[tilespmem:$0xB310] =	vst v0  }
0xa6: {  	[tilespmem:$0xB320] =	vst v0  }
0xa7: {  	[tilespmem:$0xB330] =	vst v0  }
0xa8: {  	[tilespmem:$0xB340] =	vst v0  }
0xa9: {  	[tilespmem:$0xB350] =	vst v0  }
0xaa: {  	[tilespmem:$0xB360] =	vst v0  }
0xab: {  	[tilespmem:$0xB370] =	vst v0  }
0xac: {  	[tilespmem:$0xB380] =	vst v0  }
0xad: {  	[tilespmem:$0xB390] =	vst v0  }
0xae: {  	[tilespmem:$0xB3A0] =	vst v0  }
0xaf: {  	[tilespmem:$0xB3B0] =	vst v0  }
0xb0: {  	[tilespmem:$0xB3C0] =	vst v0  }
0xb1: {  	[tilespmem:$0xB3D0] =	vst v0  }
0xb2: {  	[tilespmem:$0xB3E0] =	vst v0  }
0xb3: {  	[tilespmem:$0xB3F0] =	vst v0  }
0xb4: {  	[tilespmem:$0xB400] =	vst v0  }
0xb5: {  	[tilespmem:$0xB410] =	vst v0  }
0xb6: {  	[tilespmem:$0xB420] =	vst v0  }
0xb7: {  	[tilespmem:$0xB430] =	vst v0  }
0xb8: {  	[tilespmem:$0xB440] =	vst v0  }
0xb9: {  	[tilespmem:$0xB450] =	vst v0  }
0xba: {  	[tilespmem:$0xB460] =	vst v0  }
0xbb: {  	[tilespmem:$0xB470] =	vst v0  }
0xbc: {  	[tilespmem:$0xB480] =	vst v0  }
0xbd: {  	[tilespmem:$0xB490] =	vst v0  }
0xbe: {  	[tilespmem:$0xB4A0] =	vst v0  }
0xbf: {  	[tilespmem:$0xB4B0] =	vst v0  }
0xc0: {  	[tilespmem:$0xB4C0] =	vst v0  }
0xc1: {  	[tilespmem:$0xB4D0] =	vst v0  }
0xc2: {  	[tilespmem:$0xB4E0] =	vst v0  }
0xc3: {  	[tilespmem:$0xB4F0] =	vst v0  }
0xc4: {  	[tilespmem:$0xB500] =	vst v0  }
0xc5: {  	[tilespmem:$0xB510] =	vst v0  }
0xc6: {  	[tilespmem:$0xB520] =	vst v0  }
0xc7: {  	[tilespmem:$0xB530] =	vst v0  }
0xc8: {  	[tilespmem:$0xB540] =	vst v0  }
0xc9: {  	[tilespmem:$0xB550] =	vst v0  }
0xca: {  	[tilespmem:$0xB560] =	vst v0  }
0xcb: {  	[tilespmem:$0xB570] =	vst v0  }
0xcc: {  	[tilespmem:$0xB580] =	vst v0  }
0xcd: {  	[tilespmem:$0xB590] =	vst v0  }
0xce: {  	[tilespmem:$0xB5A0] =	vst v0  }
0xcf: {  	[tilespmem:$0xB5B0] =	vst v0  }
0xd0: {  	[tilespmem:$0xB5C0] =	vst v0  }
0xd1: {  	[tilespmem:$0xB5D0] =	vst v0  }
0xd2: {  	[tilespmem:$0xB5E0] =	vst v0  }
0xd3: {  	s30 =	sadd.s32 $0x0, s19;
	[tilespmem:$0xB5F0] =	vst v0  }
0xd4: {  	[spmem:s30] =	stream.linear.scatter [tilespmem:s20], [sflag:$0xA], $0x800, $0x38;
	[tilespmem:$0x1EF80] =	vst v63  }
0xd5: {  	s4 =	simm.s32 $0x2000;
	_ =	swait.ge [sflag:s21], $0x800  }
.LBB2_2:
0xd6: {  	s5 =	sshra.s32 s4, $0x2;
	[sflag:s21] =	ssyncset.done $0x0;
	p1 =	sne.s32 s4, $0x4C000  }
.Ltmp2:
0xd7: {  	s5 =	sadd.s32 s5, s19;
	[sflag:s21] =	ssyncadd.s32 $0xFFFFF800;
	(pc) =	sbr.rel @p1 .LBB2_2-.Ltmp2, $3  }
0xd8: {  	[spmem:s5] =	stream.linear.scatter [tilespmem:s20], [sflag:$0xA], $0x800, $0x38;
	[tilespmem:$0x1EF80] =	vst v63  }
0xd9: {  	s4 =	sadd.s32 $0x2000, s4;
	_ =	sdelay $0x1  }
0xda: {  	_ =	swait.ge [sflag:s21], $0x800  }
0xdb: {  	[sflag:s21] =	ssyncset.done $0x0  }
0xdc: {  	s4 =	simm.s32 @!p0 $0xAE00;
	[sflag:s21] =	ssyncadd.s32 $0xFFFFF800  }
0xdd: {  	[spmem:s24] =	stream.linear.scatter @!p0 [tilespmem:s4], [sflag:$0xA], $0x800, $0x38;
	[tilespmem:$0x1EF80] =	vst v63  }
0xde: {  	s4 =	simm.s32 @!p0 $0xA  }
0xdf: {  	_ =	swait.ge @!p0 [sflag:s4], $0x800  }
0xe0: {  	[sflag:s4] =	ssyncset.done @!p0 $0x0  }
0xe1: {  	[sflag:s4] =	ssyncadd.s32 @!p0 $0xFFFFF800  }
0xe2: {  	s30 =	simm.s32 $0x1;
	[bflag:$0x0] =	sbarrier.arrive $0xFFFF  }
0xe3: {  	_ =	swait.ge [sflag:s30], $0x70  }
0xe4: {  	[sflag:s30] =	ssyncset.done $0x0  }
0xe5: {  	[sflag:s30] =	ssyncadd.s32 $0xFFFFFF90  }
0xe6: {  	_ =	swait.ge [sflag:s30], $0x70  }
0xe7: {  	[sflag:s30] =	ssyncset.done $0x0  }
0xe8: {  	s5 =	simm.s32 $0x2;
	s4 =	simm.s32 $0x0;
	[sflag:s30] =	ssyncadd.s32 $0xFFFFFF90  }
0xe9: {  	[tilespmem:s7], [sflag:$0x7] =	stream.indirect.gather [hbm4b:s6+s10], $0x80, s4, s10, $0xb8;
	[tilespmem:$0x1EF80] =	vst v63  }
0xea: {  	_ =	swait.ge [sflag:s5], $0x70  }
0xeb: {  	[sflag:s5] =	ssyncset.done $0x0  }
0xec: {  	[sflag:s5] =	ssyncadd.s32 $0xFFFFFF90  }
0xed: {  	_ =	swait.ge [sflag:s5], $0x70  }
0xee: {  	[sflag:s5] =	ssyncset.done $0x0  }
0xef: {  	[sflag:s5] =	ssyncadd.s32 $0xFFFFFF90;
	s5 =	rddreg [dreg:$0x1a]  }
0xf0: {  	[tilespmem:s22], [sflag:$0x8] =	stream.indirect.gather [hbm4b:s6+s10], $0x80, s25, s10, $0xb8;
	[tilespmem:$0x1EF80] =	vst v63  }
.LBB2_4:
0xf1: {  	_ =	swait.ge [sflag:s8], $0x70  }
0xf2: {  	[sflag:s8] =	ssyncset.done $0x0  }
0xf3: {  	[sflag:s8] =	ssyncadd.s32 $0xFFFFFF90  }
0xf4: {  	_ =	swait.ge [sflag:s8], $0x70  }
0xf5: {  	[sflag:s8] =	ssyncset.done $0x0  }
0xf6: {  	s23 =	simm.s32 $0x100;
	[sflag:s8] =	ssyncadd.s32 $0xFFFFFF90  }
0xf7: {  	[tilespmem:s9], [sflag:$0x9] =	stream.indirect.gather [hbm4b:s6+s10], $0x80, s23, s10, $0xb8;
	[tilespmem:$0x1EF80] =	vst v63  }
0xf8: {  	_ =	swait.ge [sflag:s11], $0x3800  }
0xf9: {  	[sflag:s11] =	ssyncset.done $0x0  }
0xfa: {  	s24 =	simm.s32 $0x300;
	[sflag:s11] =	ssyncadd.s32 $0xFFFFC800  }
0xfb: {  	[spmem:s1] =	stream.indirect.scatter.add.f32 [tilespmem:s7], [sflag:$0xA], $0x80, s24, s10, $0xb8;
	[tilespmem:$0x1EF80] =	vst v63  }
0xfc: {  	p1 =	seq.s32 s4, $0x984;
	_ =	swait.ge [sflag:s21], $0x3800  }
0xfd: {  	s24 =	sshrl.u32 @!p1 s5, $0x3;
	[sflag:s21] =	ssyncset.done $0x0  }
0xfe: {  	s23 =	simm.s32 @!p1 $0x0;
	s25 =	sadd.s32 @!p1 s31, s24;
	[sflag:s21] =	ssyncadd.s32 $0xFFFFC800  }
0xff: {  	[tilespmem:s23], [sflag:$0x1] =	stream.linear.gather @!p1 [hbm4b:s25+s23], $0x70, $0x38;
	[tilespmem:$0x1EF80] =	vst v63  }
0x100: {  	s24 =	sadd.s32 @!p1 s2, s24;
	s25 =	simm.s32 @!p1 $0x300  }
0x101: {  	[tilespmem:s25], [sflag:$0x1] =	stream.linear.gather @!p1 [hbm4b:s24+s23], $0x70, $0x38;
	[tilespmem:$0x1EF80] =	vst v63  }
0x102: {  	_ =	swait.ge [sflag:s12], $0x70  }
0x103: {  	[sflag:s12] =	ssyncset.done $0x0  }
0x104: {  	[sflag:s12] =	ssyncadd.s32 $0xFFFFFF90  }
0x105: {  	_ =	swait.ge [sflag:s12], $0x70  }
0x106: {  	[sflag:s12] =	ssyncset.done $0x0  }
0x107: {  	s25 =	simm.s32 $0x180;
	[sflag:s12] =	ssyncadd.s32 $0xFFFFFF90  }
0x108: {  	[tilespmem:s7], [sflag:$0x7] =	stream.indirect.gather [hbm4b:s6+s10], $0x80, s25, s10, $0xb8;
	[tilespmem:$0x1EF80] =	vst v63  }
0x109: {  	_ =	swait.ge [sflag:s13], $0x3800  }
0x10a: {  	[sflag:s13] =	ssyncset.done $0x0  }
0x10b: {  	s26 =	simm.s32 $0x380;
	[sflag:s13] =	ssyncadd.s32 $0xFFFFC800  }
0x10c: {  	[spmem:s1] =	stream.indirect.scatter.add.f32 [tilespmem:s22], [sflag:$0xA], $0x80, s26, s10, $0xb8;
	[tilespmem:$0x1EF80] =	vst v63  }
0x10d: {  	_ =	swait.ge [sflag:s21], $0x3800  }
0x10e: {  	[sflag:s21] =	ssyncset.done $0x0  }
0x10f: {  	s24 =	simm.s32 @!p1 $0x80;
	s25 =	sadd.s32 @!p1 s4, s3;
	[sflag:s21] =	ssyncadd.s32 $0xFFFFC800  }
0x110: {  	[tilespmem:s24], [sflag:$0x2] =	stream.linear.gather @!p1 [hbm4b:s25+s23], $0x70, $0x38;
	[tilespmem:$0x1EF80] =	vst v63  }
0x111: {  	s26 =	simm.s32 @!p1 $0x380;
	s25 =	sadd.s32 @!p1 s4, s0  }
0x112: {  	[tilespmem:s26], [sflag:$0x2] =	stream.linear.gather @!p1 [hbm4b:s25+s23], $0x70, $0x38;
	[tilespmem:$0x1EF80] =	vst v63  }
0x113: {  	_ =	swait.ge [sflag:s14], $0x70  }
0x114: {  	[sflag:s14] =	ssyncset.done $0x0  }
0x115: {  	[sflag:s14] =	ssyncadd.s32 $0xFFFFFF90  }
0x116: {  	_ =	swait.ge [sflag:s14], $0x70  }
0x117: {  	[sflag:s14] =	ssyncset.done $0x0  }
0x118: {  	s28 =	simm.s32 $0x200;
	[sflag:s14] =	ssyncadd.s32 $0xFFFFFF90  }
0x119: {  	[tilespmem:s22], [sflag:$0x8] =	stream.indirect.gather [hbm4b:s6+s10], $0x80, s28, s10, $0xb8;
	[tilespmem:$0x1EF80] =	vst v63  }
0x11a: {  	_ =	swait.ge [sflag:s15], $0x3800  }
0x11b: {  	[sflag:s15] =	ssyncset.done $0x0  }
0x11c: {  	s29 =	simm.s32 $0x400;
	[sflag:s15] =	ssyncadd.s32 $0xFFFFC800  }
0x11d: {  	[spmem:s1] =	stream.indirect.scatter.add.f32 [tilespmem:s9], [sflag:$0xA], $0x80, s29, s10, $0xb8;
	[tilespmem:$0x1EF80] =	vst v63  }
0x11e: {  	_ =	swait.ge [sflag:s21], $0x3800  }
0x11f: {  	[sflag:s21] =	ssyncset.done $0x0;
	s25 =	rddreg [dreg:$0x19]  }
0x120: {  	s26 =	simm.s32 @!p1 $0x100;
	[sflag:s21] =	ssyncadd.s32 $0xFFFFC800;
	s25 =	sadd.s32 @!p1 s4, s25  }
0x121: {  	[tilespmem:s26], [sflag:$0x3] =	stream.linear.gather @!p1 [hbm4b:s25+s23], $0x70, $0x38;
	[tilespmem:$0x1EF80] =	vst v63  }
0x122: {  	s25 =	rddreg [dreg:$0x18]  }
0x123: {  	s26 =	simm.s32 @!p1 $0x400;
	s25 =	sadd.s32 @!p1 s4, s25  }
0x124: {  	[tilespmem:s26], [sflag:$0x3] =	stream.linear.gather @!p1 [hbm4b:s25+s23], $0x70, $0x38;
	[tilespmem:$0x1EF80] =	vst v63  }
0x125: {  	_ =	swait.ge [sflag:s16], $0x70  }
0x126: {  	[sflag:s16] =	ssyncset.done $0x0  }
0x127: {  	[sflag:s16] =	ssyncadd.s32 $0xFFFFFF90  }
0x128: {  	_ =	swait.ge [sflag:s16], $0x70  }
0x129: {  	[sflag:s16] =	ssyncset.done $0x0  }
0x12a: {  	[sflag:s16] =	ssyncadd.s32 $0xFFFFFF90  }
0x12b: {  	[tilespmem:s9], [sflag:$0x9] =	stream.indirect.gather [hbm4b:s6+s10], $0x80, s17, s10, $0xb8;
	[tilespmem:$0x1EF80] =	vst v63  }
0x12c: {  	_ =	swait.ge [sflag:s11], $0x3800  }
0x12d: {  	[sflag:s11] =	ssyncset.done $0x0  }
0x12e: {  	s30 =	simm.s32 $0x480;
	[sflag:s11] =	ssyncadd.s32 $0xFFFFC800  }
0x12f: {  	[spmem:s1] =	stream.indirect.scatter.add.f32 [tilespmem:s7], [sflag:$0xA], $0x80, s30, s10, $0xb8;
	[tilespmem:$0x1EF80] =	vst v63  }
0x130: {  	_ =	swait.ge [sflag:s21], $0x3800  }
0x131: {  	[sflag:s21] =	ssyncset.done $0x0  }
0x132: {  	s25 =	simm.s32 @p1 $0x8;
	[sflag:s21] =	ssyncadd.s32 $0xFFFFC800  }
0x133: {  	_ =	swait.ge @p1 [sflag:s25], $0x3800  }
0x134: {  	s28 =	simm.s32 @p1 $0x3E00;
	[sflag:s25] =	ssyncset.done @p1 $0x0  }
0x135: {  	s26 =	simm.s32 @p1 $0x500;
	[sflag:s25] =	ssyncadd.s32 @p1 $0xFFFFC800;
	s25 =	simm.s32 @p1 $0x70  }
0x136: {  	[spmem:s1] =	stream.indirect.scatter.add.f32 @p1 [tilespmem:s28], [sflag:$0xA], $0x80, s26, s25, $0xb8;
	[tilespmem:$0x1EF80] =	vst v63  }
0x137: {  	s25 =	simm.s32 @p1 $0xA  }
0x138: {  	_ =	swait.ge @p1 [sflag:s25], $0x3800  }
0x139: {  	[sflag:s25] =	ssyncset.done @p1 $0x0  }
0x13a: {  	[sflag:s25] =	ssyncadd.s32 @p1 $0xFFFFC800;
	s25 =	rddreg [dreg:$0x17]  }
0x13b: {  	s26 =	simm.s32 @!p1 $0x180;
	s25 =	sadd.s32 @!p1 s4, s25  }
0x13c: {  	[tilespmem:s26], [sflag:$0x4] =	stream.linear.gather @!p1 [hbm4b:s25+s23], $0x70, $0x38;
	[tilespmem:$0x1EF80] =	vst v63  }
0x13d: {  	s25 =	rddreg [dreg:$0x16]  }
0x13e: {  	s26 =	simm.s32 @!p1 $0x480;
	s25 =	sadd.s32 @!p1 s4, s25  }
0x13f: {  	[tilespmem:s26], [sflag:$0x4] =	stream.linear.gather @!p1 [hbm4b:s25+s23], $0x70, $0x38;
	[tilespmem:$0x1EF80] =	vst v63  }
0x140: {  	s25 =	simm.s32 @!p1 $0x1  }
0x141: {  	_ =	swait.ge @!p1 [sflag:s25], $0x70  }
0x142: {  	[sflag:s25] =	ssyncset.done @!p1 $0x0  }
0x143: {  	[sflag:s25] =	ssyncadd.s32 @!p1 $0xFFFFFF90  }
0x144: {  	_ =	swait.ge @!p1 [sflag:s25], $0x70  }
0x145: {  	[sflag:s25] =	ssyncset.done @!p1 $0x0  }
0x146: {  	s26 =	simm.s32 @!p1 $0x600;
	[sflag:s25] =	ssyncadd.s32 @!p1 $0xFFFFFF90;
	s25 =	simm.s32 @!p1 $0x70  }
0x147: {  	[tilespmem:s26], [sflag:$0x7] =	stream.indirect.gather @!p1 [hbm4b:s6+s25], $0x80, s23, s25, $0xb8;
	[tilespmem:$0x1EF80] =	vst v63  }
0x148: {  	s26 =	simm.s32 @!p1 $0x8  }
0x149: {  	_ =	swait.ge @!p1 [sflag:s26], $0x3800  }
0x14a: {  	s29 =	simm.s32 @!p1 $0xA;
	[sflag:s26] =	ssyncset.done @!p1 $0x0  }
0x14b: {  	s28 =	simm.s32 @!p1 $0x3E00;
	[sflag:s26] =	ssyncadd.s32 @!p1 $0xFFFFC800;
	s26 =	simm.s32 @!p1 $0x500  }
0x14c: {  	[spmem:s1] =	stream.indirect.scatter.add.f32 @!p1 [tilespmem:s28], [sflag:$0xA], $0x80, s26, s25, $0xb8;
	[tilespmem:$0x1EF80] =	vst v63  }
0x14d: {  	_ =	swait.ge @!p1 [sflag:s29], $0x3800  }
0x14e: {  	[sflag:s29] =	ssyncset.done @!p1 $0x0  }
0x14f: {  	[sflag:s29] =	ssyncadd.s32 @!p1 $0xFFFFC800;
	s29 =	rddreg [dreg:$0x15]  }
0x150: {  	s30 =	simm.s32 @!p1 $0x200;
	s29 =	sadd.s32 @!p1 s4, s29  }
0x151: {  	[tilespmem:s30], [sflag:$0x5] =	stream.linear.gather @!p1 [hbm4b:s29+s23], $0x70, $0x38;
	[tilespmem:$0x1EF80] =	vst v63  }
0x152: {  	s29 =	rddreg [dreg:$0x14]  }
0x153: {  	s29 =	sadd.s32 @!p1 s4, s29  }
0x154: {  	[tilespmem:s26], [sflag:$0x5] =	stream.linear.gather @!p1 [hbm4b:s29+s23], $0x70, $0x38;
	[tilespmem:$0x1EF80] =	vst v63  }
0x155: {  	s23 =	simm.s32 @!p1 $0x2  }
0x156: {  	_ =	swait.ge @!p1 [sflag:s23], $0x70  }
0x157: {  	[sflag:s23] =	ssyncset.done @!p1 $0x0  }
0x158: {  	[sflag:s23] =	ssyncadd.s32 @!p1 $0xFFFFFF90  }
0x159: {  	_ =	swait.ge @!p1 [sflag:s23], $0x70  }
0x15a: {  	[sflag:s23] =	ssyncset.done @!p1 $0x0  }
0x15b: {  	[sflag:s23] =	ssyncadd.s32 @!p1 $0xFFFFFF90  }
0x15c: {  	[tilespmem:s28], [sflag:$0x8] =	stream.indirect.gather @!p1 [hbm4b:s6+s25], $0x80, s24, s25, $0xb8;
	[tilespmem:$0x1EF80] =	vst v63  }
0x15d: {  	_ =	swait.ge [sflag:s15], $0x3800  }
0x15e: {  	[sflag:s15] =	ssyncset.done $0x0  }
.Ltmp3:
0x15f: {  	[sflag:s15] =	ssyncadd.s32 $0xFFFFC800;
	(pc) =	sbr.rel @p1 .LBB2_6-.Ltmp3, $4  }
0x160: {  	[spmem:s1] =	stream.indirect.scatter.add.f32 [tilespmem:s9], [sflag:$0xA], $0x80, s18, s10, $0xb8;
	[tilespmem:$0x1EF80] =	vst v63  }
0x161: {  	_ =	swait.ge [sflag:s21], $0x3800  }
0x162: {  	[sflag:s21] =	ssyncset.done $0x0  }
0x163: {  	[sflag:s21] =	ssyncadd.s32 $0xFFFFC800  }
.Ltmp4:
0x164: {  	s23 =	rddreg [dreg:$0x13];
	(pc) =	sbr.rel .LBB2_4-.Ltmp4, $4  }
0x165: {  	s24 =	simm.s32 $0x0;
	s30 =	rddreg [dreg:$0x12];
	s23 =	sadd.s32 s4, s23  }
0x166: {  	[tilespmem:s17], [sflag:$0x6] =	stream.linear.gather [hbm4b:s23+s24], $0x70, $0x38;
	[tilespmem:$0x1EF80] =	vst v63  }
0x167: {  	s5 =	sadd.s32 $0x2A0, s5;
	s23 =	sadd.s32 s4, s30;
	s4 =	sadd.s32 $0x54, s4  }
0x168: {  	[tilespmem:s18], [sflag:$0x6] =	stream.linear.gather [hbm4b:s23+s24], $0x70, $0x38;
	[tilespmem:$0x1EF80] =	vst v63  }
.LBB2_7:
0x169: {  	_ =	sfence.sel $0x180000  }
0x16a: {  	[bflag:$0x0] =	sbarrier.arrive $0xFFFF  }
0x16b: {  	_ =	strace $0x9000004A  }
0x16c: {  	[bflag:$0x2] =	sbarrier.arrive $0xFFFF  }
0x16d: {  	s0 =	rddreg [dreg:$0x2]  }
0x16e: {  	s0 =	sadd.s32 @!p0 $0x100000, s0  }
0x16f: {  	[sflag:s0] =	ssyncadd.tile.s32 @!p0 $0x1;
	_ =	shalt  }
.Lfunc_end2:
_tile_overlayer_lowered:
.L_overlay_start_2:
0x170: {  	(tag) =	ssettag $0x2  }
0x171: {  	s0 =	rddreg [dreg:$0x0];
	s2 =	stileid.u32  }
0x172: {  	s1 =	rddreg [dreg:$0x1];
	p0 =	sne.s32 s2, $0x0  }
0x173: {  	s3 =	rddreg [dreg:$0x2];
	[bflag:$0x3] =	sbarrier.arrive $0xFFFF;
	s2 =	simm.s32 @!p0 $0x1C0A  }
0x174: {  	[timem:s3], [sflag:s2] =	dma.local @!p0 [hbm:s0], s1  }
0x175: {  	s0 =	simm.s32 @!p0 $0xA  }
0x176: {  	_ =	swait.ge @!p0 [sflag:s0], s1  }
0x177: {  	s1 =	ssub.s32 @!p0 $0x0, s1;
	[sflag:s0] =	ssyncset.done @!p0 $0x0  }
0x178: {  	[sflag:s0] =	ssyncadd.s32 @!p0 s1  }
0x179: {  	[bflag:$0x3] =	sbarrier.arrive $0xFFFF  }
0x17a: {  	_ =	shalt  }

// kernel: kernel.7.cloned.1.call-start
scs
__scs_entry_jumppad:
0x0: {  	(pc) =	sbr.rel $0x88, $3  }
0x1: {  	(tag) =	ssettag $0x0;
	lr =	simm.s32 $0x1  }
0x2: {  	[smem:$0x3F9B] =	sst lr;
	_ =	strace $0xD0000000  }
0x3: {  	_ = 	snop  }
0x4: {  	_ = 	snop  }
0x5: {  	_ = 	snop  }
0x6: {  	_ = 	snop  }
0x7: {  	_ = 	snop  }
__scs_overlays_trampoline_lowered:
0x8: {  	[smem:$0x3FAA] =	sst s0  }
0x9: {  	[smem:$0x3FAB] =	sst s1  }
0xa: {  	[smem:$0x3FAC] =	sst s2  }
0xb: {  	[smem:$0x3FAD] =	sst s3  }
0xc: {  	[smem:$0x3FAE] =	sst s4  }
0xd: {  	[smem:$0x3FAF] =	sst s5  }
0xe: {  	[smem:$0x3FB0] =	sst s6  }
0xf: {  	[smem:$0x3FB1] =	sst s7  }
0x10: {  	[smem:$0x3FB2] =	sst s8  }
0x11: {  	[smem:$0x3FB3] =	sst s9;
	s0 =	simm.s32 @!p0 $0x0  }
0x12: {  	s1 =	sld [smem:$0x3F99];
	s0 =	simm.s32 @p0 $0x1  }
0x13: {  	[smem:$0x3FB4] =	sst s0;
	s0 =	simm.s32 @!p1 $0x0  }
0x14: {  	s2 =	sld [smem:$0x3F98];
	s0 =	simm.s32 @p1 $0x1  }
0x15: {  	[smem:$0x3FB5] =	sst s0;
	s0 =	simm.s32 @!p2 $0x0  }
0x16: {  	s3 =	sld [smem:$0x3FDB];
	s0 =	simm.s32 @p2 $0x1  }
0x17: {  	s4 =	simm.s32 $0x1BF5;
	[smem:$0x3FB7] =	sst s0  }
0x18: {  	s0 =	sld [smem:$0x3F9A];
	_ =	swait.ge [sflag:s4], $0x0  }
0x19: {  	s7 =	sld [smem:$0x3F9B]  }
0x1a: {  	s8 =	sadd.s32 $0xFFFFE003, lr  }
0x1b: {  	s9 =	sadd.s32 $0xFFFFFEF7, lr;
	s5 =	simm.s32 $0xFFFFFFFF;
	p2 =	slt.u32 s8, $0xFFFFF086  }
0x1c: {  	p1 =	slt.u32 s9, $0xF7A;
	s5 =	simm.s32 @!p2 $0x0  }
0x1d: {  	s5 =	simm.s32 @p1 $0x1;
	p0 =	seq.s32 s7, s2  }
0x1e: {  	s7 =	smul.u32 @!p0 $0xF7A, s2;
	p2 =	seq.s32 @!p0 s5, $0x0  }
0x1f: {  	s9 =	smul.u32 $0xF7A, s1;
	s8 =	simm.s32 @!p0 $0x1BF5;
	p2 =	por !p2, p0  }
0x20: {  	[sflag:s8] =	ssyncset.s32 @!p0 $0xFFFFF086;
	s6 =	sadd.s32 @!p0 s3, s7;
	s7 =	simm.s32 @!p0 $0x108  }
0x21: {  	s3 =	sadd.s32 s3, s9;
	s6 =	sadd.s32 @!p0 $0x88, s6;
	s7 =	simm.s32 @p2 $0x1082  }
0x22: {  	[simem:s7], [sflag:s8] =	dma.local @!p0 [hbm:s6], $0xF7A  }
0x23: {  	s9 =	sor.u32 $0xD0000000, s2;
	s6 =	simm.s32 $0x108;
	_ =	swait.ge @!p0 [sflag:s8], $0x0  }
0x24: {  	s3 =	sadd.s32 $0x88, s3;
	s6 =	simm.s32 @!p1 $0x1082;
	[sflag:s4] =	ssyncset.s32 $0xFFFFF086  }
0x25: {  	[simem:s6], [sflag:s4] =	dma.local [hbm:s3], $0xF7A  }
0x26: {  	[smem:$0x3F9B] =	sst s1;
	(tag) =	ssettag s2;
	_ =	strace s9  }
0x27: {  	s1 =	sld [smem:$0x3FAB]  }
0x28: {  	s2 =	sld [smem:$0x3FAC]  }
0x29: {  	s4 =	sld [smem:$0x3FAE]  }
0x2a: {  	p0 =	seq.s32 s5, $0x0;
	s5 =	sld [smem:$0x3FAF]  }
0x2b: {  	s6 =	sld [smem:$0x3FB0]  }
0x2c: {  	s7 =	sld [smem:$0x3FB1]  }
0x2d: {  	s3 =	simm.s32 $0x108;
	s8 =	sld [smem:$0x3FB2]  }
0x2e: {  	s3 =	simm.s32 @!p0 $0x1082;
	s9 =	sld [smem:$0x3FB3]  }
0x2f: {  	lr =	sadd.s32 s0, s3;
	s0 =	sld [smem:$0x3FAA]  }
0x30: {  	s3 =	sld [smem:$0x3FAD]  }
0x31: {  	[smem:$0x3FB6] =	sst s10  }
0x32: {  	s10 =	sld [smem:$0x3FB4];
	_ =	sdelay $0x3  }
0x33: {  	p0 =	seq.s32 s10, $0x1;
	s10 =	sld [smem:$0x3FB6];
	_ =	sdelay $0x3  }
0x34: {  	[smem:$0x3FB6] =	sst s10  }
0x35: {  	s10 =	sld [smem:$0x3FB5];
	_ =	sdelay $0x3  }
0x36: {  	p1 =	seq.s32 s10, $0x1;
	s10 =	sld [smem:$0x3FB6];
	_ =	sdelay $0x3  }
0x37: {  	[smem:$0x3FB6] =	sst s10  }
0x38: {  	s10 =	sld [smem:$0x3FB7]  }
0x39: {  	_ = 	snop;
	(pc) =	sbr.ind lr, $3  }
0x3a: {  	_ = 	snop  }
0x3b: {  	_ = 	snop  }
0x3c: {  	p2 =	seq.s32 s10, $0x1;
	s10 =	sld [smem:$0x3FB6]  }
0x3d: {  	_ =	shalt  }
0x3e: {  	_ =	shalt  }
0x3f: {  	_ =	shalt  }
0x40: {  	_ =	shalt  }
0x41: {  	_ =	shalt  }
0x42: {  	_ =	shalt  }
0x43: {  	_ =	shalt  }
0x44: {  	_ =	shalt  }
0x45: {  	_ =	shalt  }
0x46: {  	_ =	shalt  }
0x47: {  	_ =	shalt  }
0x48: {  	_ =	shalt  }
0x49: {  	_ =	shalt  }
0x4a: {  	_ =	shalt  }
0x4b: {  	_ =	shalt  }
0x4c: {  	_ =	shalt  }
0x4d: {  	_ =	shalt  }
0x4e: {  	_ =	shalt  }
0x4f: {  	_ =	shalt  }
0x50: {  	_ =	shalt  }
0x51: {  	_ =	shalt  }
0x52: {  	_ =	shalt  }
0x53: {  	_ =	shalt  }
0x54: {  	_ =	shalt  }
0x55: {  	_ =	shalt  }
0x56: {  	_ =	shalt  }
0x57: {  	_ =	shalt  }
0x58: {  	_ =	shalt  }
0x59: {  	_ =	shalt  }
0x5a: {  	_ =	shalt  }
0x5b: {  	_ =	shalt  }
0x5c: {  	_ =	shalt  }
0x5d: {  	_ =	shalt  }
0x5e: {  	_ =	shalt  }
0x5f: {  	_ =	shalt  }
0x60: {  	_ =	shalt  }
0x61: {  	_ =	shalt  }
0x62: {  	_ =	shalt  }
0x63: {  	_ =	shalt  }
0x64: {  	_ =	shalt  }
0x65: {  	_ =	shalt  }
0x66: {  	_ =	shalt  }
0x67: {  	_ =	shalt  }
0x68: {  	_ =	shalt  }
0x69: {  	_ =	shalt  }
0x6a: {  	_ =	shalt  }
0x6b: {  	_ =	shalt  }
0x6c: {  	_ =	shalt  }
0x6d: {  	_ =	shalt  }
0x6e: {  	_ =	shalt  }
0x6f: {  	_ =	shalt  }
0x70: {  	_ =	shalt  }
0x71: {  	_ =	shalt  }
0x72: {  	_ =	shalt  }
0x73: {  	_ =	shalt  }
0x74: {  	_ =	shalt  }
0x75: {  	_ =	shalt  }
0x76: {  	_ =	shalt  }
0x77: {  	_ =	shalt  }
0x78: {  	_ =	shalt  }
0x79: {  	_ =	shalt  }
0x7a: {  	_ =	shalt  }
0x7b: {  	_ =	shalt  }
0x7c: {  	_ =	shalt  }
0x7d: {  	_ =	shalt  }
0x7e: {  	_ =	shalt  }
0x7f: {  	_ =	shalt  }
0x80: {  	_ =	shalt  }
0x81: {  	_ =	shalt  }
0x82: {  	_ =	shalt  }
0x83: {  	_ =	shalt  }
0x84: {  	_ =	shalt  }
0x85: {  	_ =	shalt  }
0x86: {  	_ =	shalt  }
0x87: {  	_ =	shalt  }
.Lfunc_end0:
.L_simem_size_0:
called_computation_lowered:
.L_overlay_start_0:
0x88: {  	s2 =	sld [smem:$0x3FD9]  }
0x89: {  	s3 =	sld [smem:$0x3FFE];
	_ =	sdelay $0x1  }
0x8a: {  	s1 =	srdreg.scid  }
0x8b: {  	s0 =	sand.u32 $0x1, s1  }
0x8c: {  	s17 =	sshll.u32 s0, $0xA;
	s2 =	sadd.s32 s3, s2  }
0x8d: {  	s2 =	sadd.s32 s2, s17  }
0x8e: {  	[smem:$0x3FC2] =	sst s2  }
0x8f: {  	_ = 	snop  }
0x90: {  	s2 =	sld [smem:$0x3FD0];
	(tm) =	ssettm $0x1  }
0x91: {  	s18 =	sld [smem:$0x3FFB];
	_ =	sdelay $0x3  }
0x92: {  	_ =	strace s18  }
0x93: {  	s3 =	sld [smem:$0x3FFC];
	_ =	sdelay $0x3  }
0x94: {  	_ =	strace s3  }
0x95: {  	s3 =	sld [smem:$0x3FFD];
	_ =	sdelay $0x3  }
0x96: {  	_ =	strace s3  }
0x97: {  	_ =	strace $0x8FFFFFFF  }
0x98: {  	s19 =	sld [smem:$0x3FDB];
	_ =	sdelay $0x1  }
0x99: {  	s4 =	simm.s32 $_scs_section_size  }
0x9a: {  	s5 =	simm.s32 $_size__tile_overlayer_lowered;
	s6 =	simm.s32 $_tile_overlayer_lowered  }
0x9b: {  	s22 =	simm.s32 $0x1BFF;
	s21 =	sshll.u32 s6, $0x1;
	s3 =	sadd.s32 s4, s19  }
0x9c: {  	s7 =	simm.s32 $0x0;
	s20 =	sshll.u32 s5, $0x1;
	s5 =	sadd.s32 s21, s3  }
0x9d: {  	[timem:s7], [sflag:s22] =	dma.local [hbm:s5], s20  }
0x9e: {  	_ =	swait.ge [sflag:s22], s20  }
0x9f: {  	s4 =	ssub.s32 $0x0, s20;
	[sflag:s22] =	ssyncset.done $0x0  }
0xa0: {  	[sflag:s22] =	ssyncadd.s32 s4;
	_ =	sdelay $0x1  }
0xa1: {  	s23 =	simm.s32 $0x1B8B  }
0xa2: {  	_ =	swait.ge [sflag:s23], $0x1  }
0xa3: {  	[sflag:s23] =	ssyncset.done $0x0  }
0xa4: {  	s25 =	simm.s32 $0x1B8E;
	s24 =	sld [smem:$0x3FFE];
	[sflag:s23] =	ssyncadd.s32 $0xFFFFFFFF  }
0xa5: {  	s26 =	simm.s32 $execute0_lowered;
	[smem:$0x3FD2] =	sst s25  }
0xa6: {  	s5 =	sshll.u32 s26, $0x1;
	_ =	strace $0x80000046;
	[dreg:$0x1] =	wrdreg $0xFFFFFFFF  }
0xa7: {  	s28 =	simm.s32 $_size_execute0_lowered;
	s3 =	sadd.s32 s3, s5;
	[dreg:$0x0] =	wrdreg $0x0  }
0xa8: {  	s5 =	sshll.u32 s28, $0x1;
	[dreg:$0x2] =	wrdreg s3  }
0xa9: {  	[dreg:$0x3] =	wrdreg s5  }
0xaa: {  	[dreg:$0x4] =	wrdreg $0xC0  }
0xab: {  	_ =	task [dreg:s7], $0x5FFFF  }
0xac: {  	[dreg:$0x1] =	wrdreg $0xFFFFFFFF  }
0xad: {  	[dreg:$0x0] =	wrdreg $0x60  }
0xae: {  	[dreg:$0x2] =	wrdreg s2  }
0xaf: {  	[dreg:$0x3] =	wrdreg s24  }
0xb0: {  	[dreg:$0x4] =	wrdreg $0xEE000  }
0xb1: {  	[dreg:$0x5] =	wrdreg $0x9  }
0xb2: {  	_ =	task.clear_ibuf [dreg:s7], $0x6FFFF;
	_ =	strace $0x90000046  }
0xb3: {  	s29 =	simm.s32 $0x9;
	_ =	strace $0x80000048  }
0xb4: {  	_ =	swait.ge [sflag:s29], $0x1  }
0xb5: {  	[sflag:s29] =	ssyncadd.s32 $0xFFFFFFFF  }
0xb6: {  	_ =	strace $0x90000048  }
0xb7: {  	_ =	sfence  }
0xb8: {  	s30 =	sld [smem:$0x0];
	_ =	sdelay $0x2  }
0xb9: {  	s31 =	sshll.u32 s1, $0xD;
	s1 =	sshrl.u32 s1, $0x2  }
0xba: {  	s3 =	sand.u32 $0x4000, s31;
	s1 =	sadd.s32 s1, s30  }
0xbb: {  	s0 =	sor.u32 s3, s0;
	s1 =	sshll.u32 s1, $0x11  }
0xbc: {  	s0 =	sor.u32 s1, s0  }
0xbd: {  	s0 =	sadd.s32 $0x8F2B, s0  }
0xbe: {  	[sflag:s0] =	ssyncadd.remote.s32 $0x1  }
0xbf: {  	_ =	sfence.sel $0xFFFF  }
0xc0: {  	[dreg:$0x0] =	wrdreg $0xFFFFFFFF;
	(pc) =	sbr.abs _section_cstart, $3  }
0xc1: {  	[dreg:$0x1] =	wrdreg $0xFFFFFFFF  }
0xc2: {  	_ =	task.clear_ibuf [dreg:s7], $0x2FFFF;
	_ =	strace $0x9FFFFFFF  }
0xc3: {  	(tm) =	ssettm $0x7FFFFFFF  }
tec
execute0_lowered:
.L_overlay_start_1:
0x0: {  	(tag) =	ssettag $0x1  }
0x1: {  	s4 =	rddreg [dreg:$0x0];
	s0 =	srdreg.scid  }
0x2: {  	s5 =	rddreg [dreg:$0x1];
	s1 =	stileid.u32  }
0x3: {  	s2 =	rddreg [dreg:$0x2];
	s3 =	simm.s32 $0x0;
	s11 =	simm.s32 $0x50  }
0x4: {  	s12 =	simm.s32 $0xED00;
	s13 =	simm.s32 $0xED80;
	s14 =	simm.s32 $0xC500  }
0x5: {  	s6 =	sand.u32 $0x1, s0;
	s8 =	smul.u32 $0x4E20, s1;
	s0 =	rddreg [dreg:$0x3]  }
0x6: {  	[smem:$0x7FF] =	sst s3;
	s10 =	sshll.u32 s1, $0xB;
	s7 =	smul.u32 $0x5000, s6  }
0x7: {  	p0 =	sne.s32 s1, $0x0;
	p1 =	sgt.u32 s1, $0x9;
	s9 =	smul.u32 $0x9C400, s6  }
0x8: {  	_ =	strace $0x80000047;
	s6 =	ssub.s32 $0x2, s6;
	s15 =	sadd.s32 s10, s2  }
0x9: {  	s30 =	sshrl.u32 s6, $0x1;
	s15 =	sshrl.u32 @!p1 s15, $0x3;
	s7 =	sadd.s32 s7, s10  }
0xa: {  	v0 =	vlaneseq.u32;
	v1 =	vimm.f32 $0.0e+00;
	v11 =	vimm.f32 $1.000000000e+00;
	s8 =	sadd.s32 s9, s8;
	s31 =	ssub.s32 s6, s30;
	s9 =	simm.s32 $0x4E80  }
0xb: {  	v2 =	vor.u32 $0x50, v0;
	v3 =	vor.u32 $0x10, v0;
	v4 =	vor.u32 $0x60, v0;
	s10 =	simm.s32 $0x9D00;
	s7 =	sshrl.u32 s7, $0x3;
	s8 =	sshrl.u32 s8, $0x3  }
0xc: {  	v5 =	vor.u32 $0x20, v0;
	v6 =	vor.u32 $0x70, v0;
	v7 =	vor.u32 $0x30, v0;
	s7 =	sadd.s32 s7, s5;
	s4 =	sadd.s32 s4, s8;
	s8 =	simm.s32 $0x1  }
0xd: {  	v8 =	vor.u32 $0x80, v0;
	v9 =	vor.u32 $0x40, v0;
	v10 =	vor.u32 $0x90, v0;
	s5 =	sadd.s32 $0x9C40, s4;
	s6 =	sadd.s32 $0xC00, s7;
	s7 =	smax.u32 s31, $0x1  }
.LBB2_1:
0xe: {  	s16 =	simm.s32 $0x0;
	s17 =	simm.s32 $0x200  }
.LBB2_2:
0xf: {  	p2 =	sne.s32 s17, $0x13E00;
	[tilespmem:s16+$0x9D70] =	vst v1  }
0x10: {  	[tilespmem:s16+$0x9D00] =	vst v1  }
0x11: {  	[tilespmem:s16+$0x9D10] =	vst v1  }
.Ltmp0:
0x12: {  	[tilespmem:s16+$0x9D20] =	vst v1;
	(pc) =	sbr.rel @p2 .LBB2_2-.Ltmp0, $4  }
0x13: {  	[tilespmem:s16+$0x9D30] =	vst v1  }
0x14: {  	[tilespmem:s16+$0x9D40] =	vst v1  }
0x15: {  	[tilespmem:s16+$0x9D50] =	vst v1  }
0x16: {  	[tilespmem:s16+$0x9D60] =	vst v1;
	s16 =	sshra.s32 s17, $0x2;
	s17 =	sadd.s32 $0x200, s17  }
0x17: {  	[tilespmem:s16+$0x9D70] =	vst v1  }
0x18: {  	[tilespmem:s16+$0x9D00] =	vst v1  }
0x19: {  	[tilespmem:s16+$0x9D10] =	vst v1  }
0x1a: {  	[tilespmem:s16+$0x9D20] =	vst v1  }
0x1b: {  	[tilespmem:s16+$0x9D30] =	vst v1  }
0x1c: {  	[tilespmem:s16+$0x9D40] =	vst v1  }
0x1d: {  	[tilespmem:s16+$0x9D50] =	vst v1  }
0x1e: {  	[tilespmem:s16+$0x9D60] =	vst v1  }
0x1f: {  	[tilespmem:$0xED00] =	vst v0  }
0x20: {  	[tilespmem:$0xED80] =	vst v2  }
0x21: {  	[tilespmem:$0xED10] =	vst v3  }
0x22: {  	[tilespmem:$0xED90] =	vst v4  }
0x23: {  	[tilespmem:$0xED20] =	vst v5  }
0x24: {  	[tilespmem:$0xEDA0] =	vst v6  }
0x25: {  	[tilespmem:$0xED30] =	vst v7  }
0x26: {  	[tilespmem:$0xEDB0] =	vst v8  }
0x27: {  	[tilespmem:$0xED40] =	vst v9  }
0x28: {  	s16 =	simm.s32 @!p0 $0x9D00;
	[tilespmem:$0xEDC0] =	vst v10  }
0x29: {  	[spmem:s2] =	stream.linear.scatter @!p0 [tilespmem:s16], [sflag:$0x1], $0x5000, $0x38;
	[tilespmem:$0xF300] =	vst v63  }
0x2a: {  	s16 =	simm.s32 @!p0 $0x1  }
0x2b: {  	_ =	swait.ge @!p0 [sflag:s16], $0x5000  }
0x2c: {  	[sflag:s16] =	ssyncset.done @!p0 $0x0  }
0x2d: {  	[sflag:s16] =	ssyncadd.s32 @!p0 $0xFFFFB000;
	s16 =	simm.s32 $0x0  }
0x2e: {  	[tilespmem:s16], [sflag:$0x1] =	stream.linear.gather [hbm4b:s4+s16], $0x4E20, $0x38;
	[tilespmem:$0xF300] =	vst v63  }
0x2f: {  	_ =	swait.ge [sflag:s8], $0x4E20  }
0x30: {  	[sflag:s8] =	ssyncset.done $0x0  }
0x31: {  	[sflag:s8] =	ssyncadd.s32 $0xFFFFB1E0  }
0x32: {  	[tilespmem:s9], [sflag:$0x1] =	stream.linear.gather [hbm4b:s5+s16], $0x4E20, $0x38;
	[tilespmem:$0xF300] =	vst v63  }
0x33: {  	_ =	swait.ge [sflag:s8], $0x4E20  }
0x34: {  	[sflag:s8] =	ssyncset.done $0x0  }
0x35: {  	s17 =	simm.s32 $0x0;
	[sflag:s8] =	ssyncadd.s32 $0xFFFFB1E0  }
.LBB2_4:
0x36: {  	s18 =	sshra.s32 s17, $0x2  }
0x37: {  	v12 =	vld [tilespmem:s18+$0x0];
	_ =	sdelay $0x7  }
0x38: {  	[tilespmem:v12+s10+$0x0] =	vst.idx.add.f32.msk $0xffff, v11  }
0x39: {  	v12 =	vld [tilespmem:s18+$0x10];
	_ =	sdelay $0x7  }
0x3a: {  	[tilespmem:v12+s10+$0x0] =	vst.idx.add.f32.msk $0xffff, v11  }
0x3b: {  	v12 =	vld [tilespmem:s18+$0x20];
	_ =	sdelay $0x7  }
0x3c: {  	[tilespmem:v12+s10+$0x0] =	vst.idx.add.f32.msk $0xffff, v11  }
0x3d: {  	v12 =	vld [tilespmem:s18+$0x30];
	_ =	sdelay $0x2  }
0x3e: {  	p2 =	sne.s32 s17, $0x13700  }
.Ltmp1:
0x3f: {  	_ = 	snop;
	(pc) =	sbr.rel @p2 .LBB2_4-.Ltmp1, $2  }
0x40: {  	_ =	sdelay $0x2  }
0x41: {  	s17 =	sadd.s32 $0x100, s17;
	[tilespmem:v12+s10+$0x0] =	vst.idx.add.f32.msk $0xffff, v11  }
.LBB2_5:
0x42: {  	s17 =	sshra.s32 s16, $0x2  }
0x43: {  	v12 =	vld [tilespmem:s17+$0x4E80];
	_ =	sdelay $0x4  }
0x44: {  	v12 =	vadd.s32 $0x2800, v12;
	_ =	sdelay $0x4  }
0x45: {  	[tilespmem:v12+s10+$0x0] =	vst.idx.add.f32.msk $0xffff, v11  }
0x46: {  	v12 =	vld [tilespmem:s17+$0x4E90];
	_ =	sdelay $0x4  }
0x47: {  	v12 =	vadd.s32 $0x2800, v12;
	_ =	sdelay $0x4  }
0x48: {  	[tilespmem:v12+s10+$0x0] =	vst.idx.add.f32.msk $0xffff, v11  }
0x49: {  	v12 =	vld [tilespmem:s17+$0x4EA0];
	_ =	sdelay $0x4  }
0x4a: {  	v12 =	vadd.s32 $0x2800, v12;
	_ =	sdelay $0x4  }
0x4b: {  	[tilespmem:v12+s10+$0x0] =	vst.idx.add.f32.msk $0xffff, v11  }
0x4c: {  	v12 =	vld [tilespmem:s17+$0x4EB0];
	_ =	sdelay $0x4  }
0x4d: {  	p2 =	sne.s32 s16, $0x13700;
	v12 =	vadd.s32 $0x2800, v12  }
.Ltmp2:
0x4e: {  	_ = 	snop;
	(pc) =	sbr.rel @p2 .LBB2_5-.Ltmp2, $2  }
0x4f: {  	_ =	sdelay $0x2  }
0x50: {  	s16 =	sadd.s32 $0x100, s16;
	[tilespmem:v12+s10+$0x0] =	vst.idx.add.f32.msk $0xffff, v11  }
0x51: {  	[bflag:$0x0] =	sbarrier.arrive $0xFFFF  }
0x52: {  	[spmem:s2] =	stream.indirect.scatter.add.f32 [tilespmem:s10], [sflag:$0x1], $0x80, s12, s11, $0xb8;
	[tilespmem:$0xF300] =	vst v63  }
0x53: {  	_ =	swait.ge [sflag:s8], $0x2800  }
0x54: {  	[sflag:s8] =	ssyncset.done $0x0  }
0x55: {  	[sflag:s8] =	ssyncadd.s32 $0xFFFFD800  }
0x56: {  	[spmem:s2] =	stream.indirect.scatter.add.f32 [tilespmem:s14], [sflag:$0x1], $0x80, s13, s11, $0xb8;
	[tilespmem:$0xF300] =	vst v63  }
0x57: {  	_ =	swait.ge [sflag:s8], $0x2800  }
0x58: {  	[sflag:s8] =	ssyncset.done $0x0  }
0x59: {  	s16 =	sshll.u32 @!p1 s1, $0x6;
	s3 =	sadd.s32 $0x1, s3;
	[sflag:s8] =	ssyncadd.s32 $0xFFFFD800  }
0x5a: {  	s16 =	sor.u32 @!p1 $0x1C01, s16;
	p2 =	sne.s32 s3, s7;
	[bflag:$0x0] =	sbarrier.arrive $0xFFFF  }
0x5b: {  	[hbm:s6], [sflag:s16] =	dma.local @!p1 [spmem:s15], $0x100  }
.Ltmp3:
0x5c: {  	_ = 	snop;
	(pc) =	sbr.rel @p2 .LBB2_1-.Ltmp3, $4  }
0x5d: {  	s16 =	simm.s32 @!p1 $0x1  }
0x5e: {  	_ =	swait.ge @!p1 [sflag:s16], $0x100  }
0x5f: {  	[sflag:s16] =	ssyncset.done @!p1 $0x0  }
0x60: {  	[sflag:s16] =	ssyncadd.s32 @!p1 $0xFFFFFF00  }
0x61: {  	_ =	sfence.sel $0x180000  }
0x62: {  	[bflag:$0x0] =	sbarrier.arrive $0xFFFF  }
0x63: {  	_ =	strace $0x90000047  }
0x64: {  	s0 =	sadd.s32 @!p0 $0x100000, s0;
	[bflag:$0x2] =	sbarrier.arrive $0xFFFF  }
0x65: {  	[sflag:s0] =	ssyncadd.tile.s32 @!p0 $0x1;
	_ =	shalt  }
.Lfunc_end2:
_tile_overlayer_lowered:
.L_overlay_start_2:
0x66: {  	(tag) =	ssettag $0x2  }
0x67: {  	s0 =	rddreg [dreg:$0x0];
	s2 =	stileid.u32  }
0x68: {  	s1 =	rddreg [dreg:$0x1];
	p0 =	sne.s32 s2, $0x0  }
0x69: {  	s3 =	rddreg [dreg:$0x2];
	[bflag:$0x3] =	sbarrier.arrive $0xFFFF;
	s2 =	simm.s32 @!p0 $0x1C01  }
0x6a: {  	[timem:s3], [sflag:s2] =	dma.local @!p0 [hbm:s0], s1  }
0x6b: {  	s0 =	simm.s32 @!p0 $0x1  }
0x6c: {  	_ =	swait.ge @!p0 [sflag:s0], s1  }
0x6d: {  	s1 =	ssub.s32 @!p0 $0x0, s1;
	[sflag:s0] =	ssyncset.done @!p0 $0x0  }
0x6e: {  	[sflag:s0] =	ssyncadd.s32 @!p0 s1  }
0x6f: {  	[bflag:$0x3] =	sbarrier.arrive $0xFFFF  }
0x70: {  	_ =	shalt  }

</sc_bundles>
